<compile_context>
chip_gen: v7x
topology: tpu7x:2x2x1
jax: 0.10.2.dev20260603
libtpu: 0.0.44.dev20260713+nightly
codegen_flags: <defaults>
</compile_context>

<pallas_src>
import jax
import jax.numpy as jnp
from jax import lax
from jax.experimental import pallas as pl
from jax.experimental.pallas import tpu as pltpu
from jax.experimental.pallas import tpu_sc as plsc

_ALPHA = 6.26
_D = 32768
_B = 128
_L = 16
_GROUPS = 128
_VPG = 16
_NSUB = 32
_ROWS_PER_W = _B // _NSUB
_GV = _GROUPS // _L


def _iota16():
    return lax.broadcasted_iota(jnp.int32, (_L,), 0)


def _splat_i32(x):
    return jnp.broadcast_to(x, (_L,)).astype(jnp.int32)


def _splat_f32(x):
    return jnp.broadcast_to(x, (_L,)).astype(jnp.float32)


def _store1(ref, pos, val, i16):
    plsc.store_scatter(ref, [_splat_i32(pos)], val, mask=i16 == 0)


def _sc_body(x_hbm, o_hbm, row_a, row_b, out_v, maxbuf, minbuf,
             pos_a, pos_b, neg_a, neg_b, nval_a, nval_b,
             sem_a, sem_b, osem):
    i16 = _iota16()
    wid = lax.axis_index("c") * 16 + lax.axis_index("s")
    row0 = wid * _ROWS_PER_W

    pltpu.async_copy(x_hbm.at[row0], row_a, sem_a)

    @plsc.parallel_loop(0, _GROUPS, 1, unroll=2)
    def _zero_block(i):
        for k in range(_VPG):
            out_v[pl.ds(i * (_VPG * _L) + k * _L, _L)] = \
                jnp.zeros((_L,), jnp.float32)

    def process(row, row_v, posidx, negidx, negval,
                zidx, znidx, drain_prev, zero_prev):

        zv = jnp.zeros((_L,), jnp.float32)

        def p1_group(g, carry):
            s_all, s_abs, m_all, mn_all = carry
            base = g * (_VPG * _L)
            v = row_v[pl.ds(base, _L)]
            gmx = v
            gmn = v
            sa = v
            sb = jnp.abs(v)
            for k in range(1, _VPG):
                v = row_v[pl.ds(base + k * _L, _L)]
                gmx = jnp.maximum(gmx, v)
                gmn = jnp.minimum(gmn, v)
                sa = sa + v
                sb = sb + jnp.abs(v)
            plsc.store_scatter(maxbuf, [i16 * _GROUPS + g], gmx)
            plsc.store_scatter(minbuf, [i16 * _GROUPS + g], gmn)
            return (s_all + sa, s_abs + sb,
                    jnp.maximum(m_all, gmx), jnp.minimum(mn_all, gmn))

        s_all, s_abs, m_all, mn_all = plsc.parallel_loop(
            0, _GROUPS, 1, unroll=2,
            carry=(zv, zv, jnp.full((_L,), -jnp.inf, jnp.float32),
                   jnp.full((_L,), jnp.inf, jnp.float32)))(p1_group)
        sum_all = jnp.sum(s_all)
        sum_abs = jnp.sum(s_abs)
        s_pos = 0.5 * (sum_abs + sum_all)
        s_negsum = 0.5 * (sum_all - sum_abs)

        def side(buf, m_vec, idx_list, val_list, is_max, i, acc):
            red = jnp.max if is_max else jnp.min
            m = red(m_vec)
            l_v = plsc.all_reduce_ffs(m_vec == m)
            found = jnp.full((_L,), _GROUPS, jnp.int32)
            gvs = []
            for t in range(_GV):
                gvec = plsc.load_gather(
                    buf, [l_v * _GROUPS + (t * _L) + i16])
                gvs.append(gvec)
                found = jnp.minimum(
                    found, jnp.where(gvec == m, i16 + t * _L, _GROUPS))
            g_v = _splat_i32(jnp.min(found))
            base_v = g_v * (_VPG * _L) + l_v
            didx = base_v + i16 * _L
            v = plsc.load_gather(row_v, [didx])
            kl_v = plsc.all_reduce_ffs(v == m)
            elem_v = base_v + kl_v * _L
            v2 = jnp.where(i16 == kl_v, 0.0, v)
            plsc.store_scatter(row_v, [didx], v2)
            newm = _splat_f32(red(v2))
            _store1(buf, l_v * _GROUPS + g_v, newm, i16)
            _store1(idx_list, i, elem_v, i16)
            if val_list is not None:
                _store1(val_list, i, _splat_f32(m), i16)
            lacc = None
            for t in range(_GV):
                gm = jnp.where(t * _L + i16 == g_v, newm, gvs[t])
                lacc = gm if lacc is None else (
                    jnp.maximum(lacc, gm) if is_max
                    else jnp.minimum(lacc, gm))
            ml = red(lacc)
            m_vec = jnp.where(i16 == l_v, ml, m_vec)
            acc = acc + (elem_v.astype(jnp.float32) if is_max
                         else _splat_f32(m))
            return m_vec, acc

        def step(i, carry):
            mx_vec, accp, mn_vec, accn = carry
            mx_vec, accp = side(maxbuf, mx_vec, posidx, None, True, i, accp)
            mn_vec, accn = side(minbuf, mn_vec, negidx, negval, False, i,
                                accn)
            return (mx_vec, accp, mn_vec, accn)

        _, accp, _, accn = lax.fori_loop(
            0, 32, step, (m_all, zv, mn_all, zv))
        sum_idx = jnp.max(accp)
        sum_m = jnp.min(accn)

        pos_tmp = _ALPHA * (s_pos - sum_idx)
        neg_tmp = _ALPHA * (sum_m - s_negsum)

        if drain_prev:
            def do_drain():
                pltpu.make_async_copy(out_v, o_hbm.at[row], osem).wait()
                for t in range(2):
                    opi = zidx[pl.ds(t * _L, _L)]
                    plsc.store_scatter(out_v, [opi],
                                       jnp.zeros((_L,), jnp.float32))
                    oni = znidx[pl.ds(t * _L, _L)]
                    plsc.store_scatter(out_v, [oni],
                                       jnp.zeros((_L,), jnp.float32))

            if zero_prev is None:
                do_drain()
            else:
                pl.when(zero_prev)(do_drain)

        for t in range(2):
            pidx = posidx[pl.ds(t * _L, _L)]
            plsc.store_scatter(out_v, [pidx],
                               pidx.astype(jnp.float32) + pos_tmp)
            nidx = negidx[pl.ds(t * _L, _L)]
            nval = negval[pl.ds(t * _L, _L)]
            plsc.store_scatter(out_v, [nidx], nval - neg_tmp)

        pltpu.async_copy(out_v, o_hbm.at[row], osem)

    def pair(t, _):
        ra = row0 + 2 * t
        rb = ra + 1

        pltpu.make_async_copy(x_hbm.at[ra], row_a, sem_a).wait()
        pltpu.async_copy(x_hbm.at[rb], row_b, sem_b)
        process(ra, row_a, pos_a, neg_a, nval_a,
                pos_b, neg_b, drain_prev=True, zero_prev=t > 0)

        pltpu.make_async_copy(x_hbm.at[rb], row_b, sem_b).wait()

        @pl.when(t + 1 < _ROWS_PER_W // 2)
        def _():
            pltpu.async_copy(x_hbm.at[rb + 1], row_a, sem_a)

        process(rb, row_b, pos_b, neg_b, nval_b,
                pos_a, neg_a, drain_prev=True, zero_prev=None)
        return 0

    lax.fori_loop(0, _ROWS_PER_W // 2, pair, 0)
    pltpu.make_async_copy(out_v, o_hbm.at[row0], osem).wait()


def kernel(x):
    mesh = plsc.VectorSubcoreMesh(core_axis_name="c", subcore_axis_name="s",
                                  num_cores=2, num_subcores=16)
    f = pl.kernel(
        _sc_body,
        out_type=jax.ShapeDtypeStruct((_B, _D), jnp.float32),
        mesh=mesh,
        compiler_params=pltpu.CompilerParams(use_tc_tiling_on_sc=True,
                                             needs_layout_passes=False),
        scratch_types=[
            pltpu.VMEM((_D,), jnp.float32),
            pltpu.VMEM((_D,), jnp.float32),
            pltpu.VMEM((_D,), jnp.float32),
            pltpu.VMEM((_GROUPS * _L,), jnp.float32),
            pltpu.VMEM((_GROUPS * _L,), jnp.float32),
            pltpu.VMEM((32,), jnp.int32),
            pltpu.VMEM((32,), jnp.int32),
            pltpu.VMEM((32,), jnp.int32),
            pltpu.VMEM((32,), jnp.int32),
            pltpu.VMEM((32,), jnp.float32),
            pltpu.VMEM((32,), jnp.float32),
            pltpu.SemaphoreType.DMA,
            pltpu.SemaphoreType.DMA,
            pltpu.SemaphoreType.DMA,
        ],
    )
    return f(x)

# --- scband reference (transcript-rebuilt; emitter-appended) ---
"""Pipeline reference for scband-kcompetitive-layer-53094385713529 (READ-ONLY COPY).

The authoritative reference and input builder live on the scoring server;
editing this copy changes nothing except your own understanding.
"""

import jax, jax.numpy as jnp
import numpy as np

KTOP = 64
ALPHA = 6.26


def setup_inputs(seed: int = 0) -> dict:
    key = jax.random.key(seed)
    x = jax.random.normal(key, (128, 32768), dtype=jnp.float32)
    return {"x": x}


def reference(x):
    B, D = x.shape
    ktop = min(KTOP, D)
    pos_k = ktop // 2
    neg_k = ktop - pos_k

    # ----- positive branch -----
    pos_vals = (x + jnp.abs(x)) / 2.0
    _, pos_idx = jax.lax.top_k(pos_vals, pos_k)
    # NOTE: the original torch code overwrites POS_topk_values with the
    # *indices* tensor (POS_topk_values = POS_topk_indices.cuda()).
    # We replicate that behavior faithfully.
    pos_topk_vals = pos_idx.astype(x.dtype)
    rows_pos = jnp.tile(jnp.arange(B)[:, None], (1, pos_k))
    pos_reset0 = jnp.zeros_like(x).at[rows_pos, pos_idx].add(pos_topk_vals)
    pos_tmp = ALPHA * jnp.sum(pos_vals - pos_reset0, axis=1, keepdims=True)
    pos_reset = jnp.zeros_like(x).at[rows_pos, pos_idx].add(pos_topk_vals + pos_tmp)

    # ----- negative branch -----
    neg_vals = (x - jnp.abs(x)) / 2.0
    neg_topk_vals, neg_idx = jax.lax.top_k(-neg_vals, neg_k)
    rows_neg = jnp.tile(jnp.arange(B)[:, None], (1, neg_k))
    neg_reset0 = jnp.zeros_like(x).at[rows_neg, neg_idx].add(neg_topk_vals)
    neg_tmp = ALPHA * jnp.sum(-neg_vals - neg_reset0, axis=1, keepdims=True)
    neg_reset = jnp.zeros_like(x).at[rows_neg, neg_idx].add(neg_topk_vals + neg_tmp)

    return pos_reset - neg_reset

if __name__ == "__main__":
    import jax
    _d = setup_inputs()
    print(jax.jit(kernel)(*tuple(_d.values())))

</pallas_src>

<mosaic_0001>
#map = affine_map<(d0, d1) -> (0, 0)>
module attributes {stable_mosaic.version = 14 : i64} {
  func.func @_sc_body(%arg0: i32, %arg1: i32, %arg2: memref<128x32768xf32, #tpu.memory_space<hbm>>, %arg3: memref<128x32768xf32, #tpu.memory_space<hbm>>, %arg4: memref<32768xf32, #tpu.memory_space<vmem>>, %arg5: memref<32768xf32, #tpu.memory_space<vmem>>, %arg6: memref<32768xf32, #tpu.memory_space<vmem>>, %arg7: memref<2048xf32, #tpu.memory_space<vmem>>, %arg8: memref<2048xf32, #tpu.memory_space<vmem>>, %arg9: memref<32xi32, #tpu.memory_space<vmem>>, %arg10: memref<32xi32, #tpu.memory_space<vmem>>, %arg11: memref<32xi32, #tpu.memory_space<vmem>>, %arg12: memref<32xi32, #tpu.memory_space<vmem>>, %arg13: memref<32xf32, #tpu.memory_space<vmem>>, %arg14: memref<32xf32, #tpu.memory_space<vmem>>, %arg15: memref<!tpu.dma_semaphore, #tpu.memory_space<semaphore_mem>>, %arg16: memref<!tpu.dma_semaphore, #tpu.memory_space<semaphore_mem>>, %arg17: memref<!tpu.dma_semaphore, #tpu.memory_space<semaphore_mem>>) attributes {dimension_semantics = [#tpu.dimension_semantics<core_parallel>, #tpu.dimension_semantics<subcore_parallel>], iteration_bounds = array<i64: 2, 16>, scalar_prefetch = 0 : i64, scratch_operands = 14 : i64, tpu.core_type = #tpu.core_type<sc_vector_subcore>, window_params = [{transform_indices = #map}, {transform_indices = #map}]} {
    %iota3A = tpu.iota {dimensions = array<i32: 0>} : vector<16xi32>
    %mul3A = arith.constant 16 : i32
    %mul3A_0 = arith.muli %arg0, %mul3A : i32
    %add3A = arith.addi %mul3A_0, %arg1 : i32
    %mul3A_1 = arith.constant 4 : i32
    %mul3A_2 = arith.muli %add3A, %mul3A_1 : i32
    %dma_start3A = arith.constant 0 : i32
    %dma_start3A_3 = tpu.memref_slice %arg2[%mul3A_2, %dma_start3A] : memref<128x32768xf32, #tpu.memory_space<hbm>> -> memref<1x32768xf32, #tpu.memory_space<hbm>>
    %dma_start3A_4 = tpu.memref_squeeze %dma_start3A_3 : memref<1x32768xf32, #tpu.memory_space<hbm>> -> memref<32768xf32, #tpu.memory_space<hbm>>
    %dma_start3A_5 = arith.constant 0 : i32
    %dma_start3A_6 = tpu.memref_slice %arg2[%mul3A_2, %dma_start3A_5] : memref<128x32768xf32, #tpu.memory_space<hbm>> -> memref<1x32768xf32, #tpu.memory_space<hbm>>
    %dma_start3A_7 = tpu.memref_squeeze %dma_start3A_6 : memref<1x32768xf32, #tpu.memory_space<hbm>> -> memref<32768xf32, #tpu.memory_space<hbm>>
    tpu.enqueue_dma source(%dma_start3A_7 : memref<32768xf32, #tpu.memory_space<hbm>>) target(%arg4 : memref<32768xf32, #tpu.memory_space<vmem>>) target_semaphore(%arg15 : memref<!tpu.dma_semaphore, #tpu.memory_space<semaphore_mem>>)
    %parallel_loop3A = arith.constant 0 : i32
    %parallel_loop3A_8 = arith.constant 128 : i32
    %parallel_loop3A_9 = arith.constant 1 : i32
    scf.for %parallel_loop3A_21 = %parallel_loop3A to %parallel_loop3A_8 step %parallel_loop3A_9  : i32 {
      %parallel_loop3A_22 = arith.constant 0.000000e+00 : f32
      %parallel_loop3A_23 = vector.broadcast %parallel_loop3A_22 : f32 to vector<16xf32>
      %parallel_loop3A_24 = arith.constant 256 : i32
      %parallel_loop3A_25 = arith.muli %parallel_loop3A_21, %parallel_loop3A_24 : i32
      %parallel_loop3A_26 = arith.constant 0 : i32
      %parallel_loop3A_27 = arith.addi %parallel_loop3A_25, %parallel_loop3A_26 : i32
      %parallel_loop3A_28 = arith.index_cast %parallel_loop3A_27 : i32 to index
      %parallel_loop3A_29 = tpu.vector_load %arg6[%parallel_loop3A_28] {strides = array<i32>} : memref<32768xf32, #tpu.memory_space<vmem>>, vector<16xf32>,
      tpu.vector_store %arg6[%parallel_loop3A_28], %parallel_loop3A_23 {strides = array<i32>} : memref<32768xf32, #tpu.memory_space<vmem>>, vector<16xf32>,
      %parallel_loop3A_30 = arith.constant 0.000000e+00 : f32
      %parallel_loop3A_31 = vector.broadcast %parallel_loop3A_30 : f32 to vector<16xf32>
      %parallel_loop3A_32 = arith.constant 256 : i32
      %parallel_loop3A_33 = arith.muli %parallel_loop3A_21, %parallel_loop3A_32 : i32
      %parallel_loop3A_34 = arith.constant 16 : i32
      %parallel_loop3A_35 = arith.addi %parallel_loop3A_33, %parallel_loop3A_34 : i32
      %parallel_loop3A_36 = arith.index_cast %parallel_loop3A_35 : i32 to index
      %parallel_loop3A_37 = tpu.vector_load %arg6[%parallel_loop3A_36] {strides = array<i32>} : memref<32768xf32, #tpu.memory_space<vmem>>, vector<16xf32>,
      tpu.vector_store %arg6[%parallel_loop3A_36], %parallel_loop3A_31 {strides = array<i32>} : memref<32768xf32, #tpu.memory_space<vmem>>, vector<16xf32>,
      %parallel_loop3A_38 = arith.constant 0.000000e+00 : f32
      %parallel_loop3A_39 = vector.broadcast %parallel_loop3A_38 : f32 to vector<16xf32>
      %parallel_loop3A_40 = arith.constant 256 : i32
      %parallel_loop3A_41 = arith.muli %parallel_loop3A_21, %parallel_loop3A_40 : i32
      %parallel_loop3A_42 = arith.constant 32 : i32
      %parallel_loop3A_43 = arith.addi %parallel_loop3A_41, %parallel_loop3A_42 : i32
      %parallel_loop3A_44 = arith.index_cast %parallel_loop3A_43 : i32 to index
      %parallel_loop3A_45 = tpu.vector_load %arg6[%parallel_loop3A_44] {strides = array<i32>} : memref<32768xf32, #tpu.memory_space<vmem>>, vector<16xf32>,
      tpu.vector_store %arg6[%parallel_loop3A_44], %parallel_loop3A_39 {strides = array<i32>} : memref<32768xf32, #tpu.memory_space<vmem>>, vector<16xf32>,
      %parallel_loop3A_46 = arith.constant 0.000000e+00 : f32
      %parallel_loop3A_47 = vector.broadcast %parallel_loop3A_46 : f32 to vector<16xf32>
      %parallel_loop3A_48 = arith.constant 256 : i32
      %parallel_loop3A_49 = arith.muli %parallel_loop3A_21, %parallel_loop3A_48 : i32
      %parallel_loop3A_50 = arith.constant 48 : i32
      %parallel_loop3A_51 = arith.addi %parallel_loop3A_49, %parallel_loop3A_50 : i32
      %parallel_loop3A_52 = arith.index_cast %parallel_loop3A_51 : i32 to index
      %parallel_loop3A_53 = tpu.vector_load %arg6[%parallel_loop3A_52] {strides = array<i32>} : memref<32768xf32, #tpu.memory_space<vmem>>, vector<16xf32>,
      tpu.vector_store %arg6[%parallel_loop3A_52], %parallel_loop3A_47 {strides = array<i32>} : memref<32768xf32, #tpu.memory_space<vmem>>, vector<16xf32>,
      %parallel_loop3A_54 = arith.constant 0.000000e+00 : f32
      %parallel_loop3A_55 = vector.broadcast %parallel_loop3A_54 : f32 to vector<16xf32>
      %parallel_loop3A_56 = arith.constant 256 : i32
      %parallel_loop3A_57 = arith.muli %parallel_loop3A_21, %parallel_loop3A_56 : i32
      %parallel_loop3A_58 = arith.constant 64 : i32
      %parallel_loop3A_59 = arith.addi %parallel_loop3A_57, %parallel_loop3A_58 : i32
      %parallel_loop3A_60 = arith.index_cast %parallel_loop3A_59 : i32 to index
      %parallel_loop3A_61 = tpu.vector_load %arg6[%parallel_loop3A_60] {strides = array<i32>} : memref<32768xf32, #tpu.memory_space<vmem>>, vector<16xf32>,
      tpu.vector_store %arg6[%parallel_loop3A_60], %parallel_loop3A_55 {strides = array<i32>} : memref<32768xf32, #tpu.memory_space<vmem>>, vector<16xf32>,
      %parallel_loop3A_62 = arith.constant 0.000000e+00 : f32
      %parallel_loop3A_63 = vector.broadcast %parallel_loop3A_62 : f32 to vector<16xf32>
      %parallel_loop3A_64 = arith.constant 256 : i32
      %parallel_loop3A_65 = arith.muli %parallel_loop3A_21, %parallel_loop3A_64 : i32
      %parallel_loop3A_66 = arith.constant 80 : i32
      %parallel_loop3A_67 = arith.addi %parallel_loop3A_65, %parallel_loop3A_66 : i32
      %parallel_loop3A_68 = arith.index_cast %parallel_loop3A_67 : i32 to index
      %parallel_loop3A_69 = tpu.vector_load %arg6[%parallel_loop3A_68] {strides = array<i32>} : memref<32768xf32, #tpu.memory_space<vmem>>, vector<16xf32>,
      tpu.vector_store %arg6[%parallel_loop3A_68], %parallel_loop3A_63 {strides = array<i32>} : memref<32768xf32, #tpu.memory_space<vmem>>, vector<16xf32>,
      %parallel_loop3A_70 = arith.constant 0.000000e+00 : f32
      %parallel_loop3A_71 = vector.broadcast %parallel_loop3A_70 : f32 to vector<16xf32>
      %parallel_loop3A_72 = arith.constant 256 : i32
      %parallel_loop3A_73 = arith.muli %parallel_loop3A_21, %parallel_loop3A_72 : i32
      %parallel_loop3A_74 = arith.constant 96 : i32
      %parallel_loop3A_75 = arith.addi %parallel_loop3A_73, %parallel_loop3A_74 : i32
      %parallel_loop3A_76 = arith.index_cast %parallel_loop3A_75 : i32 to index
      %parallel_loop3A_77 = tpu.vector_load %arg6[%parallel_loop3A_76] {strides = array<i32>} : memref<32768xf32, #tpu.memory_space<vmem>>, vector<16xf32>,
      tpu.vector_store %arg6[%parallel_loop3A_76], %parallel_loop3A_71 {strides = array<i32>} : memref<32768xf32, #tpu.memory_space<vmem>>, vector<16xf32>,
      %parallel_loop3A_78 = arith.constant 0.000000e+00 : f32
      %parallel_loop3A_79 = vector.broadcast %parallel_loop3A_78 : f32 to vector<16xf32>
      %parallel_loop3A_80 = arith.constant 256 : i32
      %parallel_loop3A_81 = arith.muli %parallel_loop3A_21, %parallel_loop3A_80 : i32
      %parallel_loop3A_82 = arith.constant 112 : i32
      %parallel_loop3A_83 = arith.addi %parallel_loop3A_81, %parallel_loop3A_82 : i32
      %parallel_loop3A_84 = arith.index_cast %parallel_loop3A_83 : i32 to index
      %parallel_loop3A_85 = tpu.vector_load %arg6[%parallel_loop3A_84] {strides = array<i32>} : memref<32768xf32, #tpu.memory_space<vmem>>, vector<16xf32>,
      tpu.vector_store %arg6[%parallel_loop3A_84], %parallel_loop3A_79 {strides = array<i32>} : memref<32768xf32, #tpu.memory_space<vmem>>, vector<16xf32>,
      %parallel_loop3A_86 = arith.constant 0.000000e+00 : f32
      %parallel_loop3A_87 = vector.broadcast %parallel_loop3A_86 : f32 to vector<16xf32>
      %parallel_loop3A_88 = arith.constant 256 : i32
      %parallel_loop3A_89 = arith.muli %parallel_loop3A_21, %parallel_loop3A_88 : i32
      %parallel_loop3A_90 = arith.constant 128 : i32
      %parallel_loop3A_91 = arith.addi %parallel_loop3A_89, %parallel_loop3A_90 : i32
      %parallel_loop3A_92 = arith.index_cast %parallel_loop3A_91 : i32 to index
      %parallel_loop3A_93 = tpu.vector_load %arg6[%parallel_loop3A_92] {strides = array<i32>} : memref<32768xf32, #tpu.memory_space<vmem>>, vector<16xf32>,
      tpu.vector_store %arg6[%parallel_loop3A_92], %parallel_loop3A_87 {strides = array<i32>} : memref<32768xf32, #tpu.memory_space<vmem>>, vector<16xf32>,
      %parallel_loop3A_94 = arith.constant 0.000000e+00 : f32
      %parallel_loop3A_95 = vector.broadcast %parallel_loop3A_94 : f32 to vector<16xf32>
      %parallel_loop3A_96 = arith.constant 256 : i32
      %parallel_loop3A_97 = arith.muli %parallel_loop3A_21, %parallel_loop3A_96 : i32
      %parallel_loop3A_98 = arith.constant 144 : i32
      %parallel_loop3A_99 = arith.addi %parallel_loop3A_97, %parallel_loop3A_98 : i32
      %parallel_loop3A_100 = arith.index_cast %parallel_loop3A_99 : i32 to index
      %parallel_loop3A_101 = tpu.vector_load %arg6[%parallel_loop3A_100] {strides = array<i32>} : memref<32768xf32, #tpu.memory_space<vmem>>, vector<16xf32>,
      tpu.vector_store %arg6[%parallel_loop3A_100], %parallel_loop3A_95 {strides = array<i32>} : memref<32768xf32, #tpu.memory_space<vmem>>, vector<16xf32>,
      %parallel_loop3A_102 = arith.constant 0.000000e+00 : f32
      %parallel_loop3A_103 = vector.broadcast %parallel_loop3A_102 : f32 to vector<16xf32>
      %parallel_loop3A_104 = arith.constant 256 : i32
      %parallel_loop3A_105 = arith.muli %parallel_loop3A_21, %parallel_loop3A_104 : i32
      %parallel_loop3A_106 = arith.constant 160 : i32
      %parallel_loop3A_107 = arith.addi %parallel_loop3A_105, %parallel_loop3A_106 : i32
      %parallel_loop3A_108 = arith.index_cast %parallel_loop3A_107 : i32 to index
      %parallel_loop3A_109 = tpu.vector_load %arg6[%parallel_loop3A_108] {strides = array<i32>} : memref<32768xf32, #tpu.memory_space<vmem>>, vector<16xf32>,
      tpu.vector_store %arg6[%parallel_loop3A_108], %parallel_loop3A_103 {strides = array<i32>} : memref<32768xf32, #tpu.memory_space<vmem>>, vector<16xf32>,
      %parallel_loop3A_110 = arith.constant 0.000000e+00 : f32
      %parallel_loop3A_111 = vector.broadcast %parallel_loop3A_110 : f32 to vector<16xf32>
      %parallel_loop3A_112 = arith.constant 256 : i32
      %parallel_loop3A_113 = arith.muli %parallel_loop3A_21, %parallel_loop3A_112 : i32
      %parallel_loop3A_114 = arith.constant 176 : i32
      %parallel_loop3A_115 = arith.addi %parallel_loop3A_113, %parallel_loop3A_114 : i32
      %parallel_loop3A_116 = arith.index_cast %parallel_loop3A_115 : i32 to index
      %parallel_loop3A_117 = tpu.vector_load %arg6[%parallel_loop3A_116] {strides = array<i32>} : memref<32768xf32, #tpu.memory_space<vmem>>, vector<16xf32>,
      tpu.vector_store %arg6[%parallel_loop3A_116], %parallel_loop3A_111 {strides = array<i32>} : memref<32768xf32, #tpu.memory_space<vmem>>, vector<16xf32>,
      %parallel_loop3A_118 = arith.constant 0.000000e+00 : f32
      %parallel_loop3A_119 = vector.broadcast %parallel_loop3A_118 : f32 to vector<16xf32>
      %parallel_loop3A_120 = arith.constant 256 : i32
      %parallel_loop3A_121 = arith.muli %parallel_loop3A_21, %parallel_loop3A_120 : i32
      %parallel_loop3A_122 = arith.constant 192 : i32
      %parallel_loop3A_123 = arith.addi %parallel_loop3A_121, %parallel_loop3A_122 : i32
      %parallel_loop3A_124 = arith.index_cast %parallel_loop3A_123 : i32 to index
      %parallel_loop3A_125 = tpu.vector_load %arg6[%parallel_loop3A_124] {strides = array<i32>} : memref<32768xf32, #tpu.memory_space<vmem>>, vector<16xf32>,
      tpu.vector_store %arg6[%parallel_loop3A_124], %parallel_loop3A_119 {strides = array<i32>} : memref<32768xf32, #tpu.memory_space<vmem>>, vector<16xf32>,
      %parallel_loop3A_126 = arith.constant 0.000000e+00 : f32
      %parallel_loop3A_127 = vector.broadcast %parallel_loop3A_126 : f32 to vector<16xf32>
      %parallel_loop3A_128 = arith.constant 256 : i32
      %parallel_loop3A_129 = arith.muli %parallel_loop3A_21, %parallel_loop3A_128 : i32
      %parallel_loop3A_130 = arith.constant 208 : i32
      %parallel_loop3A_131 = arith.addi %parallel_loop3A_129, %parallel_loop3A_130 : i32
      %parallel_loop3A_132 = arith.index_cast %parallel_loop3A_131 : i32 to index
      %parallel_loop3A_133 = tpu.vector_load %arg6[%parallel_loop3A_132] {strides = array<i32>} : memref<32768xf32, #tpu.memory_space<vmem>>, vector<16xf32>,
      tpu.vector_store %arg6[%parallel_loop3A_132], %parallel_loop3A_127 {strides = array<i32>} : memref<32768xf32, #tpu.memory_space<vmem>>, vector<16xf32>,
      %parallel_loop3A_134 = arith.constant 0.000000e+00 : f32
      %parallel_loop3A_135 = vector.broadcast %parallel_loop3A_134 : f32 to vector<16xf32>
      %parallel_loop3A_136 = arith.constant 256 : i32
      %parallel_loop3A_137 = arith.muli %parallel_loop3A_21, %parallel_loop3A_136 : i32
      %parallel_loop3A_138 = arith.constant 224 : i32
      %parallel_loop3A_139 = arith.addi %parallel_loop3A_137, %parallel_loop3A_138 : i32
      %parallel_loop3A_140 = arith.index_cast %parallel_loop3A_139 : i32 to index
      %parallel_loop3A_141 = tpu.vector_load %arg6[%parallel_loop3A_140] {strides = array<i32>} : memref<32768xf32, #tpu.memory_space<vmem>>, vector<16xf32>,
      tpu.vector_store %arg6[%parallel_loop3A_140], %parallel_loop3A_135 {strides = array<i32>} : memref<32768xf32, #tpu.memory_space<vmem>>, vector<16xf32>,
      %parallel_loop3A_142 = arith.constant 0.000000e+00 : f32
      %parallel_loop3A_143 = vector.broadcast %parallel_loop3A_142 : f32 to vector<16xf32>
      %parallel_loop3A_144 = arith.constant 256 : i32
      %parallel_loop3A_145 = arith.muli %parallel_loop3A_21, %parallel_loop3A_144 : i32
      %parallel_loop3A_146 = arith.constant 240 : i32
      %parallel_loop3A_147 = arith.addi %parallel_loop3A_145, %parallel_loop3A_146 : i32
      %parallel_loop3A_148 = arith.index_cast %parallel_loop3A_147 : i32 to index
      %parallel_loop3A_149 = tpu.vector_load %arg6[%parallel_loop3A_148] {strides = array<i32>} : memref<32768xf32, #tpu.memory_space<vmem>>, vector<16xf32>,
      tpu.vector_store %arg6[%parallel_loop3A_148], %parallel_loop3A_143 {strides = array<i32>} : memref<32768xf32, #tpu.memory_space<vmem>>, vector<16xf32>,
    } {sc.loop_unroll_factor = 2 : i64, sc.parallel_access}
    %scan3A = arith.constant 0 : i32
    %scan3A_10 = arith.constant 0 : i32
    %scan3A_11 = arith.constant 2 : i32
    %scan3A_12 = arith.addi %scan3A_10, %scan3A_11 : i32
    %scan3A_13 = arith.constant 1 : i32
    %scan3A_14 = scf.for %scan3A_21 = %scan3A_10 to %scan3A_12 step %scan3A_13 iter_args(%scan3A_22 = %scan3A) -> (i32)  : i32 {
      %mul3A_23 = arith.constant 2 : i32
      %mul3A_24 = arith.muli %mul3A_23, %scan3A_21 : i32
      %add3A_25 = arith.addi %mul3A_2, %mul3A_24 : i32
      %add3A_26 = arith.constant 1 : i32
      %add3A_27 = arith.addi %add3A_25, %add3A_26 : i32
      %dma_wait3A_28 = arith.constant 0 : i32
      %dma_wait3A_29 = tpu.memref_slice %arg2[%add3A_25, %dma_wait3A_28] : memref<128x32768xf32, #tpu.memory_space<hbm>> -> memref<1x32768xf32, #tpu.memory_space<hbm>>
      %dma_wait3A_30 = tpu.memref_squeeze %dma_wait3A_29 : memref<1x32768xf32, #tpu.memory_space<hbm>> -> memref<32768xf32, #tpu.memory_space<hbm>>
      %dma_wait3A_31 = arith.constant 0 : i32
      %dma_wait3A_32 = tpu.memref_slice %arg2[%add3A_25, %dma_wait3A_31] : memref<128x32768xf32, #tpu.memory_space<hbm>> -> memref<1x32768xf32, #tpu.memory_space<hbm>>
      %dma_wait3A_33 = tpu.memref_squeeze %dma_wait3A_32 : memref<1x32768xf32, #tpu.memory_space<hbm>> -> memref<32768xf32, #tpu.memory_space<hbm>>
      tpu.wait_dma2 semaphore(%arg15 : memref<!tpu.dma_semaphore, #tpu.memory_space<semaphore_mem>>) src(%dma_wait3A_33 : memref<32768xf32, #tpu.memory_space<hbm>>) dst(%arg4 : memref<32768xf32, #tpu.memory_space<vmem>>)
      %dma_start3A_34 = arith.constant 0 : i32
      %dma_start3A_35 = tpu.memref_slice %arg2[%add3A_27, %dma_start3A_34] : memref<128x32768xf32, #tpu.memory_space<hbm>> -> memref<1x32768xf32, #tpu.memory_space<hbm>>
      %dma_start3A_36 = tpu.memref_squeeze %dma_start3A_35 : memref<1x32768xf32, #tpu.memory_space<hbm>> -> memref<32768xf32, #tpu.memory_space<hbm>>
      %dma_start3A_37 = arith.constant 0 : i32
      %dma_start3A_38 = tpu.memref_slice %arg2[%add3A_27, %dma_start3A_37] : memref<128x32768xf32, #tpu.memory_space<hbm>> -> memref<1x32768xf32, #tpu.memory_space<hbm>>
      %dma_start3A_39 = tpu.memref_squeeze %dma_start3A_38 : memref<1x32768xf32, #tpu.memory_space<hbm>> -> memref<32768xf32, #tpu.memory_space<hbm>>
      tpu.enqueue_dma source(%dma_start3A_39 : memref<32768xf32, #tpu.memory_space<hbm>>) target(%arg5 : memref<32768xf32, #tpu.memory_space<vmem>>) target_semaphore(%arg16 : memref<!tpu.dma_semaphore, #tpu.memory_space<semaphore_mem>>)
      %gt3A = arith.constant 0 : i32
      %gt3A_40 = arith.cmpi sgt, %scan3A_21, %gt3A : i32
      %broadcast_in_dim3A = arith.constant 0.000000e+00 : f32
      %broadcast_in_dim3A_41 = vector.broadcast %broadcast_in_dim3A : f32 to vector<16xf32>
      %broadcast_in_dim3A_42 = arith.constant 0xFF800000 : f32
      %broadcast_in_dim3A_43 = vector.broadcast %broadcast_in_dim3A_42 : f32 to vector<16xf32>
      %broadcast_in_dim3A_44 = arith.constant 0x7F800000 : f32
      %broadcast_in_dim3A_45 = vector.broadcast %broadcast_in_dim3A_44 : f32 to vector<16xf32>
      %parallel_loop3A_46 = arith.constant 0 : i32
      %parallel_loop3A_47 = arith.constant 128 : i32
      %parallel_loop3A_48 = arith.constant 1 : i32
      %parallel_loop3A_49:4 = scf.for %parallel_loop3A_215 = %parallel_loop3A_46 to %parallel_loop3A_47 step %parallel_loop3A_48 iter_args(%parallel_loop3A_216 = %broadcast_in_dim3A_41, %parallel_loop3A_217 = %broadcast_in_dim3A_41, %parallel_loop3A_218 = %broadcast_in_dim3A_43, %parallel_loop3A_219 = %broadcast_in_dim3A_45) -> (vector<16xf32>, vector<16xf32>, vector<16xf32>, vector<16xf32>)  : i32 {
        %parallel_loop3A_220 = arith.constant 256 : i32
        %parallel_loop3A_221 = arith.muli %parallel_loop3A_215, %parallel_loop3A_220 : i32
        %parallel_loop3A_222 = arith.index_cast %parallel_loop3A_221 : i32 to index
        %parallel_loop3A_223 = tpu.vector_load %arg4[%parallel_loop3A_222] {strides = array<i32>} : memref<32768xf32, #tpu.memory_space<vmem>>, vector<16xf32>,
        %parallel_loop3A_224 = math.absf %parallel_loop3A_223 : vector<16xf32>
        %parallel_loop3A_225 = arith.constant 16 : i32
        %parallel_loop3A_226 = arith.addi %parallel_loop3A_221, %parallel_loop3A_225 : i32
        %parallel_loop3A_227 = arith.index_cast %parallel_loop3A_226 : i32 to index
        %parallel_loop3A_228 = tpu.vector_load %arg4[%parallel_loop3A_227] {strides = array<i32>} : memref<32768xf32, #tpu.memory_space<vmem>>, vector<16xf32>,
        %parallel_loop3A_229 = arith.maximumf %parallel_loop3A_223, %parallel_loop3A_228 : vector<16xf32>
        %parallel_loop3A_230 = arith.minimumf %parallel_loop3A_223, %parallel_loop3A_228 : vector<16xf32>
        %parallel_loop3A_231 = arith.addf %parallel_loop3A_223, %parallel_loop3A_228 : vector<16xf32>
        %parallel_loop3A_232 = math.absf %parallel_loop3A_228 : vector<16xf32>
        %parallel_loop3A_233 = arith.addf %parallel_loop3A_224, %parallel_loop3A_232 : vector<16xf32>
        %parallel_loop3A_234 = arith.constant 32 : i32
        %parallel_loop3A_235 = arith.addi %parallel_loop3A_221, %parallel_loop3A_234 : i32
        %parallel_loop3A_236 = arith.index_cast %parallel_loop3A_235 : i32 to index
        %parallel_loop3A_237 = tpu.vector_load %arg4[%parallel_loop3A_236] {strides = array<i32>} : memref<32768xf32, #tpu.memory_space<vmem>>, vector<16xf32>,
        %parallel_loop3A_238 = arith.maximumf %parallel_loop3A_229, %parallel_loop3A_237 : vector<16xf32>
        %parallel_loop3A_239 = arith.minimumf %parallel_loop3A_230, %parallel_loop3A_237 : vector<16xf32>
        %parallel_loop3A_240 = arith.addf %parallel_loop3A_231, %parallel_loop3A_237 : vector<16xf32>
        %parallel_loop3A_241 = math.absf %parallel_loop3A_237 : vector<16xf32>
        %parallel_loop3A_242 = arith.addf %parallel_loop3A_233, %parallel_loop3A_241 : vector<16xf32>
        %parallel_loop3A_243 = arith.constant 48 : i32
        %parallel_loop3A_244 = arith.addi %parallel_loop3A_221, %parallel_loop3A_243 : i32
        %parallel_loop3A_245 = arith.index_cast %parallel_loop3A_244 : i32 to index
        %parallel_loop3A_246 = tpu.vector_load %arg4[%parallel_loop3A_245] {strides = array<i32>} : memref<32768xf32, #tpu.memory_space<vmem>>, vector<16xf32>,
        %parallel_loop3A_247 = arith.maximumf %parallel_loop3A_238, %parallel_loop3A_246 : vector<16xf32>
        %parallel_loop3A_248 = arith.minimumf %parallel_loop3A_239, %parallel_loop3A_246 : vector<16xf32>
        %parallel_loop3A_249 = arith.addf %parallel_loop3A_240, %parallel_loop3A_246 : vector<16xf32>
        %parallel_loop3A_250 = math.absf %parallel_loop3A_246 : vector<16xf32>
        %parallel_loop3A_251 = arith.addf %parallel_loop3A_242, %parallel_loop3A_250 : vector<16xf32>
        %parallel_loop3A_252 = arith.constant 64 : i32
        %parallel_loop3A_253 = arith.addi %parallel_loop3A_221, %parallel_loop3A_252 : i32
        %parallel_loop3A_254 = arith.index_cast %parallel_loop3A_253 : i32 to index
        %parallel_loop3A_255 = tpu.vector_load %arg4[%parallel_loop3A_254] {strides = array<i32>} : memref<32768xf32, #tpu.memory_space<vmem>>, vector<16xf32>,
        %parallel_loop3A_256 = arith.maximumf %parallel_loop3A_247, %parallel_loop3A_255 : vector<16xf32>
        %parallel_loop3A_257 = arith.minimumf %parallel_loop3A_248, %parallel_loop3A_255 : vector<16xf32>
        %parallel_loop3A_258 = arith.addf %parallel_loop3A_249, %parallel_loop3A_255 : vector<16xf32>
        %parallel_loop3A_259 = math.absf %parallel_loop3A_255 : vector<16xf32>
        %parallel_loop3A_260 = arith.addf %parallel_loop3A_251, %parallel_loop3A_259 : vector<16xf32>
        %parallel_loop3A_261 = arith.constant 80 : i32
        %parallel_loop3A_262 = arith.addi %parallel_loop3A_221, %parallel_loop3A_261 : i32
        %parallel_loop3A_263 = arith.index_cast %parallel_loop3A_262 : i32 to index
        %parallel_loop3A_264 = tpu.vector_load %arg4[%parallel_loop3A_263] {strides = array<i32>} : memref<32768xf32, #tpu.memory_space<vmem>>, vector<16xf32>,
        %parallel_loop3A_265 = arith.maximumf %parallel_loop3A_256, %parallel_loop3A_264 : vector<16xf32>
        %parallel_loop3A_266 = arith.minimumf %parallel_loop3A_257, %parallel_loop3A_264 : vector<16xf32>
        %parallel_loop3A_267 = arith.addf %parallel_loop3A_258, %parallel_loop3A_264 : vector<16xf32>
        %parallel_loop3A_268 = math.absf %parallel_loop3A_264 : vector<16xf32>
        %parallel_loop3A_269 = arith.addf %parallel_loop3A_260, %parallel_loop3A_268 : vector<16xf32>
        %parallel_loop3A_270 = arith.constant 96 : i32
        %parallel_loop3A_271 = arith.addi %parallel_loop3A_221, %parallel_loop3A_270 : i32
        %parallel_loop3A_272 = arith.index_cast %parallel_loop3A_271 : i32 to index
        %parallel_loop3A_273 = tpu.vector_load %arg4[%parallel_loop3A_272] {strides = array<i32>} : memref<32768xf32, #tpu.memory_space<vmem>>, vector<16xf32>,
        %parallel_loop3A_274 = arith.maximumf %parallel_loop3A_265, %parallel_loop3A_273 : vector<16xf32>
        %parallel_loop3A_275 = arith.minimumf %parallel_loop3A_266, %parallel_loop3A_273 : vector<16xf32>
        %parallel_loop3A_276 = arith.addf %parallel_loop3A_267, %parallel_loop3A_273 : vector<16xf32>
        %parallel_loop3A_277 = math.absf %parallel_loop3A_273 : vector<16xf32>
        %parallel_loop3A_278 = arith.addf %parallel_loop3A_269, %parallel_loop3A_277 : vector<16xf32>
        %parallel_loop3A_279 = arith.constant 112 : i32
        %parallel_loop3A_280 = arith.addi %parallel_loop3A_221, %parallel_loop3A_279 : i32
        %parallel_loop3A_281 = arith.index_cast %parallel_loop3A_280 : i32 to index
        %parallel_loop3A_282 = tpu.vector_load %arg4[%parallel_loop3A_281] {strides = array<i32>} : memref<32768xf32, #tpu.memory_space<vmem>>, vector<16xf32>,
        %parallel_loop3A_283 = arith.maximumf %parallel_loop3A_274, %parallel_loop3A_282 : vector<16xf32>
        %parallel_loop3A_284 = arith.minimumf %parallel_loop3A_275, %parallel_loop3A_282 : vector<16xf32>
        %parallel_loop3A_285 = arith.addf %parallel_loop3A_276, %parallel_loop3A_282 : vector<16xf32>
        %parallel_loop3A_286 = math.absf %parallel_loop3A_282 : vector<16xf32>
        %parallel_loop3A_287 = arith.addf %parallel_loop3A_278, %parallel_loop3A_286 : vector<16xf32>
        %parallel_loop3A_288 = arith.constant 128 : i32
        %parallel_loop3A_289 = arith.addi %parallel_loop3A_221, %parallel_loop3A_288 : i32
        %parallel_loop3A_290 = arith.index_cast %parallel_loop3A_289 : i32 to index
        %parallel_loop3A_291 = tpu.vector_load %arg4[%parallel_loop3A_290] {strides = array<i32>} : memref<32768xf32, #tpu.memory_space<vmem>>, vector<16xf32>,
        %parallel_loop3A_292 = arith.maximumf %parallel_loop3A_283, %parallel_loop3A_291 : vector<16xf32>
        %parallel_loop3A_293 = arith.minimumf %parallel_loop3A_284, %parallel_loop3A_291 : vector<16xf32>
        %parallel_loop3A_294 = arith.addf %parallel_loop3A_285, %parallel_loop3A_291 : vector<16xf32>
        %parallel_loop3A_295 = math.absf %parallel_loop3A_291 : vector<16xf32>
        %parallel_loop3A_296 = arith.addf %parallel_loop3A_287, %parallel_loop3A_295 : vector<16xf32>
        %parallel_loop3A_297 = arith.constant 144 : i32
        %parallel_loop3A_298 = arith.addi %parallel_loop3A_221, %parallel_loop3A_297 : i32
        %parallel_loop3A_299 = arith.index_cast %parallel_loop3A_298 : i32 to index
        %parallel_loop3A_300 = tpu.vector_load %arg4[%parallel_loop3A_299] {strides = array<i32>} : memref<32768xf32, #tpu.memory_space<vmem>>, vector<16xf32>,
        %parallel_loop3A_301 = arith.maximumf %parallel_loop3A_292, %parallel_loop3A_300 : vector<16xf32>
        %parallel_loop3A_302 = arith.minimumf %parallel_loop3A_293, %parallel_loop3A_300 : vector<16xf32>
        %parallel_loop3A_303 = arith.addf %parallel_loop3A_294, %parallel_loop3A_300 : vector<16xf32>
        %parallel_loop3A_304 = math.absf %parallel_loop3A_300 : vector<16xf32>
        %parallel_loop3A_305 = arith.addf %parallel_loop3A_296, %parallel_loop3A_304 : vector<16xf32>
        %parallel_loop3A_306 = arith.constant 160 : i32
        %parallel_loop3A_307 = arith.addi %parallel_loop3A_221, %parallel_loop3A_306 : i32
        %parallel_loop3A_308 = arith.index_cast %parallel_loop3A_307 : i32 to index
        %parallel_loop3A_309 = tpu.vector_load %arg4[%parallel_loop3A_308] {strides = array<i32>} : memref<32768xf32, #tpu.memory_space<vmem>>, vector<16xf32>,
        %parallel_loop3A_310 = arith.maximumf %parallel_loop3A_301, %parallel_loop3A_309 : vector<16xf32>
        %parallel_loop3A_311 = arith.minimumf %parallel_loop3A_302, %parallel_loop3A_309 : vector<16xf32>
        %parallel_loop3A_312 = arith.addf %parallel_loop3A_303, %parallel_loop3A_309 : vector<16xf32>
        %parallel_loop3A_313 = math.absf %parallel_loop3A_309 : vector<16xf32>
        %parallel_loop3A_314 = arith.addf %parallel_loop3A_305, %parallel_loop3A_313 : vector<16xf32>
        %parallel_loop3A_315 = arith.constant 176 : i32
        %parallel_loop3A_316 = arith.addi %parallel_loop3A_221, %parallel_loop3A_315 : i32
        %parallel_loop3A_317 = arith.index_cast %parallel_loop3A_316 : i32 to index
        %parallel_loop3A_318 = tpu.vector_load %arg4[%parallel_loop3A_317] {strides = array<i32>} : memref<32768xf32, #tpu.memory_space<vmem>>, vector<16xf32>,
        %parallel_loop3A_319 = arith.maximumf %parallel_loop3A_310, %parallel_loop3A_318 : vector<16xf32>
        %parallel_loop3A_320 = arith.minimumf %parallel_loop3A_311, %parallel_loop3A_318 : vector<16xf32>
        %parallel_loop3A_321 = arith.addf %parallel_loop3A_312, %parallel_loop3A_318 : vector<16xf32>
        %parallel_loop3A_322 = math.absf %parallel_loop3A_318 : vector<16xf32>
        %parallel_loop3A_323 = arith.addf %parallel_loop3A_314, %parallel_loop3A_322 : vector<16xf32>
        %parallel_loop3A_324 = arith.constant 192 : i32
        %parallel_loop3A_325 = arith.addi %parallel_loop3A_221, %parallel_loop3A_324 : i32
        %parallel_loop3A_326 = arith.index_cast %parallel_loop3A_325 : i32 to index
        %parallel_loop3A_327 = tpu.vector_load %arg4[%parallel_loop3A_326] {strides = array<i32>} : memref<32768xf32, #tpu.memory_space<vmem>>, vector<16xf32>,
        %parallel_loop3A_328 = arith.maximumf %parallel_loop3A_319, %parallel_loop3A_327 : vector<16xf32>
        %parallel_loop3A_329 = arith.minimumf %parallel_loop3A_320, %parallel_loop3A_327 : vector<16xf32>
        %parallel_loop3A_330 = arith.addf %parallel_loop3A_321, %parallel_loop3A_327 : vector<16xf32>
        %parallel_loop3A_331 = math.absf %parallel_loop3A_327 : vector<16xf32>
        %parallel_loop3A_332 = arith.addf %parallel_loop3A_323, %parallel_loop3A_331 : vector<16xf32>
        %parallel_loop3A_333 = arith.constant 208 : i32
        %parallel_loop3A_334 = arith.addi %parallel_loop3A_221, %parallel_loop3A_333 : i32
        %parallel_loop3A_335 = arith.index_cast %parallel_loop3A_334 : i32 to index
        %parallel_loop3A_336 = tpu.vector_load %arg4[%parallel_loop3A_335] {strides = array<i32>} : memref<32768xf32, #tpu.memory_space<vmem>>, vector<16xf32>,
        %parallel_loop3A_337 = arith.maximumf %parallel_loop3A_328, %parallel_loop3A_336 : vector<16xf32>
        %parallel_loop3A_338 = arith.minimumf %parallel_loop3A_329, %parallel_loop3A_336 : vector<16xf32>
        %parallel_loop3A_339 = arith.addf %parallel_loop3A_330, %parallel_loop3A_336 : vector<16xf32>
        %parallel_loop3A_340 = math.absf %parallel_loop3A_336 : vector<16xf32>
        %parallel_loop3A_341 = arith.addf %parallel_loop3A_332, %parallel_loop3A_340 : vector<16xf32>
        %parallel_loop3A_342 = arith.constant 224 : i32
        %parallel_loop3A_343 = arith.addi %parallel_loop3A_221, %parallel_loop3A_342 : i32
        %parallel_loop3A_344 = arith.index_cast %parallel_loop3A_343 : i32 to index
        %parallel_loop3A_345 = tpu.vector_load %arg4[%parallel_loop3A_344] {strides = array<i32>} : memref<32768xf32, #tpu.memory_space<vmem>>, vector<16xf32>,
        %parallel_loop3A_346 = arith.maximumf %parallel_loop3A_337, %parallel_loop3A_345 : vector<16xf32>
        %parallel_loop3A_347 = arith.minimumf %parallel_loop3A_338, %parallel_loop3A_345 : vector<16xf32>
        %parallel_loop3A_348 = arith.addf %parallel_loop3A_339, %parallel_loop3A_345 : vector<16xf32>
        %parallel_loop3A_349 = math.absf %parallel_loop3A_345 : vector<16xf32>
        %parallel_loop3A_350 = arith.addf %parallel_loop3A_341, %parallel_loop3A_349 : vector<16xf32>
        %parallel_loop3A_351 = arith.constant 240 : i32
        %parallel_loop3A_352 = arith.addi %parallel_loop3A_221, %parallel_loop3A_351 : i32
        %parallel_loop3A_353 = arith.index_cast %parallel_loop3A_352 : i32 to index
        %parallel_loop3A_354 = tpu.vector_load %arg4[%parallel_loop3A_353] {strides = array<i32>} : memref<32768xf32, #tpu.memory_space<vmem>>, vector<16xf32>,
        %parallel_loop3A_355 = arith.maximumf %parallel_loop3A_346, %parallel_loop3A_354 : vector<16xf32>
        %parallel_loop3A_356 = arith.minimumf %parallel_loop3A_347, %parallel_loop3A_354 : vector<16xf32>
        %parallel_loop3A_357 = arith.addf %parallel_loop3A_348, %parallel_loop3A_354 : vector<16xf32>
        %parallel_loop3A_358 = math.absf %parallel_loop3A_354 : vector<16xf32>
        %parallel_loop3A_359 = arith.addf %parallel_loop3A_350, %parallel_loop3A_358 : vector<16xf32>
        %parallel_loop3A_360 = arith.constant 128 : i32
        %parallel_loop3A_361 = vector.broadcast %parallel_loop3A_360 : i32 to vector<16xi32>
        %parallel_loop3A_362 = arith.muli %iota3A, %parallel_loop3A_361 : vector<16xi32>
        %parallel_loop3A_363 = vector.broadcast %parallel_loop3A_215 : i32 to vector<16xi32>
        %parallel_loop3A_364 = arith.addi %parallel_loop3A_362, %parallel_loop3A_363 : vector<16xi32>
        tpu.vector_store_idx %arg7[%parallel_loop3A_364], %parallel_loop3A_355 : memref<2048xf32, #tpu.memory_space<vmem>>[vector<16xi32>], vector<16xf32>,
        %parallel_loop3A_365 = arith.constant 128 : i32
        %parallel_loop3A_366 = vector.broadcast %parallel_loop3A_365 : i32 to vector<16xi32>
        %parallel_loop3A_367 = arith.muli %iota3A, %parallel_loop3A_366 : vector<16xi32>
        %parallel_loop3A_368 = vector.broadcast %parallel_loop3A_215 : i32 to vector<16xi32>
        %parallel_loop3A_369 = arith.addi %parallel_loop3A_367, %parallel_loop3A_368 : vector<16xi32>
        tpu.vector_store_idx %arg8[%parallel_loop3A_369], %parallel_loop3A_356 : memref<2048xf32, #tpu.memory_space<vmem>>[vector<16xi32>], vector<16xf32>,
        %parallel_loop3A_370 = arith.addf %parallel_loop3A_216, %parallel_loop3A_357 : vector<16xf32>
        %parallel_loop3A_371 = arith.addf %parallel_loop3A_217, %parallel_loop3A_359 : vector<16xf32>
        %parallel_loop3A_372 = arith.maximumf %parallel_loop3A_218, %parallel_loop3A_355 : vector<16xf32>
        %parallel_loop3A_373 = arith.minimumf %parallel_loop3A_219, %parallel_loop3A_356 : vector<16xf32>
        scf.yield %parallel_loop3A_370, %parallel_loop3A_371, %parallel_loop3A_372, %parallel_loop3A_373 : vector<16xf32>, vector<16xf32>, vector<16xf32>, vector<16xf32>
      } {sc.loop_unroll_factor = 2 : i64, sc.parallel_access}
      %reduce_sum3A = arith.constant true
      %reduce_sum3A_50 = vector.broadcast %reduce_sum3A : i1 to vector<16xi1>
      %reduce_sum3A_51 = tpu.scan <sum>, %parallel_loop3A_49#0 masked %reduce_sum3A_50 : vector<16xf32>, vector<16xi1> -> vector<16xf32>
      %reduce_sum3A_52 = vector.extract %reduce_sum3A_51[15] : f32 from vector<16xf32>
      %reduce_sum3A_53 = arith.constant true
      %reduce_sum3A_54 = vector.broadcast %reduce_sum3A_53 : i1 to vector<16xi1>
      %reduce_sum3A_55 = tpu.scan <sum>, %parallel_loop3A_49#1 masked %reduce_sum3A_54 : vector<16xf32>, vector<16xi1> -> vector<16xf32>
      %reduce_sum3A_56 = vector.extract %reduce_sum3A_55[15] : f32 from vector<16xf32>
      %add3A_57 = arith.addf %reduce_sum3A_56, %reduce_sum3A_52 : f32
      %mul3A_58 = arith.constant 5.000000e-01 : f32
      %mul3A_59 = arith.mulf %mul3A_58, %add3A_57 : f32
      %sub3A = arith.subf %reduce_sum3A_52, %reduce_sum3A_56 : f32
      %mul3A_60 = arith.constant 5.000000e-01 : f32
      %mul3A_61 = arith.mulf %mul3A_60, %sub3A : f32
      %scan3A_62 = arith.constant 0 : i32
      %scan3A_63 = arith.constant 32 : i32
      %scan3A_64 = arith.addi %scan3A_62, %scan3A_63 : i32
      %scan3A_65 = arith.constant 1 : i32
      %scan3A_66:4 = scf.for %scan3A_215 = %scan3A_62 to %scan3A_64 step %scan3A_65 iter_args(%scan3A_216 = %parallel_loop3A_49#2, %scan3A_217 = %broadcast_in_dim3A_41, %scan3A_218 = %parallel_loop3A_49#3, %scan3A_219 = %broadcast_in_dim3A_41) -> (vector<16xf32>, vector<16xf32>, vector<16xf32>, vector<16xf32>)  : i32 {
        %reduce_max3A_220 = arith.constant true
        %reduce_max3A_221 = vector.broadcast %reduce_max3A_220 : i1 to vector<16xi1>
        %reduce_max3A_222 = tpu.scan <max>, %scan3A_216 masked %reduce_max3A_221 : vector<16xf32>, vector<16xi1> -> vector<16xf32>
        %reduce_max3A_223 = vector.extract %reduce_max3A_222[15] : f32 from vector<16xf32>
        %eq3A = vector.broadcast %reduce_max3A_223 : f32 to vector<16xf32>
        %eq3A_224 = arith.cmpf oeq, %scan3A_216, %eq3A : vector<16xf32>
        %all_reduce_ffs3A = tpu.all_reduce %eq3A_224 {dim = 0 : i64, kind = #tpu.reduction_kind<find_first_set>} : vector<16xi1> -> vector<16xi32>
        %broadcast_in_dim3A_225 = arith.constant 128 : i32
        %broadcast_in_dim3A_226 = vector.broadcast %broadcast_in_dim3A_225 : i32 to vector<16xi32>
        %mul3A_227 = arith.constant 128 : i32
        %mul3A_228 = vector.broadcast %mul3A_227 : i32 to vector<16xi32>
        %mul3A_229 = arith.muli %all_reduce_ffs3A, %mul3A_228 : vector<16xi32>
        %add3A_230 = arith.constant 0 : i32
        %add3A_231 = vector.broadcast %add3A_230 : i32 to vector<16xi32>
        %add3A_232 = arith.addi %mul3A_229, %add3A_231 : vector<16xi32>
        %add3A_233 = arith.addi %add3A_232, %iota3A : vector<16xi32>
        %gather3A = tpu.vector_load_idx %arg7[%add3A_233] : memref<2048xf32, #tpu.memory_space<vmem>>[vector<16xi32>], vector<16xf32>,
        %eq3A_234 = vector.broadcast %reduce_max3A_223 : f32 to vector<16xf32>
        %eq3A_235 = arith.cmpf oeq, %gather3A, %eq3A_234 : vector<16xf32>
        %add3A_236 = arith.constant 0 : i32
        %add3A_237 = vector.broadcast %add3A_236 : i32 to vector<16xi32>
        %add3A_238 = arith.addi %iota3A, %add3A_237 : vector<16xi32>
        %jit3A = arith.constant 128 : i32
        %broadcast_in_dim3A_239 = vector.broadcast %jit3A : i32 to vector<16xi32>
        %select_n3A = arith.select %eq3A_235, %add3A_238, %broadcast_in_dim3A_239 : vector<16xi1>, vector<16xi32>
        %min3A = arith.minsi %broadcast_in_dim3A_226, %select_n3A : vector<16xi32>
        %mul3A_240 = arith.constant 128 : i32
        %mul3A_241 = vector.broadcast %mul3A_240 : i32 to vector<16xi32>
        %mul3A_242 = arith.muli %all_reduce_ffs3A, %mul3A_241 : vector<16xi32>
        %add3A_243 = arith.constant 16 : i32
        %add3A_244 = vector.broadcast %add3A_243 : i32 to vector<16xi32>
        %add3A_245 = arith.addi %mul3A_242, %add3A_244 : vector<16xi32>
        %add3A_246 = arith.addi %add3A_245, %iota3A : vector<16xi32>
        %gather3A_247 = tpu.vector_load_idx %arg7[%add3A_246] : memref<2048xf32, #tpu.memory_space<vmem>>[vector<16xi32>], vector<16xf32>,
        %eq3A_248 = vector.broadcast %reduce_max3A_223 : f32 to vector<16xf32>
        %eq3A_249 = arith.cmpf oeq, %gather3A_247, %eq3A_248 : vector<16xf32>
        %add3A_250 = arith.constant 16 : i32
        %add3A_251 = vector.broadcast %add3A_250 : i32 to vector<16xi32>
        %add3A_252 = arith.addi %iota3A, %add3A_251 : vector<16xi32>
        %jit3A_253 = arith.constant 128 : i32
        %broadcast_in_dim3A_254 = vector.broadcast %jit3A_253 : i32 to vector<16xi32>
        %select_n3A_255 = arith.select %eq3A_249, %add3A_252, %broadcast_in_dim3A_254 : vector<16xi1>, vector<16xi32>
        %min3A_256 = arith.minsi %min3A, %select_n3A_255 : vector<16xi32>
        %mul3A_257 = arith.constant 128 : i32
        %mul3A_258 = vector.broadcast %mul3A_257 : i32 to vector<16xi32>
        %mul3A_259 = arith.muli %all_reduce_ffs3A, %mul3A_258 : vector<16xi32>
        %add3A_260 = arith.constant 32 : i32
        %add3A_261 = vector.broadcast %add3A_260 : i32 to vector<16xi32>
        %add3A_262 = arith.addi %mul3A_259, %add3A_261 : vector<16xi32>
        %add3A_263 = arith.addi %add3A_262, %iota3A : vector<16xi32>
        %gather3A_264 = tpu.vector_load_idx %arg7[%add3A_263] : memref<2048xf32, #tpu.memory_space<vmem>>[vector<16xi32>], vector<16xf32>,
        %eq3A_265 = vector.broadcast %reduce_max3A_223 : f32 to vector<16xf32>
        %eq3A_266 = arith.cmpf oeq, %gather3A_264, %eq3A_265 : vector<16xf32>
        %add3A_267 = arith.constant 32 : i32
        %add3A_268 = vector.broadcast %add3A_267 : i32 to vector<16xi32>
        %add3A_269 = arith.addi %iota3A, %add3A_268 : vector<16xi32>
        %jit3A_270 = arith.constant 128 : i32
        %broadcast_in_dim3A_271 = vector.broadcast %jit3A_270 : i32 to vector<16xi32>
        %select_n3A_272 = arith.select %eq3A_266, %add3A_269, %broadcast_in_dim3A_271 : vector<16xi1>, vector<16xi32>
        %min3A_273 = arith.minsi %min3A_256, %select_n3A_272 : vector<16xi32>
        %mul3A_274 = arith.constant 128 : i32
        %mul3A_275 = vector.broadcast %mul3A_274 : i32 to vector<16xi32>
        %mul3A_276 = arith.muli %all_reduce_ffs3A, %mul3A_275 : vector<16xi32>
        %add3A_277 = arith.constant 48 : i32
        %add3A_278 = vector.broadcast %add3A_277 : i32 to vector<16xi32>
        %add3A_279 = arith.addi %mul3A_276, %add3A_278 : vector<16xi32>
        %add3A_280 = arith.addi %add3A_279, %iota3A : vector<16xi32>
        %gather3A_281 = tpu.vector_load_idx %arg7[%add3A_280] : memref<2048xf32, #tpu.memory_space<vmem>>[vector<16xi32>], vector<16xf32>,
        %eq3A_282 = vector.broadcast %reduce_max3A_223 : f32 to vector<16xf32>
        %eq3A_283 = arith.cmpf oeq, %gather3A_281, %eq3A_282 : vector<16xf32>
        %add3A_284 = arith.constant 48 : i32
        %add3A_285 = vector.broadcast %add3A_284 : i32 to vector<16xi32>
        %add3A_286 = arith.addi %iota3A, %add3A_285 : vector<16xi32>
        %jit3A_287 = arith.constant 128 : i32
        %broadcast_in_dim3A_288 = vector.broadcast %jit3A_287 : i32 to vector<16xi32>
        %select_n3A_289 = arith.select %eq3A_283, %add3A_286, %broadcast_in_dim3A_288 : vector<16xi1>, vector<16xi32>
        %min3A_290 = arith.minsi %min3A_273, %select_n3A_289 : vector<16xi32>
        %mul3A_291 = arith.constant 128 : i32
        %mul3A_292 = vector.broadcast %mul3A_291 : i32 to vector<16xi32>
        %mul3A_293 = arith.muli %all_reduce_ffs3A, %mul3A_292 : vector<16xi32>
        %add3A_294 = arith.constant 64 : i32
        %add3A_295 = vector.broadcast %add3A_294 : i32 to vector<16xi32>
        %add3A_296 = arith.addi %mul3A_293, %add3A_295 : vector<16xi32>
        %add3A_297 = arith.addi %add3A_296, %iota3A : vector<16xi32>
        %gather3A_298 = tpu.vector_load_idx %arg7[%add3A_297] : memref<2048xf32, #tpu.memory_space<vmem>>[vector<16xi32>], vector<16xf32>,
        %eq3A_299 = vector.broadcast %reduce_max3A_223 : f32 to vector<16xf32>
        %eq3A_300 = arith.cmpf oeq, %gather3A_298, %eq3A_299 : vector<16xf32>
        %add3A_301 = arith.constant 64 : i32
        %add3A_302 = vector.broadcast %add3A_301 : i32 to vector<16xi32>
        %add3A_303 = arith.addi %iota3A, %add3A_302 : vector<16xi32>
        %jit3A_304 = arith.constant 128 : i32
        %broadcast_in_dim3A_305 = vector.broadcast %jit3A_304 : i32 to vector<16xi32>
        %select_n3A_306 = arith.select %eq3A_300, %add3A_303, %broadcast_in_dim3A_305 : vector<16xi1>, vector<16xi32>
        %min3A_307 = arith.minsi %min3A_290, %select_n3A_306 : vector<16xi32>
        %mul3A_308 = arith.constant 128 : i32
        %mul3A_309 = vector.broadcast %mul3A_308 : i32 to vector<16xi32>
        %mul3A_310 = arith.muli %all_reduce_ffs3A, %mul3A_309 : vector<16xi32>
        %add3A_311 = arith.constant 80 : i32
        %add3A_312 = vector.broadcast %add3A_311 : i32 to vector<16xi32>
        %add3A_313 = arith.addi %mul3A_310, %add3A_312 : vector<16xi32>
        %add3A_314 = arith.addi %add3A_313, %iota3A : vector<16xi32>
        %gather3A_315 = tpu.vector_load_idx %arg7[%add3A_314] : memref<2048xf32, #tpu.memory_space<vmem>>[vector<16xi32>], vector<16xf32>,
        %eq3A_316 = vector.broadcast %reduce_max3A_223 : f32 to vector<16xf32>
        %eq3A_317 = arith.cmpf oeq, %gather3A_315, %eq3A_316 : vector<16xf32>
        %add3A_318 = arith.constant 80 : i32
        %add3A_319 = vector.broadcast %add3A_318 : i32 to vector<16xi32>
        %add3A_320 = arith.addi %iota3A, %add3A_319 : vector<16xi32>
        %jit3A_321 = arith.constant 128 : i32
        %broadcast_in_dim3A_322 = vector.broadcast %jit3A_321 : i32 to vector<16xi32>
        %select_n3A_323 = arith.select %eq3A_317, %add3A_320, %broadcast_in_dim3A_322 : vector<16xi1>, vector<16xi32>
        %min3A_324 = arith.minsi %min3A_307, %select_n3A_323 : vector<16xi32>
        %mul3A_325 = arith.constant 128 : i32
        %mul3A_326 = vector.broadcast %mul3A_325 : i32 to vector<16xi32>
        %mul3A_327 = arith.muli %all_reduce_ffs3A, %mul3A_326 : vector<16xi32>
        %add3A_328 = arith.constant 96 : i32
        %add3A_329 = vector.broadcast %add3A_328 : i32 to vector<16xi32>
        %add3A_330 = arith.addi %mul3A_327, %add3A_329 : vector<16xi32>
        %add3A_331 = arith.addi %add3A_330, %iota3A : vector<16xi32>
        %gather3A_332 = tpu.vector_load_idx %arg7[%add3A_331] : memref<2048xf32, #tpu.memory_space<vmem>>[vector<16xi32>], vector<16xf32>,
        %eq3A_333 = vector.broadcast %reduce_max3A_223 : f32 to vector<16xf32>
        %eq3A_334 = arith.cmpf oeq, %gather3A_332, %eq3A_333 : vector<16xf32>
        %add3A_335 = arith.constant 96 : i32
        %add3A_336 = vector.broadcast %add3A_335 : i32 to vector<16xi32>
        %add3A_337 = arith.addi %iota3A, %add3A_336 : vector<16xi32>
        %jit3A_338 = arith.constant 128 : i32
        %broadcast_in_dim3A_339 = vector.broadcast %jit3A_338 : i32 to vector<16xi32>
        %select_n3A_340 = arith.select %eq3A_334, %add3A_337, %broadcast_in_dim3A_339 : vector<16xi1>, vector<16xi32>
        %min3A_341 = arith.minsi %min3A_324, %select_n3A_340 : vector<16xi32>
        %mul3A_342 = arith.constant 128 : i32
        %mul3A_343 = vector.broadcast %mul3A_342 : i32 to vector<16xi32>
        %mul3A_344 = arith.muli %all_reduce_ffs3A, %mul3A_343 : vector<16xi32>
        %add3A_345 = arith.constant 112 : i32
        %add3A_346 = vector.broadcast %add3A_345 : i32 to vector<16xi32>
        %add3A_347 = arith.addi %mul3A_344, %add3A_346 : vector<16xi32>
        %add3A_348 = arith.addi %add3A_347, %iota3A : vector<16xi32>
        %gather3A_349 = tpu.vector_load_idx %arg7[%add3A_348] : memref<2048xf32, #tpu.memory_space<vmem>>[vector<16xi32>], vector<16xf32>,
        %eq3A_350 = vector.broadcast %reduce_max3A_223 : f32 to vector<16xf32>
        %eq3A_351 = arith.cmpf oeq, %gather3A_349, %eq3A_350 : vector<16xf32>
        %add3A_352 = arith.constant 112 : i32
        %add3A_353 = vector.broadcast %add3A_352 : i32 to vector<16xi32>
        %add3A_354 = arith.addi %iota3A, %add3A_353 : vector<16xi32>
        %jit3A_355 = arith.constant 128 : i32
        %broadcast_in_dim3A_356 = vector.broadcast %jit3A_355 : i32 to vector<16xi32>
        %select_n3A_357 = arith.select %eq3A_351, %add3A_354, %broadcast_in_dim3A_356 : vector<16xi1>, vector<16xi32>
        %min3A_358 = arith.minsi %min3A_341, %select_n3A_357 : vector<16xi32>
        %reduce_min3A_359 = arith.constant true
        %reduce_min3A_360 = vector.broadcast %reduce_min3A_359 : i1 to vector<16xi1>
        %reduce_min3A_361 = arith.constant -2147483648 : i32
        %reduce_min3A_362 = vector.broadcast %reduce_min3A_361 : i32 to vector<16xi32>
        %reduce_min3A_363 = arith.xori %min3A_358, %reduce_min3A_362 : vector<16xi32>
        %reduce_min3A_364 = tpu.scan <min>, %reduce_min3A_363 masked %reduce_min3A_360 : vector<16xi32>, vector<16xi1> -> vector<16xi32>
        %reduce_min3A_365 = arith.xori %reduce_min3A_364, %reduce_min3A_362 : vector<16xi32>
        %reduce_min3A_366 = vector.extract %reduce_min3A_365[15] : i32 from vector<16xi32>
        %broadcast_in_dim3A_367 = vector.broadcast %reduce_min3A_366 : i32 to vector<16xi32>
        %mul3A_368 = arith.constant 256 : i32
        %mul3A_369 = vector.broadcast %mul3A_368 : i32 to vector<16xi32>
        %mul3A_370 = arith.muli %broadcast_in_dim3A_367, %mul3A_369 : vector<16xi32>
        %add3A_371 = arith.addi %mul3A_370, %all_reduce_ffs3A : vector<16xi32>
        %mul3A_372 = arith.constant 16 : i32
        %mul3A_373 = vector.broadcast %mul3A_372 : i32 to vector<16xi32>
        %mul3A_374 = arith.muli %iota3A, %mul3A_373 : vector<16xi32>
        %add3A_375 = arith.addi %add3A_371, %mul3A_374 : vector<16xi32>
        %gather3A_376 = tpu.vector_load_idx %arg4[%add3A_375] : memref<32768xf32, #tpu.memory_space<vmem>>[vector<16xi32>], vector<16xf32>,
        %eq3A_377 = vector.broadcast %reduce_max3A_223 : f32 to vector<16xf32>
        %eq3A_378 = arith.cmpf oeq, %gather3A_376, %eq3A_377 : vector<16xf32>
        %all_reduce_ffs3A_379 = tpu.all_reduce %eq3A_378 {dim = 0 : i64, kind = #tpu.reduction_kind<find_first_set>} : vector<16xi1> -> vector<16xi32>
        %mul3A_380 = arith.constant 16 : i32
        %mul3A_381 = vector.broadcast %mul3A_380 : i32 to vector<16xi32>
        %mul3A_382 = arith.muli %all_reduce_ffs3A_379, %mul3A_381 : vector<16xi32>
        %add3A_383 = arith.addi %add3A_371, %mul3A_382 : vector<16xi32>
        %eq3A_384 = arith.cmpi eq, %iota3A, %all_reduce_ffs3A_379 : vector<16xi32>
        %jit3A_385 = arith.constant 0.000000e+00 : f32
        %broadcast_in_dim3A_386 = vector.broadcast %jit3A_385 : f32 to vector<16xf32>
        %select_n3A_387 = arith.select %eq3A_384, %broadcast_in_dim3A_386, %gather3A_376 : vector<16xi1>, vector<16xf32>
        tpu.vector_store_idx %arg4[%add3A_375], %select_n3A_387 : memref<32768xf32, #tpu.memory_space<vmem>>[vector<16xi32>], vector<16xf32>,
        %reduce_max3A_388 = arith.constant true
        %reduce_max3A_389 = vector.broadcast %reduce_max3A_388 : i1 to vector<16xi1>
        %reduce_max3A_390 = tpu.scan <max>, %select_n3A_387 masked %reduce_max3A_389 : vector<16xf32>, vector<16xi1> -> vector<16xf32>
        %reduce_max3A_391 = vector.extract %reduce_max3A_390[15] : f32 from vector<16xf32>
        %broadcast_in_dim3A_392 = vector.broadcast %reduce_max3A_391 : f32 to vector<16xf32>
        %mul3A_393 = arith.constant 128 : i32
        %mul3A_394 = vector.broadcast %mul3A_393 : i32 to vector<16xi32>
        %mul3A_395 = arith.muli %all_reduce_ffs3A, %mul3A_394 : vector<16xi32>
        %add3A_396 = arith.addi %mul3A_395, %broadcast_in_dim3A_367 : vector<16xi32>
        %eq3A_397 = arith.constant 0 : i32
        %eq3A_398 = vector.broadcast %eq3A_397 : i32 to vector<16xi32>
        %eq3A_399 = arith.cmpi eq, %iota3A, %eq3A_398 : vector<16xi32>
        tpu.vector_store_idx %arg7[%add3A_396], %broadcast_in_dim3A_392 masked %eq3A_399 : memref<2048xf32, #tpu.memory_space<vmem>>[vector<16xi32>], vector<16xf32>, vector<16xi1>
        %broadcast_in_dim3A_400 = vector.broadcast %scan3A_215 : i32 to vector<16xi32>
        %eq3A_401 = arith.constant 0 : i32
        %eq3A_402 = vector.broadcast %eq3A_401 : i32 to vector<16xi32>
        %eq3A_403 = arith.cmpi eq, %iota3A, %eq3A_402 : vector<16xi32>
        tpu.vector_store_idx %arg9[%broadcast_in_dim3A_400], %add3A_383 masked %eq3A_403 : memref<32xi32, #tpu.memory_space<vmem>>[vector<16xi32>], vector<16xi32>, vector<16xi1>
        %add3A_404 = arith.constant 0 : i32
        %add3A_405 = vector.broadcast %add3A_404 : i32 to vector<16xi32>
        %add3A_406 = arith.addi %add3A_405, %iota3A : vector<16xi32>
        %eq3A_407 = arith.cmpi eq, %add3A_406, %broadcast_in_dim3A_367 : vector<16xi32>
        %select_n3A_408 = arith.select %eq3A_407, %broadcast_in_dim3A_392, %gather3A : vector<16xi1>, vector<16xf32>
        %add3A_409 = arith.constant 16 : i32
        %add3A_410 = vector.broadcast %add3A_409 : i32 to vector<16xi32>
        %add3A_411 = arith.addi %add3A_410, %iota3A : vector<16xi32>
        %eq3A_412 = arith.cmpi eq, %add3A_411, %broadcast_in_dim3A_367 : vector<16xi32>
        %select_n3A_413 = arith.select %eq3A_412, %broadcast_in_dim3A_392, %gather3A_247 : vector<16xi1>, vector<16xf32>
        %max3A = arith.maximumf %select_n3A_408, %select_n3A_413 : vector<16xf32>
        %add3A_414 = arith.constant 32 : i32
        %add3A_415 = vector.broadcast %add3A_414 : i32 to vector<16xi32>
        %add3A_416 = arith.addi %add3A_415, %iota3A : vector<16xi32>
        %eq3A_417 = arith.cmpi eq, %add3A_416, %broadcast_in_dim3A_367 : vector<16xi32>
        %select_n3A_418 = arith.select %eq3A_417, %broadcast_in_dim3A_392, %gather3A_264 : vector<16xi1>, vector<16xf32>
        %max3A_419 = arith.maximumf %max3A, %select_n3A_418 : vector<16xf32>
        %add3A_420 = arith.constant 48 : i32
        %add3A_421 = vector.broadcast %add3A_420 : i32 to vector<16xi32>
        %add3A_422 = arith.addi %add3A_421, %iota3A : vector<16xi32>
        %eq3A_423 = arith.cmpi eq, %add3A_422, %broadcast_in_dim3A_367 : vector<16xi32>
        %select_n3A_424 = arith.select %eq3A_423, %broadcast_in_dim3A_392, %gather3A_281 : vector<16xi1>, vector<16xf32>
        %max3A_425 = arith.maximumf %max3A_419, %select_n3A_424 : vector<16xf32>
        %add3A_426 = arith.constant 64 : i32
        %add3A_427 = vector.broadcast %add3A_426 : i32 to vector<16xi32>
        %add3A_428 = arith.addi %add3A_427, %iota3A : vector<16xi32>
        %eq3A_429 = arith.cmpi eq, %add3A_428, %broadcast_in_dim3A_367 : vector<16xi32>
        %select_n3A_430 = arith.select %eq3A_429, %broadcast_in_dim3A_392, %gather3A_298 : vector<16xi1>, vector<16xf32>
        %max3A_431 = arith.maximumf %max3A_425, %select_n3A_430 : vector<16xf32>
        %add3A_432 = arith.constant 80 : i32
        %add3A_433 = vector.broadcast %add3A_432 : i32 to vector<16xi32>
        %add3A_434 = arith.addi %add3A_433, %iota3A : vector<16xi32>
        %eq3A_435 = arith.cmpi eq, %add3A_434, %broadcast_in_dim3A_367 : vector<16xi32>
        %select_n3A_436 = arith.select %eq3A_435, %broadcast_in_dim3A_392, %gather3A_315 : vector<16xi1>, vector<16xf32>
        %max3A_437 = arith.maximumf %max3A_431, %select_n3A_436 : vector<16xf32>
        %add3A_438 = arith.constant 96 : i32
        %add3A_439 = vector.broadcast %add3A_438 : i32 to vector<16xi32>
        %add3A_440 = arith.addi %add3A_439, %iota3A : vector<16xi32>
        %eq3A_441 = arith.cmpi eq, %add3A_440, %broadcast_in_dim3A_367 : vector<16xi32>
        %select_n3A_442 = arith.select %eq3A_441, %broadcast_in_dim3A_392, %gather3A_332 : vector<16xi1>, vector<16xf32>
        %max3A_443 = arith.maximumf %max3A_437, %select_n3A_442 : vector<16xf32>
        %add3A_444 = arith.constant 112 : i32
        %add3A_445 = vector.broadcast %add3A_444 : i32 to vector<16xi32>
        %add3A_446 = arith.addi %add3A_445, %iota3A : vector<16xi32>
        %eq3A_447 = arith.cmpi eq, %add3A_446, %broadcast_in_dim3A_367 : vector<16xi32>
        %select_n3A_448 = arith.select %eq3A_447, %broadcast_in_dim3A_392, %gather3A_349 : vector<16xi1>, vector<16xf32>
        %max3A_449 = arith.maximumf %max3A_443, %select_n3A_448 : vector<16xf32>
        %reduce_max3A_450 = arith.constant true
        %reduce_max3A_451 = vector.broadcast %reduce_max3A_450 : i1 to vector<16xi1>
        %reduce_max3A_452 = tpu.scan <max>, %max3A_449 masked %reduce_max3A_451 : vector<16xf32>, vector<16xi1> -> vector<16xf32>
        %reduce_max3A_453 = vector.extract %reduce_max3A_452[15] : f32 from vector<16xf32>
        %eq3A_454 = arith.cmpi eq, %iota3A, %all_reduce_ffs3A : vector<16xi32>
        %broadcast_in_dim3A_455 = vector.broadcast %reduce_max3A_453 : f32 to vector<16xf32>
        %select_n3A_456 = arith.select %eq3A_454, %broadcast_in_dim3A_455, %scan3A_216 : vector<16xi1>, vector<16xf32>
        %convert_element_type3A_457 = arith.sitofp %add3A_383 : vector<16xi32> to vector<16xf32>
        %add3A_458 = arith.addf %scan3A_217, %convert_element_type3A_457 : vector<16xf32>
        %reduce_min3A_459 = arith.constant true
        %reduce_min3A_460 = vector.broadcast %reduce_min3A_459 : i1 to vector<16xi1>
        %reduce_min3A_461 = tpu.scan <min>, %scan3A_218 masked %reduce_min3A_460 : vector<16xf32>, vector<16xi1> -> vector<16xf32>
        %reduce_min3A_462 = vector.extract %reduce_min3A_461[15] : f32 from vector<16xf32>
        %eq3A_463 = vector.broadcast %reduce_min3A_462 : f32 to vector<16xf32>
        %eq3A_464 = arith.cmpf oeq, %scan3A_218, %eq3A_463 : vector<16xf32>
        %all_reduce_ffs3A_465 = tpu.all_reduce %eq3A_464 {dim = 0 : i64, kind = #tpu.reduction_kind<find_first_set>} : vector<16xi1> -> vector<16xi32>
        %broadcast_in_dim3A_466 = arith.constant 128 : i32
        %broadcast_in_dim3A_467 = vector.broadcast %broadcast_in_dim3A_466 : i32 to vector<16xi32>
        %mul3A_468 = arith.constant 128 : i32
        %mul3A_469 = vector.broadcast %mul3A_468 : i32 to vector<16xi32>
        %mul3A_470 = arith.muli %all_reduce_ffs3A_465, %mul3A_469 : vector<16xi32>
        %add3A_471 = arith.constant 0 : i32
        %add3A_472 = vector.broadcast %add3A_471 : i32 to vector<16xi32>
        %add3A_473 = arith.addi %mul3A_470, %add3A_472 : vector<16xi32>
        %add3A_474 = arith.addi %add3A_473, %iota3A : vector<16xi32>
        %gather3A_475 = tpu.vector_load_idx %arg8[%add3A_474] : memref<2048xf32, #tpu.memory_space<vmem>>[vector<16xi32>], vector<16xf32>,
        %eq3A_476 = vector.broadcast %reduce_min3A_462 : f32 to vector<16xf32>
        %eq3A_477 = arith.cmpf oeq, %gather3A_475, %eq3A_476 : vector<16xf32>
        %add3A_478 = arith.constant 0 : i32
        %add3A_479 = vector.broadcast %add3A_478 : i32 to vector<16xi32>
        %add3A_480 = arith.addi %iota3A, %add3A_479 : vector<16xi32>
        %jit3A_481 = arith.constant 128 : i32
        %broadcast_in_dim3A_482 = vector.broadcast %jit3A_481 : i32 to vector<16xi32>
        %select_n3A_483 = arith.select %eq3A_477, %add3A_480, %broadcast_in_dim3A_482 : vector<16xi1>, vector<16xi32>
        %min3A_484 = arith.minsi %broadcast_in_dim3A_467, %select_n3A_483 : vector<16xi32>
        %mul3A_485 = arith.constant 128 : i32
        %mul3A_486 = vector.broadcast %mul3A_485 : i32 to vector<16xi32>
        %mul3A_487 = arith.muli %all_reduce_ffs3A_465, %mul3A_486 : vector<16xi32>
        %add3A_488 = arith.constant 16 : i32
        %add3A_489 = vector.broadcast %add3A_488 : i32 to vector<16xi32>
        %add3A_490 = arith.addi %mul3A_487, %add3A_489 : vector<16xi32>
        %add3A_491 = arith.addi %add3A_490, %iota3A : vector<16xi32>
        %gather3A_492 = tpu.vector_load_idx %arg8[%add3A_491] : memref<2048xf32, #tpu.memory_space<vmem>>[vector<16xi32>], vector<16xf32>,
        %eq3A_493 = vector.broadcast %reduce_min3A_462 : f32 to vector<16xf32>
        %eq3A_494 = arith.cmpf oeq, %gather3A_492, %eq3A_493 : vector<16xf32>
        %add3A_495 = arith.constant 16 : i32
        %add3A_496 = vector.broadcast %add3A_495 : i32 to vector<16xi32>
        %add3A_497 = arith.addi %iota3A, %add3A_496 : vector<16xi32>
        %jit3A_498 = arith.constant 128 : i32
        %broadcast_in_dim3A_499 = vector.broadcast %jit3A_498 : i32 to vector<16xi32>
        %select_n3A_500 = arith.select %eq3A_494, %add3A_497, %broadcast_in_dim3A_499 : vector<16xi1>, vector<16xi32>
        %min3A_501 = arith.minsi %min3A_484, %select_n3A_500 : vector<16xi32>
        %mul3A_502 = arith.constant 128 : i32
        %mul3A_503 = vector.broadcast %mul3A_502 : i32 to vector<16xi32>
        %mul3A_504 = arith.muli %all_reduce_ffs3A_465, %mul3A_503 : vector<16xi32>
        %add3A_505 = arith.constant 32 : i32
        %add3A_506 = vector.broadcast %add3A_505 : i32 to vector<16xi32>
        %add3A_507 = arith.addi %mul3A_504, %add3A_506 : vector<16xi32>
        %add3A_508 = arith.addi %add3A_507, %iota3A : vector<16xi32>
        %gather3A_509 = tpu.vector_load_idx %arg8[%add3A_508] : memref<2048xf32, #tpu.memory_space<vmem>>[vector<16xi32>], vector<16xf32>,
        %eq3A_510 = vector.broadcast %reduce_min3A_462 : f32 to vector<16xf32>
        %eq3A_511 = arith.cmpf oeq, %gather3A_509, %eq3A_510 : vector<16xf32>
        %add3A_512 = arith.constant 32 : i32
        %add3A_513 = vector.broadcast %add3A_512 : i32 to vector<16xi32>
        %add3A_514 = arith.addi %iota3A, %add3A_513 : vector<16xi32>
        %jit3A_515 = arith.constant 128 : i32
        %broadcast_in_dim3A_516 = vector.broadcast %jit3A_515 : i32 to vector<16xi32>
        %select_n3A_517 = arith.select %eq3A_511, %add3A_514, %broadcast_in_dim3A_516 : vector<16xi1>, vector<16xi32>
        %min3A_518 = arith.minsi %min3A_501, %select_n3A_517 : vector<16xi32>
        %mul3A_519 = arith.constant 128 : i32
        %mul3A_520 = vector.broadcast %mul3A_519 : i32 to vector<16xi32>
        %mul3A_521 = arith.muli %all_reduce_ffs3A_465, %mul3A_520 : vector<16xi32>
        %add3A_522 = arith.constant 48 : i32
        %add3A_523 = vector.broadcast %add3A_522 : i32 to vector<16xi32>
        %add3A_524 = arith.addi %mul3A_521, %add3A_523 : vector<16xi32>
        %add3A_525 = arith.addi %add3A_524, %iota3A : vector<16xi32>
        %gather3A_526 = tpu.vector_load_idx %arg8[%add3A_525] : memref<2048xf32, #tpu.memory_space<vmem>>[vector<16xi32>], vector<16xf32>,
        %eq3A_527 = vector.broadcast %reduce_min3A_462 : f32 to vector<16xf32>
        %eq3A_528 = arith.cmpf oeq, %gather3A_526, %eq3A_527 : vector<16xf32>
        %add3A_529 = arith.constant 48 : i32
        %add3A_530 = vector.broadcast %add3A_529 : i32 to vector<16xi32>
        %add3A_531 = arith.addi %iota3A, %add3A_530 : vector<16xi32>
        %jit3A_532 = arith.constant 128 : i32
        %broadcast_in_dim3A_533 = vector.broadcast %jit3A_532 : i32 to vector<16xi32>
        %select_n3A_534 = arith.select %eq3A_528, %add3A_531, %broadcast_in_dim3A_533 : vector<16xi1>, vector<16xi32>
        %min3A_535 = arith.minsi %min3A_518, %select_n3A_534 : vector<16xi32>
        %mul3A_536 = arith.constant 128 : i32
        %mul3A_537 = vector.broadcast %mul3A_536 : i32 to vector<16xi32>
        %mul3A_538 = arith.muli %all_reduce_ffs3A_465, %mul3A_537 : vector<16xi32>
        %add3A_539 = arith.constant 64 : i32
        %add3A_540 = vector.broadcast %add3A_539 : i32 to vector<16xi32>
        %add3A_541 = arith.addi %mul3A_538, %add3A_540 : vector<16xi32>
        %add3A_542 = arith.addi %add3A_541, %iota3A : vector<16xi32>
        %gather3A_543 = tpu.vector_load_idx %arg8[%add3A_542] : memref<2048xf32, #tpu.memory_space<vmem>>[vector<16xi32>], vector<16xf32>,
        %eq3A_544 = vector.broadcast %reduce_min3A_462 : f32 to vector<16xf32>
        %eq3A_545 = arith.cmpf oeq, %gather3A_543, %eq3A_544 : vector<16xf32>
        %add3A_546 = arith.constant 64 : i32
        %add3A_547 = vector.broadcast %add3A_546 : i32 to vector<16xi32>
        %add3A_548 = arith.addi %iota3A, %add3A_547 : vector<16xi32>
        %jit3A_549 = arith.constant 128 : i32
        %broadcast_in_dim3A_550 = vector.broadcast %jit3A_549 : i32 to vector<16xi32>
        %select_n3A_551 = arith.select %eq3A_545, %add3A_548, %broadcast_in_dim3A_550 : vector<16xi1>, vector<16xi32>
        %min3A_552 = arith.minsi %min3A_535, %select_n3A_551 : vector<16xi32>
        %mul3A_553 = arith.constant 128 : i32
        %mul3A_554 = vector.broadcast %mul3A_553 : i32 to vector<16xi32>
        %mul3A_555 = arith.muli %all_reduce_ffs3A_465, %mul3A_554 : vector<16xi32>
        %add3A_556 = arith.constant 80 : i32
        %add3A_557 = vector.broadcast %add3A_556 : i32 to vector<16xi32>
        %add3A_558 = arith.addi %mul3A_555, %add3A_557 : vector<16xi32>
        %add3A_559 = arith.addi %add3A_558, %iota3A : vector<16xi32>
        %gather3A_560 = tpu.vector_load_idx %arg8[%add3A_559] : memref<2048xf32, #tpu.memory_space<vmem>>[vector<16xi32>], vector<16xf32>,
        %eq3A_561 = vector.broadcast %reduce_min3A_462 : f32 to vector<16xf32>
        %eq3A_562 = arith.cmpf oeq, %gather3A_560, %eq3A_561 : vector<16xf32>
        %add3A_563 = arith.constant 80 : i32
        %add3A_564 = vector.broadcast %add3A_563 : i32 to vector<16xi32>
        %add3A_565 = arith.addi %iota3A, %add3A_564 : vector<16xi32>
        %jit3A_566 = arith.constant 128 : i32
        %broadcast_in_dim3A_567 = vector.broadcast %jit3A_566 : i32 to vector<16xi32>
        %select_n3A_568 = arith.select %eq3A_562, %add3A_565, %broadcast_in_dim3A_567 : vector<16xi1>, vector<16xi32>
        %min3A_569 = arith.minsi %min3A_552, %select_n3A_568 : vector<16xi32>
        %mul3A_570 = arith.constant 128 : i32
        %mul3A_571 = vector.broadcast %mul3A_570 : i32 to vector<16xi32>
        %mul3A_572 = arith.muli %all_reduce_ffs3A_465, %mul3A_571 : vector<16xi32>
        %add3A_573 = arith.constant 96 : i32
        %add3A_574 = vector.broadcast %add3A_573 : i32 to vector<16xi32>
        %add3A_575 = arith.addi %mul3A_572, %add3A_574 : vector<16xi32>
        %add3A_576 = arith.addi %add3A_575, %iota3A : vector<16xi32>
        %gather3A_577 = tpu.vector_load_idx %arg8[%add3A_576] : memref<2048xf32, #tpu.memory_space<vmem>>[vector<16xi32>], vector<16xf32>,
        %eq3A_578 = vector.broadcast %reduce_min3A_462 : f32 to vector<16xf32>
        %eq3A_579 = arith.cmpf oeq, %gather3A_577, %eq3A_578 : vector<16xf32>
        %add3A_580 = arith.constant 96 : i32
        %add3A_581 = vector.broadcast %add3A_580 : i32 to vector<16xi32>
        %add3A_582 = arith.addi %iota3A, %add3A_581 : vector<16xi32>
        %jit3A_583 = arith.constant 128 : i32
        %broadcast_in_dim3A_584 = vector.broadcast %jit3A_583 : i32 to vector<16xi32>
        %select_n3A_585 = arith.select %eq3A_579, %add3A_582, %broadcast_in_dim3A_584 : vector<16xi1>, vector<16xi32>
        %min3A_586 = arith.minsi %min3A_569, %select_n3A_585 : vector<16xi32>
        %mul3A_587 = arith.constant 128 : i32
        %mul3A_588 = vector.broadcast %mul3A_587 : i32 to vector<16xi32>
        %mul3A_589 = arith.muli %all_reduce_ffs3A_465, %mul3A_588 : vector<16xi32>
        %add3A_590 = arith.constant 112 : i32
        %add3A_591 = vector.broadcast %add3A_590 : i32 to vector<16xi32>
        %add3A_592 = arith.addi %mul3A_589, %add3A_591 : vector<16xi32>
        %add3A_593 = arith.addi %add3A_592, %iota3A : vector<16xi32>
        %gather3A_594 = tpu.vector_load_idx %arg8[%add3A_593] : memref<2048xf32, #tpu.memory_space<vmem>>[vector<16xi32>], vector<16xf32>,
        %eq3A_595 = vector.broadcast %reduce_min3A_462 : f32 to vector<16xf32>
        %eq3A_596 = arith.cmpf oeq, %gather3A_594, %eq3A_595 : vector<16xf32>
        %add3A_597 = arith.constant 112 : i32
        %add3A_598 = vector.broadcast %add3A_597 : i32 to vector<16xi32>
        %add3A_599 = arith.addi %iota3A, %add3A_598 : vector<16xi32>
        %jit3A_600 = arith.constant 128 : i32
        %broadcast_in_dim3A_601 = vector.broadcast %jit3A_600 : i32 to vector<16xi32>
        %select_n3A_602 = arith.select %eq3A_596, %add3A_599, %broadcast_in_dim3A_601 : vector<16xi1>, vector<16xi32>
        %min3A_603 = arith.minsi %min3A_586, %select_n3A_602 : vector<16xi32>
        %reduce_min3A_604 = arith.constant true
        %reduce_min3A_605 = vector.broadcast %reduce_min3A_604 : i1 to vector<16xi1>
        %reduce_min3A_606 = arith.constant -2147483648 : i32
        %reduce_min3A_607 = vector.broadcast %reduce_min3A_606 : i32 to vector<16xi32>
        %reduce_min3A_608 = arith.xori %min3A_603, %reduce_min3A_607 : vector<16xi32>
        %reduce_min3A_609 = tpu.scan <min>, %reduce_min3A_608 masked %reduce_min3A_605 : vector<16xi32>, vector<16xi1> -> vector<16xi32>
        %reduce_min3A_610 = arith.xori %reduce_min3A_609, %reduce_min3A_607 : vector<16xi32>
        %reduce_min3A_611 = vector.extract %reduce_min3A_610[15] : i32 from vector<16xi32>
        %broadcast_in_dim3A_612 = vector.broadcast %reduce_min3A_611 : i32 to vector<16xi32>
        %mul3A_613 = arith.constant 256 : i32
        %mul3A_614 = vector.broadcast %mul3A_613 : i32 to vector<16xi32>
        %mul3A_615 = arith.muli %broadcast_in_dim3A_612, %mul3A_614 : vector<16xi32>
        %add3A_616 = arith.addi %mul3A_615, %all_reduce_ffs3A_465 : vector<16xi32>
        %mul3A_617 = arith.constant 16 : i32
        %mul3A_618 = vector.broadcast %mul3A_617 : i32 to vector<16xi32>
        %mul3A_619 = arith.muli %iota3A, %mul3A_618 : vector<16xi32>
        %add3A_620 = arith.addi %add3A_616, %mul3A_619 : vector<16xi32>
        %gather3A_621 = tpu.vector_load_idx %arg4[%add3A_620] : memref<32768xf32, #tpu.memory_space<vmem>>[vector<16xi32>], vector<16xf32>,
        %eq3A_622 = vector.broadcast %reduce_min3A_462 : f32 to vector<16xf32>
        %eq3A_623 = arith.cmpf oeq, %gather3A_621, %eq3A_622 : vector<16xf32>
        %all_reduce_ffs3A_624 = tpu.all_reduce %eq3A_623 {dim = 0 : i64, kind = #tpu.reduction_kind<find_first_set>} : vector<16xi1> -> vector<16xi32>
        %mul3A_625 = arith.constant 16 : i32
        %mul3A_626 = vector.broadcast %mul3A_625 : i32 to vector<16xi32>
        %mul3A_627 = arith.muli %all_reduce_ffs3A_624, %mul3A_626 : vector<16xi32>
        %add3A_628 = arith.addi %add3A_616, %mul3A_627 : vector<16xi32>
        %eq3A_629 = arith.cmpi eq, %iota3A, %all_reduce_ffs3A_624 : vector<16xi32>
        %jit3A_630 = arith.constant 0.000000e+00 : f32
        %broadcast_in_dim3A_631 = vector.broadcast %jit3A_630 : f32 to vector<16xf32>
        %select_n3A_632 = arith.select %eq3A_629, %broadcast_in_dim3A_631, %gather3A_621 : vector<16xi1>, vector<16xf32>
        tpu.vector_store_idx %arg4[%add3A_620], %select_n3A_632 : memref<32768xf32, #tpu.memory_space<vmem>>[vector<16xi32>], vector<16xf32>,
        %reduce_min3A_633 = arith.constant true
        %reduce_min3A_634 = vector.broadcast %reduce_min3A_633 : i1 to vector<16xi1>
        %reduce_min3A_635 = tpu.scan <min>, %select_n3A_632 masked %reduce_min3A_634 : vector<16xf32>, vector<16xi1> -> vector<16xf32>
        %reduce_min3A_636 = vector.extract %reduce_min3A_635[15] : f32 from vector<16xf32>
        %broadcast_in_dim3A_637 = vector.broadcast %reduce_min3A_636 : f32 to vector<16xf32>
        %mul3A_638 = arith.constant 128 : i32
        %mul3A_639 = vector.broadcast %mul3A_638 : i32 to vector<16xi32>
        %mul3A_640 = arith.muli %all_reduce_ffs3A_465, %mul3A_639 : vector<16xi32>
        %add3A_641 = arith.addi %mul3A_640, %broadcast_in_dim3A_612 : vector<16xi32>
        %eq3A_642 = arith.constant 0 : i32
        %eq3A_643 = vector.broadcast %eq3A_642 : i32 to vector<16xi32>
        %eq3A_644 = arith.cmpi eq, %iota3A, %eq3A_643 : vector<16xi32>
        tpu.vector_store_idx %arg8[%add3A_641], %broadcast_in_dim3A_637 masked %eq3A_644 : memref<2048xf32, #tpu.memory_space<vmem>>[vector<16xi32>], vector<16xf32>, vector<16xi1>
        %broadcast_in_dim3A_645 = vector.broadcast %scan3A_215 : i32 to vector<16xi32>
        %eq3A_646 = arith.constant 0 : i32
        %eq3A_647 = vector.broadcast %eq3A_646 : i32 to vector<16xi32>
        %eq3A_648 = arith.cmpi eq, %iota3A, %eq3A_647 : vector<16xi32>
        tpu.vector_store_idx %arg11[%broadcast_in_dim3A_645], %add3A_628 masked %eq3A_648 : memref<32xi32, #tpu.memory_space<vmem>>[vector<16xi32>], vector<16xi32>, vector<16xi1>
        %broadcast_in_dim3A_649 = vector.broadcast %reduce_min3A_462 : f32 to vector<16xf32>
        %broadcast_in_dim3A_650 = vector.broadcast %scan3A_215 : i32 to vector<16xi32>
        %eq3A_651 = arith.constant 0 : i32
        %eq3A_652 = vector.broadcast %eq3A_651 : i32 to vector<16xi32>
        %eq3A_653 = arith.cmpi eq, %iota3A, %eq3A_652 : vector<16xi32>
        tpu.vector_store_idx %arg13[%broadcast_in_dim3A_650], %broadcast_in_dim3A_649 masked %eq3A_653 : memref<32xf32, #tpu.memory_space<vmem>>[vector<16xi32>], vector<16xf32>, vector<16xi1>
        %add3A_654 = arith.constant 0 : i32
        %add3A_655 = vector.broadcast %add3A_654 : i32 to vector<16xi32>
        %add3A_656 = arith.addi %add3A_655, %iota3A : vector<16xi32>
        %eq3A_657 = arith.cmpi eq, %add3A_656, %broadcast_in_dim3A_612 : vector<16xi32>
        %select_n3A_658 = arith.select %eq3A_657, %broadcast_in_dim3A_637, %gather3A_475 : vector<16xi1>, vector<16xf32>
        %add3A_659 = arith.constant 16 : i32
        %add3A_660 = vector.broadcast %add3A_659 : i32 to vector<16xi32>
        %add3A_661 = arith.addi %add3A_660, %iota3A : vector<16xi32>
        %eq3A_662 = arith.cmpi eq, %add3A_661, %broadcast_in_dim3A_612 : vector<16xi32>
        %select_n3A_663 = arith.select %eq3A_662, %broadcast_in_dim3A_637, %gather3A_492 : vector<16xi1>, vector<16xf32>
        %min3A_664 = arith.minimumf %select_n3A_658, %select_n3A_663 : vector<16xf32>
        %add3A_665 = arith.constant 32 : i32
        %add3A_666 = vector.broadcast %add3A_665 : i32 to vector<16xi32>
        %add3A_667 = arith.addi %add3A_666, %iota3A : vector<16xi32>
        %eq3A_668 = arith.cmpi eq, %add3A_667, %broadcast_in_dim3A_612 : vector<16xi32>
        %select_n3A_669 = arith.select %eq3A_668, %broadcast_in_dim3A_637, %gather3A_509 : vector<16xi1>, vector<16xf32>
        %min3A_670 = arith.minimumf %min3A_664, %select_n3A_669 : vector<16xf32>
        %add3A_671 = arith.constant 48 : i32
        %add3A_672 = vector.broadcast %add3A_671 : i32 to vector<16xi32>
        %add3A_673 = arith.addi %add3A_672, %iota3A : vector<16xi32>
        %eq3A_674 = arith.cmpi eq, %add3A_673, %broadcast_in_dim3A_612 : vector<16xi32>
        %select_n3A_675 = arith.select %eq3A_674, %broadcast_in_dim3A_637, %gather3A_526 : vector<16xi1>, vector<16xf32>
        %min3A_676 = arith.minimumf %min3A_670, %select_n3A_675 : vector<16xf32>
        %add3A_677 = arith.constant 64 : i32
        %add3A_678 = vector.broadcast %add3A_677 : i32 to vector<16xi32>
        %add3A_679 = arith.addi %add3A_678, %iota3A : vector<16xi32>
        %eq3A_680 = arith.cmpi eq, %add3A_679, %broadcast_in_dim3A_612 : vector<16xi32>
        %select_n3A_681 = arith.select %eq3A_680, %broadcast_in_dim3A_637, %gather3A_543 : vector<16xi1>, vector<16xf32>
        %min3A_682 = arith.minimumf %min3A_676, %select_n3A_681 : vector<16xf32>
        %add3A_683 = arith.constant 80 : i32
        %add3A_684 = vector.broadcast %add3A_683 : i32 to vector<16xi32>
        %add3A_685 = arith.addi %add3A_684, %iota3A : vector<16xi32>
        %eq3A_686 = arith.cmpi eq, %add3A_685, %broadcast_in_dim3A_612 : vector<16xi32>
        %select_n3A_687 = arith.select %eq3A_686, %broadcast_in_dim3A_637, %gather3A_560 : vector<16xi1>, vector<16xf32>
        %min3A_688 = arith.minimumf %min3A_682, %select_n3A_687 : vector<16xf32>
        %add3A_689 = arith.constant 96 : i32
        %add3A_690 = vector.broadcast %add3A_689 : i32 to vector<16xi32>
        %add3A_691 = arith.addi %add3A_690, %iota3A : vector<16xi32>
        %eq3A_692 = arith.cmpi eq, %add3A_691, %broadcast_in_dim3A_612 : vector<16xi32>
        %select_n3A_693 = arith.select %eq3A_692, %broadcast_in_dim3A_637, %gather3A_577 : vector<16xi1>, vector<16xf32>
        %min3A_694 = arith.minimumf %min3A_688, %select_n3A_693 : vector<16xf32>
        %add3A_695 = arith.constant 112 : i32
        %add3A_696 = vector.broadcast %add3A_695 : i32 to vector<16xi32>
        %add3A_697 = arith.addi %add3A_696, %iota3A : vector<16xi32>
        %eq3A_698 = arith.cmpi eq, %add3A_697, %broadcast_in_dim3A_612 : vector<16xi32>
        %select_n3A_699 = arith.select %eq3A_698, %broadcast_in_dim3A_637, %gather3A_594 : vector<16xi1>, vector<16xf32>
        %min3A_700 = arith.minimumf %min3A_694, %select_n3A_699 : vector<16xf32>
        %reduce_min3A_701 = arith.constant true
        %reduce_min3A_702 = vector.broadcast %reduce_min3A_701 : i1 to vector<16xi1>
        %reduce_min3A_703 = tpu.scan <min>, %min3A_700 masked %reduce_min3A_702 : vector<16xf32>, vector<16xi1> -> vector<16xf32>
        %reduce_min3A_704 = vector.extract %reduce_min3A_703[15] : f32 from vector<16xf32>
        %eq3A_705 = arith.cmpi eq, %iota3A, %all_reduce_ffs3A_465 : vector<16xi32>
        %broadcast_in_dim3A_706 = vector.broadcast %reduce_min3A_704 : f32 to vector<16xf32>
        %select_n3A_707 = arith.select %eq3A_705, %broadcast_in_dim3A_706, %scan3A_218 : vector<16xi1>, vector<16xf32>
        %broadcast_in_dim3A_708 = vector.broadcast %reduce_min3A_462 : f32 to vector<16xf32>
        %add3A_709 = arith.addf %scan3A_219, %broadcast_in_dim3A_708 : vector<16xf32>
        scf.yield %select_n3A_456, %add3A_458, %select_n3A_707, %add3A_709 : vector<16xf32>, vector<16xf32>, vector<16xf32>, vector<16xf32>
      }
      %scan3A_67 = arith.constant 32 : i32
      %reduce_max3A = arith.constant true
      %reduce_max3A_68 = vector.broadcast %reduce_max3A : i1 to vector<16xi1>
      %reduce_max3A_69 = tpu.scan <max>, %scan3A_66#1 masked %reduce_max3A_68 : vector<16xf32>, vector<16xi1> -> vector<16xf32>
      %reduce_max3A_70 = vector.extract %reduce_max3A_69[15] : f32 from vector<16xf32>
      %reduce_min3A = arith.constant true
      %reduce_min3A_71 = vector.broadcast %reduce_min3A : i1 to vector<16xi1>
      %reduce_min3A_72 = tpu.scan <min>, %scan3A_66#3 masked %reduce_min3A_71 : vector<16xf32>, vector<16xi1> -> vector<16xf32>
      %reduce_min3A_73 = vector.extract %reduce_min3A_72[15] : f32 from vector<16xf32>
      %sub3A_74 = arith.subf %mul3A_59, %reduce_max3A_70 : f32
      %mul3A_75 = arith.constant 6.260000e+00 : f32
      %mul3A_76 = arith.mulf %mul3A_75, %sub3A_74 : f32
      %sub3A_77 = arith.subf %reduce_min3A_73, %mul3A_61 : f32
      %mul3A_78 = arith.constant 6.260000e+00 : f32
      %mul3A_79 = arith.mulf %mul3A_78, %sub3A_77 : f32
      %convert_element_type3A = arith.extui %gt3A_40 : i1 to i32
      %cond3A = arith.constant 0 : i32
      %cond3A_80 = arith.cmpi ne, %convert_element_type3A, %cond3A : i32
      scf.if %cond3A_80 {
        %dma_wait3A_215 = arith.constant 0 : i32
        %dma_wait3A_216 = tpu.memref_slice %arg3[%add3A_25, %dma_wait3A_215] : memref<128x32768xf32, #tpu.memory_space<hbm>> -> memref<1x32768xf32, #tpu.memory_space<hbm>>
        %dma_wait3A_217 = tpu.memref_squeeze %dma_wait3A_216 : memref<1x32768xf32, #tpu.memory_space<hbm>> -> memref<32768xf32, #tpu.memory_space<hbm>>
        %dma_wait3A_218 = arith.constant 0 : i32
        %dma_wait3A_219 = tpu.memref_slice %arg3[%add3A_25, %dma_wait3A_218] : memref<128x32768xf32, #tpu.memory_space<hbm>> -> memref<1x32768xf32, #tpu.memory_space<hbm>>
        %dma_wait3A_220 = tpu.memref_squeeze %dma_wait3A_219 : memref<1x32768xf32, #tpu.memory_space<hbm>> -> memref<32768xf32, #tpu.memory_space<hbm>>
        tpu.wait_dma2 semaphore(%arg17 : memref<!tpu.dma_semaphore, #tpu.memory_space<semaphore_mem>>) src(%arg6 : memref<32768xf32, #tpu.memory_space<vmem>>) dst(%dma_wait3A_220 : memref<32768xf32, #tpu.memory_space<hbm>>)
        %get3A_221 = arith.constant 0 : index
        %get3A_222 = tpu.vector_load %arg10[%get3A_221] {strides = array<i32>} : memref<32xi32, #tpu.memory_space<vmem>>, vector<16xi32>,
        %broadcast_in_dim3A_223 = arith.constant 0.000000e+00 : f32
        %broadcast_in_dim3A_224 = vector.broadcast %broadcast_in_dim3A_223 : f32 to vector<16xf32>
        tpu.vector_store_idx %arg6[%get3A_222], %broadcast_in_dim3A_224 : memref<32768xf32, #tpu.memory_space<vmem>>[vector<16xi32>], vector<16xf32>,
        %get3A_225 = arith.constant 0 : index
        %get3A_226 = tpu.vector_load %arg12[%get3A_225] {strides = array<i32>} : memref<32xi32, #tpu.memory_space<vmem>>, vector<16xi32>,
        %broadcast_in_dim3A_227 = arith.constant 0.000000e+00 : f32
        %broadcast_in_dim3A_228 = vector.broadcast %broadcast_in_dim3A_227 : f32 to vector<16xf32>
        tpu.vector_store_idx %arg6[%get3A_226], %broadcast_in_dim3A_228 : memref<32768xf32, #tpu.memory_space<vmem>>[vector<16xi32>], vector<16xf32>,
        %get3A_229 = arith.constant 16 : index
        %get3A_230 = tpu.vector_load %arg10[%get3A_229] {strides = array<i32>} : memref<32xi32, #tpu.memory_space<vmem>>, vector<16xi32>,
        %broadcast_in_dim3A_231 = arith.constant 0.000000e+00 : f32
        %broadcast_in_dim3A_232 = vector.broadcast %broadcast_in_dim3A_231 : f32 to vector<16xf32>
        tpu.vector_store_idx %arg6[%get3A_230], %broadcast_in_dim3A_232 : memref<32768xf32, #tpu.memory_space<vmem>>[vector<16xi32>], vector<16xf32>,
        %get3A_233 = arith.constant 16 : index
        %get3A_234 = tpu.vector_load %arg12[%get3A_233] {strides = array<i32>} : memref<32xi32, #tpu.memory_space<vmem>>, vector<16xi32>,
        %broadcast_in_dim3A_235 = arith.constant 0.000000e+00 : f32
        %broadcast_in_dim3A_236 = vector.broadcast %broadcast_in_dim3A_235 : f32 to vector<16xf32>
        tpu.vector_store_idx %arg6[%get3A_234], %broadcast_in_dim3A_236 : memref<32768xf32, #tpu.memory_space<vmem>>[vector<16xi32>], vector<16xf32>,
      } else {
      }
      %get3A = arith.constant 0 : index
      %get3A_81 = tpu.vector_load %arg9[%get3A] {strides = array<i32>} : memref<32xi32, #tpu.memory_space<vmem>>, vector<16xi32>,
      %convert_element_type3A_82 = arith.sitofp %get3A_81 : vector<16xi32> to vector<16xf32>
      %add3A_83 = vector.broadcast %mul3A_76 : f32 to vector<16xf32>
      %add3A_84 = arith.addf %convert_element_type3A_82, %add3A_83 : vector<16xf32>
      tpu.vector_store_idx %arg6[%get3A_81], %add3A_84 : memref<32768xf32, #tpu.memory_space<vmem>>[vector<16xi32>], vector<16xf32>,
      %get3A_85 = arith.constant 0 : index
      %get3A_86 = tpu.vector_load %arg11[%get3A_85] {strides = array<i32>} : memref<32xi32, #tpu.memory_space<vmem>>, vector<16xi32>,
      %get3A_87 = arith.constant 0 : index
      %get3A_88 = tpu.vector_load %arg13[%get3A_87] {strides = array<i32>} : memref<32xf32, #tpu.memory_space<vmem>>, vector<16xf32>,
      %sub3A_89 = vector.broadcast %mul3A_79 : f32 to vector<16xf32>
      %sub3A_90 = arith.subf %get3A_88, %sub3A_89 : vector<16xf32>
      tpu.vector_store_idx %arg6[%get3A_86], %sub3A_90 : memref<32768xf32, #tpu.memory_space<vmem>>[vector<16xi32>], vector<16xf32>,
      %get3A_91 = arith.constant 16 : index
      %get3A_92 = tpu.vector_load %arg9[%get3A_91] {strides = array<i32>} : memref<32xi32, #tpu.memory_space<vmem>>, vector<16xi32>,
      %convert_element_type3A_93 = arith.sitofp %get3A_92 : vector<16xi32> to vector<16xf32>
      %add3A_94 = vector.broadcast %mul3A_76 : f32 to vector<16xf32>
      %add3A_95 = arith.addf %convert_element_type3A_93, %add3A_94 : vector<16xf32>
      tpu.vector_store_idx %arg6[%get3A_92], %add3A_95 : memref<32768xf32, #tpu.memory_space<vmem>>[vector<16xi32>], vector<16xf32>,
      %get3A_96 = arith.constant 16 : index
      %get3A_97 = tpu.vector_load %arg11[%get3A_96] {strides = array<i32>} : memref<32xi32, #tpu.memory_space<vmem>>, vector<16xi32>,
      %get3A_98 = arith.constant 16 : index
      %get3A_99 = tpu.vector_load %arg13[%get3A_98] {strides = array<i32>} : memref<32xf32, #tpu.memory_space<vmem>>, vector<16xf32>,
      %sub3A_100 = vector.broadcast %mul3A_79 : f32 to vector<16xf32>
      %sub3A_101 = arith.subf %get3A_99, %sub3A_100 : vector<16xf32>
      tpu.vector_store_idx %arg6[%get3A_97], %sub3A_101 : memref<32768xf32, #tpu.memory_space<vmem>>[vector<16xi32>], vector<16xf32>,
      %dma_start3A_102 = arith.constant 0 : i32
      %dma_start3A_103 = tpu.memref_slice %arg3[%add3A_25, %dma_start3A_102] : memref<128x32768xf32, #tpu.memory_space<hbm>> -> memref<1x32768xf32, #tpu.memory_space<hbm>>
      %dma_start3A_104 = tpu.memref_squeeze %dma_start3A_103 : memref<1x32768xf32, #tpu.memory_space<hbm>> -> memref<32768xf32, #tpu.memory_space<hbm>>
      %dma_start3A_105 = arith.constant 0 : i32
      %dma_start3A_106 = tpu.memref_slice %arg3[%add3A_25, %dma_start3A_105] : memref<128x32768xf32, #tpu.memory_space<hbm>> -> memref<1x32768xf32, #tpu.memory_space<hbm>>
      %dma_start3A_107 = tpu.memref_squeeze %dma_start3A_106 : memref<1x32768xf32, #tpu.memory_space<hbm>> -> memref<32768xf32, #tpu.memory_space<hbm>>
      tpu.enqueue_dma source(%arg6 : memref<32768xf32, #tpu.memory_space<vmem>>) target(%dma_start3A_107 : memref<32768xf32, #tpu.memory_space<hbm>>) target_semaphore(%arg17 : memref<!tpu.dma_semaphore, #tpu.memory_space<semaphore_mem>>)
      %dma_wait3A_108 = arith.constant 0 : i32
      %dma_wait3A_109 = tpu.memref_slice %arg2[%add3A_27, %dma_wait3A_108] : memref<128x32768xf32, #tpu.memory_space<hbm>> -> memref<1x32768xf32, #tpu.memory_space<hbm>>
      %dma_wait3A_110 = tpu.memref_squeeze %dma_wait3A_109 : memref<1x32768xf32, #tpu.memory_space<hbm>> -> memref<32768xf32, #tpu.memory_space<hbm>>
      %dma_wait3A_111 = arith.constant 0 : i32
      %dma_wait3A_112 = tpu.memref_slice %arg2[%add3A_27, %dma_wait3A_111] : memref<128x32768xf32, #tpu.memory_space<hbm>> -> memref<1x32768xf32, #tpu.memory_space<hbm>>
      %dma_wait3A_113 = tpu.memref_squeeze %dma_wait3A_112 : memref<1x32768xf32, #tpu.memory_space<hbm>> -> memref<32768xf32, #tpu.memory_space<hbm>>
      tpu.wait_dma2 semaphore(%arg16 : memref<!tpu.dma_semaphore, #tpu.memory_space<semaphore_mem>>) src(%dma_wait3A_113 : memref<32768xf32, #tpu.memory_space<hbm>>) dst(%arg5 : memref<32768xf32, #tpu.memory_space<vmem>>)
      %add3A_114 = arith.constant 1 : i32
      %add3A_115 = arith.addi %scan3A_21, %add3A_114 : i32
      %lt3A = arith.constant 2 : i32
      %lt3A_116 = arith.cmpi slt, %add3A_115, %lt3A : i32
      %convert_element_type3A_117 = arith.extui %lt3A_116 : i1 to i32
      %cond3A_118 = arith.constant 0 : i32
      %cond3A_119 = arith.cmpi ne, %convert_element_type3A_117, %cond3A_118 : i32
      scf.if %cond3A_119 {
        %add3A_215 = arith.constant 1 : i32
        %add3A_216 = arith.addi %add3A_27, %add3A_215 : i32
        %dma_start3A_217 = arith.constant 0 : i32
        %dma_start3A_218 = tpu.memref_slice %arg2[%add3A_216, %dma_start3A_217] : memref<128x32768xf32, #tpu.memory_space<hbm>> -> memref<1x32768xf32, #tpu.memory_space<hbm>>
        %dma_start3A_219 = tpu.memref_squeeze %dma_start3A_218 : memref<1x32768xf32, #tpu.memory_space<hbm>> -> memref<32768xf32, #tpu.memory_space<hbm>>
        %dma_start3A_220 = arith.constant 0 : i32
        %dma_start3A_221 = tpu.memref_slice %arg2[%add3A_216, %dma_start3A_220] : memref<128x32768xf32, #tpu.memory_space<hbm>> -> memref<1x32768xf32, #tpu.memory_space<hbm>>
        %dma_start3A_222 = tpu.memref_squeeze %dma_start3A_221 : memref<1x32768xf32, #tpu.memory_space<hbm>> -> memref<32768xf32, #tpu.memory_space<hbm>>
        tpu.enqueue_dma source(%dma_start3A_222 : memref<32768xf32, #tpu.memory_space<hbm>>) target(%arg4 : memref<32768xf32, #tpu.memory_space<vmem>>) target_semaphore(%arg15 : memref<!tpu.dma_semaphore, #tpu.memory_space<semaphore_mem>>)
      } else {
      }
      %broadcast_in_dim3A_120 = arith.constant 0.000000e+00 : f32
      %broadcast_in_dim3A_121 = vector.broadcast %broadcast_in_dim3A_120 : f32 to vector<16xf32>
      %broadcast_in_dim3A_122 = arith.constant 0xFF800000 : f32
      %broadcast_in_dim3A_123 = vector.broadcast %broadcast_in_dim3A_122 : f32 to vector<16xf32>
      %broadcast_in_dim3A_124 = arith.constant 0x7F800000 : f32
      %broadcast_in_dim3A_125 = vector.broadcast %broadcast_in_dim3A_124 : f32 to vector<16xf32>
      %parallel_loop3A_126 = arith.constant 0 : i32
      %parallel_loop3A_127 = arith.constant 128 : i32
      %parallel_loop3A_128 = arith.constant 1 : i32
      %parallel_loop3A_129:4 = scf.for %parallel_loop3A_215 = %parallel_loop3A_126 to %parallel_loop3A_127 step %parallel_loop3A_128 iter_args(%parallel_loop3A_216 = %broadcast_in_dim3A_121, %parallel_loop3A_217 = %broadcast_in_dim3A_121, %parallel_loop3A_218 = %broadcast_in_dim3A_123, %parallel_loop3A_219 = %broadcast_in_dim3A_125) -> (vector<16xf32>, vector<16xf32>, vector<16xf32>, vector<16xf32>)  : i32 {
        %parallel_loop3A_220 = arith.constant 256 : i32
        %parallel_loop3A_221 = arith.muli %parallel_loop3A_215, %parallel_loop3A_220 : i32
        %parallel_loop3A_222 = arith.index_cast %parallel_loop3A_221 : i32 to index
        %parallel_loop3A_223 = tpu.vector_load %arg5[%parallel_loop3A_222] {strides = array<i32>} : memref<32768xf32, #tpu.memory_space<vmem>>, vector<16xf32>,
        %parallel_loop3A_224 = math.absf %parallel_loop3A_223 : vector<16xf32>
        %parallel_loop3A_225 = arith.constant 16 : i32
        %parallel_loop3A_226 = arith.addi %parallel_loop3A_221, %parallel_loop3A_225 : i32
        %parallel_loop3A_227 = arith.index_cast %parallel_loop3A_226 : i32 to index
        %parallel_loop3A_228 = tpu.vector_load %arg5[%parallel_loop3A_227] {strides = array<i32>} : memref<32768xf32, #tpu.memory_space<vmem>>, vector<16xf32>,
        %parallel_loop3A_229 = arith.maximumf %parallel_loop3A_223, %parallel_loop3A_228 : vector<16xf32>
        %parallel_loop3A_230 = arith.minimumf %parallel_loop3A_223, %parallel_loop3A_228 : vector<16xf32>
        %parallel_loop3A_231 = arith.addf %parallel_loop3A_223, %parallel_loop3A_228 : vector<16xf32>
        %parallel_loop3A_232 = math.absf %parallel_loop3A_228 : vector<16xf32>
        %parallel_loop3A_233 = arith.addf %parallel_loop3A_224, %parallel_loop3A_232 : vector<16xf32>
        %parallel_loop3A_234 = arith.constant 32 : i32
        %parallel_loop3A_235 = arith.addi %parallel_loop3A_221, %parallel_loop3A_234 : i32
        %parallel_loop3A_236 = arith.index_cast %parallel_loop3A_235 : i32 to index
        %parallel_loop3A_237 = tpu.vector_load %arg5[%parallel_loop3A_236] {strides = array<i32>} : memref<32768xf32, #tpu.memory_space<vmem>>, vector<16xf32>,
        %parallel_loop3A_238 = arith.maximumf %parallel_loop3A_229, %parallel_loop3A_237 : vector<16xf32>
        %parallel_loop3A_239 = arith.minimumf %parallel_loop3A_230, %parallel_loop3A_237 : vector<16xf32>
        %parallel_loop3A_240 = arith.addf %parallel_loop3A_231, %parallel_loop3A_237 : vector<16xf32>
        %parallel_loop3A_241 = math.absf %parallel_loop3A_237 : vector<16xf32>
        %parallel_loop3A_242 = arith.addf %parallel_loop3A_233, %parallel_loop3A_241 : vector<16xf32>
        %parallel_loop3A_243 = arith.constant 48 : i32
        %parallel_loop3A_244 = arith.addi %parallel_loop3A_221, %parallel_loop3A_243 : i32
        %parallel_loop3A_245 = arith.index_cast %parallel_loop3A_244 : i32 to index
        %parallel_loop3A_246 = tpu.vector_load %arg5[%parallel_loop3A_245] {strides = array<i32>} : memref<32768xf32, #tpu.memory_space<vmem>>, vector<16xf32>,
        %parallel_loop3A_247 = arith.maximumf %parallel_loop3A_238, %parallel_loop3A_246 : vector<16xf32>
        %parallel_loop3A_248 = arith.minimumf %parallel_loop3A_239, %parallel_loop3A_246 : vector<16xf32>
        %parallel_loop3A_249 = arith.addf %parallel_loop3A_240, %parallel_loop3A_246 : vector<16xf32>
        %parallel_loop3A_250 = math.absf %parallel_loop3A_246 : vector<16xf32>
        %parallel_loop3A_251 = arith.addf %parallel_loop3A_242, %parallel_loop3A_250 : vector<16xf32>
        %parallel_loop3A_252 = arith.constant 64 : i32
        %parallel_loop3A_253 = arith.addi %parallel_loop3A_221, %parallel_loop3A_252 : i32
        %parallel_loop3A_254 = arith.index_cast %parallel_loop3A_253 : i32 to index
        %parallel_loop3A_255 = tpu.vector_load %arg5[%parallel_loop3A_254] {strides = array<i32>} : memref<32768xf32, #tpu.memory_space<vmem>>, vector<16xf32>,
        %parallel_loop3A_256 = arith.maximumf %parallel_loop3A_247, %parallel_loop3A_255 : vector<16xf32>
        %parallel_loop3A_257 = arith.minimumf %parallel_loop3A_248, %parallel_loop3A_255 : vector<16xf32>
        %parallel_loop3A_258 = arith.addf %parallel_loop3A_249, %parallel_loop3A_255 : vector<16xf32>
        %parallel_loop3A_259 = math.absf %parallel_loop3A_255 : vector<16xf32>
        %parallel_loop3A_260 = arith.addf %parallel_loop3A_251, %parallel_loop3A_259 : vector<16xf32>
        %parallel_loop3A_261 = arith.constant 80 : i32
        %parallel_loop3A_262 = arith.addi %parallel_loop3A_221, %parallel_loop3A_261 : i32
        %parallel_loop3A_263 = arith.index_cast %parallel_loop3A_262 : i32 to index
        %parallel_loop3A_264 = tpu.vector_load %arg5[%parallel_loop3A_263] {strides = array<i32>} : memref<32768xf32, #tpu.memory_space<vmem>>, vector<16xf32>,
        %parallel_loop3A_265 = arith.maximumf %parallel_loop3A_256, %parallel_loop3A_264 : vector<16xf32>
        %parallel_loop3A_266 = arith.minimumf %parallel_loop3A_257, %parallel_loop3A_264 : vector<16xf32>
        %parallel_loop3A_267 = arith.addf %parallel_loop3A_258, %parallel_loop3A_264 : vector<16xf32>
        %parallel_loop3A_268 = math.absf %parallel_loop3A_264 : vector<16xf32>
        %parallel_loop3A_269 = arith.addf %parallel_loop3A_260, %parallel_loop3A_268 : vector<16xf32>
        %parallel_loop3A_270 = arith.constant 96 : i32
        %parallel_loop3A_271 = arith.addi %parallel_loop3A_221, %parallel_loop3A_270 : i32
        %parallel_loop3A_272 = arith.index_cast %parallel_loop3A_271 : i32 to index
        %parallel_loop3A_273 = tpu.vector_load %arg5[%parallel_loop3A_272] {strides = array<i32>} : memref<32768xf32, #tpu.memory_space<vmem>>, vector<16xf32>,
        %parallel_loop3A_274 = arith.maximumf %parallel_loop3A_265, %parallel_loop3A_273 : vector<16xf32>
        %parallel_loop3A_275 = arith.minimumf %parallel_loop3A_266, %parallel_loop3A_273 : vector<16xf32>
        %parallel_loop3A_276 = arith.addf %parallel_loop3A_267, %parallel_loop3A_273 : vector<16xf32>
        %parallel_loop3A_277 = math.absf %parallel_loop3A_273 : vector<16xf32>
        %parallel_loop3A_278 = arith.addf %parallel_loop3A_269, %parallel_loop3A_277 : vector<16xf32>
        %parallel_loop3A_279 = arith.constant 112 : i32
        %parallel_loop3A_280 = arith.addi %parallel_loop3A_221, %parallel_loop3A_279 : i32
        %parallel_loop3A_281 = arith.index_cast %parallel_loop3A_280 : i32 to index
        %parallel_loop3A_282 = tpu.vector_load %arg5[%parallel_loop3A_281] {strides = array<i32>} : memref<32768xf32, #tpu.memory_space<vmem>>, vector<16xf32>,
        %parallel_loop3A_283 = arith.maximumf %parallel_loop3A_274, %parallel_loop3A_282 : vector<16xf32>
        %parallel_loop3A_284 = arith.minimumf %parallel_loop3A_275, %parallel_loop3A_282 : vector<16xf32>
        %parallel_loop3A_285 = arith.addf %parallel_loop3A_276, %parallel_loop3A_282 : vector<16xf32>
        %parallel_loop3A_286 = math.absf %parallel_loop3A_282 : vector<16xf32>
        %parallel_loop3A_287 = arith.addf %parallel_loop3A_278, %parallel_loop3A_286 : vector<16xf32>
        %parallel_loop3A_288 = arith.constant 128 : i32
        %parallel_loop3A_289 = arith.addi %parallel_loop3A_221, %parallel_loop3A_288 : i32
        %parallel_loop3A_290 = arith.index_cast %parallel_loop3A_289 : i32 to index
        %parallel_loop3A_291 = tpu.vector_load %arg5[%parallel_loop3A_290] {strides = array<i32>} : memref<32768xf32, #tpu.memory_space<vmem>>, vector<16xf32>,
        %parallel_loop3A_292 = arith.maximumf %parallel_loop3A_283, %parallel_loop3A_291 : vector<16xf32>
        %parallel_loop3A_293 = arith.minimumf %parallel_loop3A_284, %parallel_loop3A_291 : vector<16xf32>
        %parallel_loop3A_294 = arith.addf %parallel_loop3A_285, %parallel_loop3A_291 : vector<16xf32>
        %parallel_loop3A_295 = math.absf %parallel_loop3A_291 : vector<16xf32>
        %parallel_loop3A_296 = arith.addf %parallel_loop3A_287, %parallel_loop3A_295 : vector<16xf32>
        %parallel_loop3A_297 = arith.constant 144 : i32
        %parallel_loop3A_298 = arith.addi %parallel_loop3A_221, %parallel_loop3A_297 : i32
        %parallel_loop3A_299 = arith.index_cast %parallel_loop3A_298 : i32 to index
        %parallel_loop3A_300 = tpu.vector_load %arg5[%parallel_loop3A_299] {strides = array<i32>} : memref<32768xf32, #tpu.memory_space<vmem>>, vector<16xf32>,
        %parallel_loop3A_301 = arith.maximumf %parallel_loop3A_292, %parallel_loop3A_300 : vector<16xf32>
        %parallel_loop3A_302 = arith.minimumf %parallel_loop3A_293, %parallel_loop3A_300 : vector<16xf32>
        %parallel_loop3A_303 = arith.addf %parallel_loop3A_294, %parallel_loop3A_300 : vector<16xf32>
        %parallel_loop3A_304 = math.absf %parallel_loop3A_300 : vector<16xf32>
        %parallel_loop3A_305 = arith.addf %parallel_loop3A_296, %parallel_loop3A_304 : vector<16xf32>
        %parallel_loop3A_306 = arith.constant 160 : i32
        %parallel_loop3A_307 = arith.addi %parallel_loop3A_221, %parallel_loop3A_306 : i32
        %parallel_loop3A_308 = arith.index_cast %parallel_loop3A_307 : i32 to index
        %parallel_loop3A_309 = tpu.vector_load %arg5[%parallel_loop3A_308] {strides = array<i32>} : memref<32768xf32, #tpu.memory_space<vmem>>, vector<16xf32>,
        %parallel_loop3A_310 = arith.maximumf %parallel_loop3A_301, %parallel_loop3A_309 : vector<16xf32>
        %parallel_loop3A_311 = arith.minimumf %parallel_loop3A_302, %parallel_loop3A_309 : vector<16xf32>
        %parallel_loop3A_312 = arith.addf %parallel_loop3A_303, %parallel_loop3A_309 : vector<16xf32>
        %parallel_loop3A_313 = math.absf %parallel_loop3A_309 : vector<16xf32>
        %parallel_loop3A_314 = arith.addf %parallel_loop3A_305, %parallel_loop3A_313 : vector<16xf32>
        %parallel_loop3A_315 = arith.constant 176 : i32
        %parallel_loop3A_316 = arith.addi %parallel_loop3A_221, %parallel_loop3A_315 : i32
        %parallel_loop3A_317 = arith.index_cast %parallel_loop3A_316 : i32 to index
        %parallel_loop3A_318 = tpu.vector_load %arg5[%parallel_loop3A_317] {strides = array<i32>} : memref<32768xf32, #tpu.memory_space<vmem>>, vector<16xf32>,
        %parallel_loop3A_319 = arith.maximumf %parallel_loop3A_310, %parallel_loop3A_318 : vector<16xf32>
        %parallel_loop3A_320 = arith.minimumf %parallel_loop3A_311, %parallel_loop3A_318 : vector<16xf32>
        %parallel_loop3A_321 = arith.addf %parallel_loop3A_312, %parallel_loop3A_318 : vector<16xf32>
        %parallel_loop3A_322 = math.absf %parallel_loop3A_318 : vector<16xf32>
        %parallel_loop3A_323 = arith.addf %parallel_loop3A_314, %parallel_loop3A_322 : vector<16xf32>
        %parallel_loop3A_324 = arith.constant 192 : i32
        %parallel_loop3A_325 = arith.addi %parallel_loop3A_221, %parallel_loop3A_324 : i32
        %parallel_loop3A_326 = arith.index_cast %parallel_loop3A_325 : i32 to index
        %parallel_loop3A_327 = tpu.vector_load %arg5[%parallel_loop3A_326] {strides = array<i32>} : memref<32768xf32, #tpu.memory_space<vmem>>, vector<16xf32>,
        %parallel_loop3A_328 = arith.maximumf %parallel_loop3A_319, %parallel_loop3A_327 : vector<16xf32>
        %parallel_loop3A_329 = arith.minimumf %parallel_loop3A_320, %parallel_loop3A_327 : vector<16xf32>
        %parallel_loop3A_330 = arith.addf %parallel_loop3A_321, %parallel_loop3A_327 : vector<16xf32>
        %parallel_loop3A_331 = math.absf %parallel_loop3A_327 : vector<16xf32>
        %parallel_loop3A_332 = arith.addf %parallel_loop3A_323, %parallel_loop3A_331 : vector<16xf32>
        %parallel_loop3A_333 = arith.constant 208 : i32
        %parallel_loop3A_334 = arith.addi %parallel_loop3A_221, %parallel_loop3A_333 : i32
        %parallel_loop3A_335 = arith.index_cast %parallel_loop3A_334 : i32 to index
        %parallel_loop3A_336 = tpu.vector_load %arg5[%parallel_loop3A_335] {strides = array<i32>} : memref<32768xf32, #tpu.memory_space<vmem>>, vector<16xf32>,
        %parallel_loop3A_337 = arith.maximumf %parallel_loop3A_328, %parallel_loop3A_336 : vector<16xf32>
        %parallel_loop3A_338 = arith.minimumf %parallel_loop3A_329, %parallel_loop3A_336 : vector<16xf32>
        %parallel_loop3A_339 = arith.addf %parallel_loop3A_330, %parallel_loop3A_336 : vector<16xf32>
        %parallel_loop3A_340 = math.absf %parallel_loop3A_336 : vector<16xf32>
        %parallel_loop3A_341 = arith.addf %parallel_loop3A_332, %parallel_loop3A_340 : vector<16xf32>
        %parallel_loop3A_342 = arith.constant 224 : i32
        %parallel_loop3A_343 = arith.addi %parallel_loop3A_221, %parallel_loop3A_342 : i32
        %parallel_loop3A_344 = arith.index_cast %parallel_loop3A_343 : i32 to index
        %parallel_loop3A_345 = tpu.vector_load %arg5[%parallel_loop3A_344] {strides = array<i32>} : memref<32768xf32, #tpu.memory_space<vmem>>, vector<16xf32>,
        %parallel_loop3A_346 = arith.maximumf %parallel_loop3A_337, %parallel_loop3A_345 : vector<16xf32>
        %parallel_loop3A_347 = arith.minimumf %parallel_loop3A_338, %parallel_loop3A_345 : vector<16xf32>
        %parallel_loop3A_348 = arith.addf %parallel_loop3A_339, %parallel_loop3A_345 : vector<16xf32>
        %parallel_loop3A_349 = math.absf %parallel_loop3A_345 : vector<16xf32>
        %parallel_loop3A_350 = arith.addf %parallel_loop3A_341, %parallel_loop3A_349 : vector<16xf32>
        %parallel_loop3A_351 = arith.constant 240 : i32
        %parallel_loop3A_352 = arith.addi %parallel_loop3A_221, %parallel_loop3A_351 : i32
        %parallel_loop3A_353 = arith.index_cast %parallel_loop3A_352 : i32 to index
        %parallel_loop3A_354 = tpu.vector_load %arg5[%parallel_loop3A_353] {strides = array<i32>} : memref<32768xf32, #tpu.memory_space<vmem>>, vector<16xf32>,
        %parallel_loop3A_355 = arith.maximumf %parallel_loop3A_346, %parallel_loop3A_354 : vector<16xf32>
        %parallel_loop3A_356 = arith.minimumf %parallel_loop3A_347, %parallel_loop3A_354 : vector<16xf32>
        %parallel_loop3A_357 = arith.addf %parallel_loop3A_348, %parallel_loop3A_354 : vector<16xf32>
        %parallel_loop3A_358 = math.absf %parallel_loop3A_354 : vector<16xf32>
        %parallel_loop3A_359 = arith.addf %parallel_loop3A_350, %parallel_loop3A_358 : vector<16xf32>
        %parallel_loop3A_360 = arith.constant 128 : i32
        %parallel_loop3A_361 = vector.broadcast %parallel_loop3A_360 : i32 to vector<16xi32>
        %parallel_loop3A_362 = arith.muli %iota3A, %parallel_loop3A_361 : vector<16xi32>
        %parallel_loop3A_363 = vector.broadcast %parallel_loop3A_215 : i32 to vector<16xi32>
        %parallel_loop3A_364 = arith.addi %parallel_loop3A_362, %parallel_loop3A_363 : vector<16xi32>
        tpu.vector_store_idx %arg7[%parallel_loop3A_364], %parallel_loop3A_355 : memref<2048xf32, #tpu.memory_space<vmem>>[vector<16xi32>], vector<16xf32>,
        %parallel_loop3A_365 = arith.constant 128 : i32
        %parallel_loop3A_366 = vector.broadcast %parallel_loop3A_365 : i32 to vector<16xi32>
        %parallel_loop3A_367 = arith.muli %iota3A, %parallel_loop3A_366 : vector<16xi32>
        %parallel_loop3A_368 = vector.broadcast %parallel_loop3A_215 : i32 to vector<16xi32>
        %parallel_loop3A_369 = arith.addi %parallel_loop3A_367, %parallel_loop3A_368 : vector<16xi32>
        tpu.vector_store_idx %arg8[%parallel_loop3A_369], %parallel_loop3A_356 : memref<2048xf32, #tpu.memory_space<vmem>>[vector<16xi32>], vector<16xf32>,
        %parallel_loop3A_370 = arith.addf %parallel_loop3A_216, %parallel_loop3A_357 : vector<16xf32>
        %parallel_loop3A_371 = arith.addf %parallel_loop3A_217, %parallel_loop3A_359 : vector<16xf32>
        %parallel_loop3A_372 = arith.maximumf %parallel_loop3A_218, %parallel_loop3A_355 : vector<16xf32>
        %parallel_loop3A_373 = arith.minimumf %parallel_loop3A_219, %parallel_loop3A_356 : vector<16xf32>
        scf.yield %parallel_loop3A_370, %parallel_loop3A_371, %parallel_loop3A_372, %parallel_loop3A_373 : vector<16xf32>, vector<16xf32>, vector<16xf32>, vector<16xf32>
      } {sc.loop_unroll_factor = 2 : i64, sc.parallel_access}
      %reduce_sum3A_130 = arith.constant true
      %reduce_sum3A_131 = vector.broadcast %reduce_sum3A_130 : i1 to vector<16xi1>
      %reduce_sum3A_132 = tpu.scan <sum>, %parallel_loop3A_129#0 masked %reduce_sum3A_131 : vector<16xf32>, vector<16xi1> -> vector<16xf32>
      %reduce_sum3A_133 = vector.extract %reduce_sum3A_132[15] : f32 from vector<16xf32>
      %reduce_sum3A_134 = arith.constant true
      %reduce_sum3A_135 = vector.broadcast %reduce_sum3A_134 : i1 to vector<16xi1>
      %reduce_sum3A_136 = tpu.scan <sum>, %parallel_loop3A_129#1 masked %reduce_sum3A_135 : vector<16xf32>, vector<16xi1> -> vector<16xf32>
      %reduce_sum3A_137 = vector.extract %reduce_sum3A_136[15] : f32 from vector<16xf32>
      %add3A_138 = arith.addf %reduce_sum3A_137, %reduce_sum3A_133 : f32
      %mul3A_139 = arith.constant 5.000000e-01 : f32
      %mul3A_140 = arith.mulf %mul3A_139, %add3A_138 : f32
      %sub3A_141 = arith.subf %reduce_sum3A_133, %reduce_sum3A_137 : f32
      %mul3A_142 = arith.constant 5.000000e-01 : f32
      %mul3A_143 = arith.mulf %mul3A_142, %sub3A_141 : f32
      %scan3A_144 = arith.constant 0 : i32
      %scan3A_145 = arith.constant 32 : i32
      %scan3A_146 = arith.addi %scan3A_144, %scan3A_145 : i32
      %scan3A_147 = arith.constant 1 : i32
      %scan3A_148:4 = scf.for %scan3A_215 = %scan3A_144 to %scan3A_146 step %scan3A_147 iter_args(%scan3A_216 = %parallel_loop3A_129#2, %scan3A_217 = %broadcast_in_dim3A_121, %scan3A_218 = %parallel_loop3A_129#3, %scan3A_219 = %broadcast_in_dim3A_121) -> (vector<16xf32>, vector<16xf32>, vector<16xf32>, vector<16xf32>)  : i32 {
        %reduce_max3A_220 = arith.constant true
        %reduce_max3A_221 = vector.broadcast %reduce_max3A_220 : i1 to vector<16xi1>
        %reduce_max3A_222 = tpu.scan <max>, %scan3A_216 masked %reduce_max3A_221 : vector<16xf32>, vector<16xi1> -> vector<16xf32>
        %reduce_max3A_223 = vector.extract %reduce_max3A_222[15] : f32 from vector<16xf32>
        %eq3A = vector.broadcast %reduce_max3A_223 : f32 to vector<16xf32>
        %eq3A_224 = arith.cmpf oeq, %scan3A_216, %eq3A : vector<16xf32>
        %all_reduce_ffs3A = tpu.all_reduce %eq3A_224 {dim = 0 : i64, kind = #tpu.reduction_kind<find_first_set>} : vector<16xi1> -> vector<16xi32>
        %broadcast_in_dim3A_225 = arith.constant 128 : i32
        %broadcast_in_dim3A_226 = vector.broadcast %broadcast_in_dim3A_225 : i32 to vector<16xi32>
        %mul3A_227 = arith.constant 128 : i32
        %mul3A_228 = vector.broadcast %mul3A_227 : i32 to vector<16xi32>
        %mul3A_229 = arith.muli %all_reduce_ffs3A, %mul3A_228 : vector<16xi32>
        %add3A_230 = arith.constant 0 : i32
        %add3A_231 = vector.broadcast %add3A_230 : i32 to vector<16xi32>
        %add3A_232 = arith.addi %mul3A_229, %add3A_231 : vector<16xi32>
        %add3A_233 = arith.addi %add3A_232, %iota3A : vector<16xi32>
        %gather3A = tpu.vector_load_idx %arg7[%add3A_233] : memref<2048xf32, #tpu.memory_space<vmem>>[vector<16xi32>], vector<16xf32>,
        %eq3A_234 = vector.broadcast %reduce_max3A_223 : f32 to vector<16xf32>
        %eq3A_235 = arith.cmpf oeq, %gather3A, %eq3A_234 : vector<16xf32>
        %add3A_236 = arith.constant 0 : i32
        %add3A_237 = vector.broadcast %add3A_236 : i32 to vector<16xi32>
        %add3A_238 = arith.addi %iota3A, %add3A_237 : vector<16xi32>
        %jit3A = arith.constant 128 : i32
        %broadcast_in_dim3A_239 = vector.broadcast %jit3A : i32 to vector<16xi32>
        %select_n3A = arith.select %eq3A_235, %add3A_238, %broadcast_in_dim3A_239 : vector<16xi1>, vector<16xi32>
        %min3A = arith.minsi %broadcast_in_dim3A_226, %select_n3A : vector<16xi32>
        %mul3A_240 = arith.constant 128 : i32
        %mul3A_241 = vector.broadcast %mul3A_240 : i32 to vector<16xi32>
        %mul3A_242 = arith.muli %all_reduce_ffs3A, %mul3A_241 : vector<16xi32>
        %add3A_243 = arith.constant 16 : i32
        %add3A_244 = vector.broadcast %add3A_243 : i32 to vector<16xi32>
        %add3A_245 = arith.addi %mul3A_242, %add3A_244 : vector<16xi32>
        %add3A_246 = arith.addi %add3A_245, %iota3A : vector<16xi32>
        %gather3A_247 = tpu.vector_load_idx %arg7[%add3A_246] : memref<2048xf32, #tpu.memory_space<vmem>>[vector<16xi32>], vector<16xf32>,
        %eq3A_248 = vector.broadcast %reduce_max3A_223 : f32 to vector<16xf32>
        %eq3A_249 = arith.cmpf oeq, %gather3A_247, %eq3A_248 : vector<16xf32>
        %add3A_250 = arith.constant 16 : i32
        %add3A_251 = vector.broadcast %add3A_250 : i32 to vector<16xi32>
        %add3A_252 = arith.addi %iota3A, %add3A_251 : vector<16xi32>
        %jit3A_253 = arith.constant 128 : i32
        %broadcast_in_dim3A_254 = vector.broadcast %jit3A_253 : i32 to vector<16xi32>
        %select_n3A_255 = arith.select %eq3A_249, %add3A_252, %broadcast_in_dim3A_254 : vector<16xi1>, vector<16xi32>
        %min3A_256 = arith.minsi %min3A, %select_n3A_255 : vector<16xi32>
        %mul3A_257 = arith.constant 128 : i32
        %mul3A_258 = vector.broadcast %mul3A_257 : i32 to vector<16xi32>
        %mul3A_259 = arith.muli %all_reduce_ffs3A, %mul3A_258 : vector<16xi32>
        %add3A_260 = arith.constant 32 : i32
        %add3A_261 = vector.broadcast %add3A_260 : i32 to vector<16xi32>
        %add3A_262 = arith.addi %mul3A_259, %add3A_261 : vector<16xi32>
        %add3A_263 = arith.addi %add3A_262, %iota3A : vector<16xi32>
        %gather3A_264 = tpu.vector_load_idx %arg7[%add3A_263] : memref<2048xf32, #tpu.memory_space<vmem>>[vector<16xi32>], vector<16xf32>,
        %eq3A_265 = vector.broadcast %reduce_max3A_223 : f32 to vector<16xf32>
        %eq3A_266 = arith.cmpf oeq, %gather3A_264, %eq3A_265 : vector<16xf32>
        %add3A_267 = arith.constant 32 : i32
        %add3A_268 = vector.broadcast %add3A_267 : i32 to vector<16xi32>
        %add3A_269 = arith.addi %iota3A, %add3A_268 : vector<16xi32>
        %jit3A_270 = arith.constant 128 : i32
        %broadcast_in_dim3A_271 = vector.broadcast %jit3A_270 : i32 to vector<16xi32>
        %select_n3A_272 = arith.select %eq3A_266, %add3A_269, %broadcast_in_dim3A_271 : vector<16xi1>, vector<16xi32>
        %min3A_273 = arith.minsi %min3A_256, %select_n3A_272 : vector<16xi32>
        %mul3A_274 = arith.constant 128 : i32
        %mul3A_275 = vector.broadcast %mul3A_274 : i32 to vector<16xi32>
        %mul3A_276 = arith.muli %all_reduce_ffs3A, %mul3A_275 : vector<16xi32>
        %add3A_277 = arith.constant 48 : i32
        %add3A_278 = vector.broadcast %add3A_277 : i32 to vector<16xi32>
        %add3A_279 = arith.addi %mul3A_276, %add3A_278 : vector<16xi32>
        %add3A_280 = arith.addi %add3A_279, %iota3A : vector<16xi32>
        %gather3A_281 = tpu.vector_load_idx %arg7[%add3A_280] : memref<2048xf32, #tpu.memory_space<vmem>>[vector<16xi32>], vector<16xf32>,
        %eq3A_282 = vector.broadcast %reduce_max3A_223 : f32 to vector<16xf32>
        %eq3A_283 = arith.cmpf oeq, %gather3A_281, %eq3A_282 : vector<16xf32>
        %add3A_284 = arith.constant 48 : i32
        %add3A_285 = vector.broadcast %add3A_284 : i32 to vector<16xi32>
        %add3A_286 = arith.addi %iota3A, %add3A_285 : vector<16xi32>
        %jit3A_287 = arith.constant 128 : i32
        %broadcast_in_dim3A_288 = vector.broadcast %jit3A_287 : i32 to vector<16xi32>
        %select_n3A_289 = arith.select %eq3A_283, %add3A_286, %broadcast_in_dim3A_288 : vector<16xi1>, vector<16xi32>
        %min3A_290 = arith.minsi %min3A_273, %select_n3A_289 : vector<16xi32>
        %mul3A_291 = arith.constant 128 : i32
        %mul3A_292 = vector.broadcast %mul3A_291 : i32 to vector<16xi32>
        %mul3A_293 = arith.muli %all_reduce_ffs3A, %mul3A_292 : vector<16xi32>
        %add3A_294 = arith.constant 64 : i32
        %add3A_295 = vector.broadcast %add3A_294 : i32 to vector<16xi32>
        %add3A_296 = arith.addi %mul3A_293, %add3A_295 : vector<16xi32>
        %add3A_297 = arith.addi %add3A_296, %iota3A : vector<16xi32>
        %gather3A_298 = tpu.vector_load_idx %arg7[%add3A_297] : memref<2048xf32, #tpu.memory_space<vmem>>[vector<16xi32>], vector<16xf32>,
        %eq3A_299 = vector.broadcast %reduce_max3A_223 : f32 to vector<16xf32>
        %eq3A_300 = arith.cmpf oeq, %gather3A_298, %eq3A_299 : vector<16xf32>
        %add3A_301 = arith.constant 64 : i32
        %add3A_302 = vector.broadcast %add3A_301 : i32 to vector<16xi32>
        %add3A_303 = arith.addi %iota3A, %add3A_302 : vector<16xi32>
        %jit3A_304 = arith.constant 128 : i32
        %broadcast_in_dim3A_305 = vector.broadcast %jit3A_304 : i32 to vector<16xi32>
        %select_n3A_306 = arith.select %eq3A_300, %add3A_303, %broadcast_in_dim3A_305 : vector<16xi1>, vector<16xi32>
        %min3A_307 = arith.minsi %min3A_290, %select_n3A_306 : vector<16xi32>
        %mul3A_308 = arith.constant 128 : i32
        %mul3A_309 = vector.broadcast %mul3A_308 : i32 to vector<16xi32>
        %mul3A_310 = arith.muli %all_reduce_ffs3A, %mul3A_309 : vector<16xi32>
        %add3A_311 = arith.constant 80 : i32
        %add3A_312 = vector.broadcast %add3A_311 : i32 to vector<16xi32>
        %add3A_313 = arith.addi %mul3A_310, %add3A_312 : vector<16xi32>
        %add3A_314 = arith.addi %add3A_313, %iota3A : vector<16xi32>
        %gather3A_315 = tpu.vector_load_idx %arg7[%add3A_314] : memref<2048xf32, #tpu.memory_space<vmem>>[vector<16xi32>], vector<16xf32>,
        %eq3A_316 = vector.broadcast %reduce_max3A_223 : f32 to vector<16xf32>
        %eq3A_317 = arith.cmpf oeq, %gather3A_315, %eq3A_316 : vector<16xf32>
        %add3A_318 = arith.constant 80 : i32
        %add3A_319 = vector.broadcast %add3A_318 : i32 to vector<16xi32>
        %add3A_320 = arith.addi %iota3A, %add3A_319 : vector<16xi32>
        %jit3A_321 = arith.constant 128 : i32
        %broadcast_in_dim3A_322 = vector.broadcast %jit3A_321 : i32 to vector<16xi32>
        %select_n3A_323 = arith.select %eq3A_317, %add3A_320, %broadcast_in_dim3A_322 : vector<16xi1>, vector<16xi32>
        %min3A_324 = arith.minsi %min3A_307, %select_n3A_323 : vector<16xi32>
        %mul3A_325 = arith.constant 128 : i32
        %mul3A_326 = vector.broadcast %mul3A_325 : i32 to vector<16xi32>
        %mul3A_327 = arith.muli %all_reduce_ffs3A, %mul3A_326 : vector<16xi32>
        %add3A_328 = arith.constant 96 : i32
        %add3A_329 = vector.broadcast %add3A_328 : i32 to vector<16xi32>
        %add3A_330 = arith.addi %mul3A_327, %add3A_329 : vector<16xi32>
        %add3A_331 = arith.addi %add3A_330, %iota3A : vector<16xi32>
        %gather3A_332 = tpu.vector_load_idx %arg7[%add3A_331] : memref<2048xf32, #tpu.memory_space<vmem>>[vector<16xi32>], vector<16xf32>,
        %eq3A_333 = vector.broadcast %reduce_max3A_223 : f32 to vector<16xf32>
        %eq3A_334 = arith.cmpf oeq, %gather3A_332, %eq3A_333 : vector<16xf32>
        %add3A_335 = arith.constant 96 : i32
        %add3A_336 = vector.broadcast %add3A_335 : i32 to vector<16xi32>
        %add3A_337 = arith.addi %iota3A, %add3A_336 : vector<16xi32>
        %jit3A_338 = arith.constant 128 : i32
        %broadcast_in_dim3A_339 = vector.broadcast %jit3A_338 : i32 to vector<16xi32>
        %select_n3A_340 = arith.select %eq3A_334, %add3A_337, %broadcast_in_dim3A_339 : vector<16xi1>, vector<16xi32>
        %min3A_341 = arith.minsi %min3A_324, %select_n3A_340 : vector<16xi32>
        %mul3A_342 = arith.constant 128 : i32
        %mul3A_343 = vector.broadcast %mul3A_342 : i32 to vector<16xi32>
        %mul3A_344 = arith.muli %all_reduce_ffs3A, %mul3A_343 : vector<16xi32>
        %add3A_345 = arith.constant 112 : i32
        %add3A_346 = vector.broadcast %add3A_345 : i32 to vector<16xi32>
        %add3A_347 = arith.addi %mul3A_344, %add3A_346 : vector<16xi32>
        %add3A_348 = arith.addi %add3A_347, %iota3A : vector<16xi32>
        %gather3A_349 = tpu.vector_load_idx %arg7[%add3A_348] : memref<2048xf32, #tpu.memory_space<vmem>>[vector<16xi32>], vector<16xf32>,
        %eq3A_350 = vector.broadcast %reduce_max3A_223 : f32 to vector<16xf32>
        %eq3A_351 = arith.cmpf oeq, %gather3A_349, %eq3A_350 : vector<16xf32>
        %add3A_352 = arith.constant 112 : i32
        %add3A_353 = vector.broadcast %add3A_352 : i32 to vector<16xi32>
        %add3A_354 = arith.addi %iota3A, %add3A_353 : vector<16xi32>
        %jit3A_355 = arith.constant 128 : i32
        %broadcast_in_dim3A_356 = vector.broadcast %jit3A_355 : i32 to vector<16xi32>
        %select_n3A_357 = arith.select %eq3A_351, %add3A_354, %broadcast_in_dim3A_356 : vector<16xi1>, vector<16xi32>
        %min3A_358 = arith.minsi %min3A_341, %select_n3A_357 : vector<16xi32>
        %reduce_min3A_359 = arith.constant true
        %reduce_min3A_360 = vector.broadcast %reduce_min3A_359 : i1 to vector<16xi1>
        %reduce_min3A_361 = arith.constant -2147483648 : i32
        %reduce_min3A_362 = vector.broadcast %reduce_min3A_361 : i32 to vector<16xi32>
        %reduce_min3A_363 = arith.xori %min3A_358, %reduce_min3A_362 : vector<16xi32>
        %reduce_min3A_364 = tpu.scan <min>, %reduce_min3A_363 masked %reduce_min3A_360 : vector<16xi32>, vector<16xi1> -> vector<16xi32>
        %reduce_min3A_365 = arith.xori %reduce_min3A_364, %reduce_min3A_362 : vector<16xi32>
        %reduce_min3A_366 = vector.extract %reduce_min3A_365[15] : i32 from vector<16xi32>
        %broadcast_in_dim3A_367 = vector.broadcast %reduce_min3A_366 : i32 to vector<16xi32>
        %mul3A_368 = arith.constant 256 : i32
        %mul3A_369 = vector.broadcast %mul3A_368 : i32 to vector<16xi32>
        %mul3A_370 = arith.muli %broadcast_in_dim3A_367, %mul3A_369 : vector<16xi32>
        %add3A_371 = arith.addi %mul3A_370, %all_reduce_ffs3A : vector<16xi32>
        %mul3A_372 = arith.constant 16 : i32
        %mul3A_373 = vector.broadcast %mul3A_372 : i32 to vector<16xi32>
        %mul3A_374 = arith.muli %iota3A, %mul3A_373 : vector<16xi32>
        %add3A_375 = arith.addi %add3A_371, %mul3A_374 : vector<16xi32>
        %gather3A_376 = tpu.vector_load_idx %arg5[%add3A_375] : memref<32768xf32, #tpu.memory_space<vmem>>[vector<16xi32>], vector<16xf32>,
        %eq3A_377 = vector.broadcast %reduce_max3A_223 : f32 to vector<16xf32>
        %eq3A_378 = arith.cmpf oeq, %gather3A_376, %eq3A_377 : vector<16xf32>
        %all_reduce_ffs3A_379 = tpu.all_reduce %eq3A_378 {dim = 0 : i64, kind = #tpu.reduction_kind<find_first_set>} : vector<16xi1> -> vector<16xi32>
        %mul3A_380 = arith.constant 16 : i32
        %mul3A_381 = vector.broadcast %mul3A_380 : i32 to vector<16xi32>
        %mul3A_382 = arith.muli %all_reduce_ffs3A_379, %mul3A_381 : vector<16xi32>
        %add3A_383 = arith.addi %add3A_371, %mul3A_382 : vector<16xi32>
        %eq3A_384 = arith.cmpi eq, %iota3A, %all_reduce_ffs3A_379 : vector<16xi32>
        %jit3A_385 = arith.constant 0.000000e+00 : f32
        %broadcast_in_dim3A_386 = vector.broadcast %jit3A_385 : f32 to vector<16xf32>
        %select_n3A_387 = arith.select %eq3A_384, %broadcast_in_dim3A_386, %gather3A_376 : vector<16xi1>, vector<16xf32>
        tpu.vector_store_idx %arg5[%add3A_375], %select_n3A_387 : memref<32768xf32, #tpu.memory_space<vmem>>[vector<16xi32>], vector<16xf32>,
        %reduce_max3A_388 = arith.constant true
        %reduce_max3A_389 = vector.broadcast %reduce_max3A_388 : i1 to vector<16xi1>
        %reduce_max3A_390 = tpu.scan <max>, %select_n3A_387 masked %reduce_max3A_389 : vector<16xf32>, vector<16xi1> -> vector<16xf32>
        %reduce_max3A_391 = vector.extract %reduce_max3A_390[15] : f32 from vector<16xf32>
        %broadcast_in_dim3A_392 = vector.broadcast %reduce_max3A_391 : f32 to vector<16xf32>
        %mul3A_393 = arith.constant 128 : i32
        %mul3A_394 = vector.broadcast %mul3A_393 : i32 to vector<16xi32>
        %mul3A_395 = arith.muli %all_reduce_ffs3A, %mul3A_394 : vector<16xi32>
        %add3A_396 = arith.addi %mul3A_395, %broadcast_in_dim3A_367 : vector<16xi32>
        %eq3A_397 = arith.constant 0 : i32
        %eq3A_398 = vector.broadcast %eq3A_397 : i32 to vector<16xi32>
        %eq3A_399 = arith.cmpi eq, %iota3A, %eq3A_398 : vector<16xi32>
        tpu.vector_store_idx %arg7[%add3A_396], %broadcast_in_dim3A_392 masked %eq3A_399 : memref<2048xf32, #tpu.memory_space<vmem>>[vector<16xi32>], vector<16xf32>, vector<16xi1>
        %broadcast_in_dim3A_400 = vector.broadcast %scan3A_215 : i32 to vector<16xi32>
        %eq3A_401 = arith.constant 0 : i32
        %eq3A_402 = vector.broadcast %eq3A_401 : i32 to vector<16xi32>
        %eq3A_403 = arith.cmpi eq, %iota3A, %eq3A_402 : vector<16xi32>
        tpu.vector_store_idx %arg10[%broadcast_in_dim3A_400], %add3A_383 masked %eq3A_403 : memref<32xi32, #tpu.memory_space<vmem>>[vector<16xi32>], vector<16xi32>, vector<16xi1>
        %add3A_404 = arith.constant 0 : i32
        %add3A_405 = vector.broadcast %add3A_404 : i32 to vector<16xi32>
        %add3A_406 = arith.addi %add3A_405, %iota3A : vector<16xi32>
        %eq3A_407 = arith.cmpi eq, %add3A_406, %broadcast_in_dim3A_367 : vector<16xi32>
        %select_n3A_408 = arith.select %eq3A_407, %broadcast_in_dim3A_392, %gather3A : vector<16xi1>, vector<16xf32>
        %add3A_409 = arith.constant 16 : i32
        %add3A_410 = vector.broadcast %add3A_409 : i32 to vector<16xi32>
        %add3A_411 = arith.addi %add3A_410, %iota3A : vector<16xi32>
        %eq3A_412 = arith.cmpi eq, %add3A_411, %broadcast_in_dim3A_367 : vector<16xi32>
        %select_n3A_413 = arith.select %eq3A_412, %broadcast_in_dim3A_392, %gather3A_247 : vector<16xi1>, vector<16xf32>
        %max3A = arith.maximumf %select_n3A_408, %select_n3A_413 : vector<16xf32>
        %add3A_414 = arith.constant 32 : i32
        %add3A_415 = vector.broadcast %add3A_414 : i32 to vector<16xi32>
        %add3A_416 = arith.addi %add3A_415, %iota3A : vector<16xi32>
        %eq3A_417 = arith.cmpi eq, %add3A_416, %broadcast_in_dim3A_367 : vector<16xi32>
        %select_n3A_418 = arith.select %eq3A_417, %broadcast_in_dim3A_392, %gather3A_264 : vector<16xi1>, vector<16xf32>
        %max3A_419 = arith.maximumf %max3A, %select_n3A_418 : vector<16xf32>
        %add3A_420 = arith.constant 48 : i32
        %add3A_421 = vector.broadcast %add3A_420 : i32 to vector<16xi32>
        %add3A_422 = arith.addi %add3A_421, %iota3A : vector<16xi32>
        %eq3A_423 = arith.cmpi eq, %add3A_422, %broadcast_in_dim3A_367 : vector<16xi32>
        %select_n3A_424 = arith.select %eq3A_423, %broadcast_in_dim3A_392, %gather3A_281 : vector<16xi1>, vector<16xf32>
        %max3A_425 = arith.maximumf %max3A_419, %select_n3A_424 : vector<16xf32>
        %add3A_426 = arith.constant 64 : i32
        %add3A_427 = vector.broadcast %add3A_426 : i32 to vector<16xi32>
        %add3A_428 = arith.addi %add3A_427, %iota3A : vector<16xi32>
        %eq3A_429 = arith.cmpi eq, %add3A_428, %broadcast_in_dim3A_367 : vector<16xi32>
        %select_n3A_430 = arith.select %eq3A_429, %broadcast_in_dim3A_392, %gather3A_298 : vector<16xi1>, vector<16xf32>
        %max3A_431 = arith.maximumf %max3A_425, %select_n3A_430 : vector<16xf32>
        %add3A_432 = arith.constant 80 : i32
        %add3A_433 = vector.broadcast %add3A_432 : i32 to vector<16xi32>
        %add3A_434 = arith.addi %add3A_433, %iota3A : vector<16xi32>
        %eq3A_435 = arith.cmpi eq, %add3A_434, %broadcast_in_dim3A_367 : vector<16xi32>
        %select_n3A_436 = arith.select %eq3A_435, %broadcast_in_dim3A_392, %gather3A_315 : vector<16xi1>, vector<16xf32>
        %max3A_437 = arith.maximumf %max3A_431, %select_n3A_436 : vector<16xf32>
        %add3A_438 = arith.constant 96 : i32
        %add3A_439 = vector.broadcast %add3A_438 : i32 to vector<16xi32>
        %add3A_440 = arith.addi %add3A_439, %iota3A : vector<16xi32>
        %eq3A_441 = arith.cmpi eq, %add3A_440, %broadcast_in_dim3A_367 : vector<16xi32>
        %select_n3A_442 = arith.select %eq3A_441, %broadcast_in_dim3A_392, %gather3A_332 : vector<16xi1>, vector<16xf32>
        %max3A_443 = arith.maximumf %max3A_437, %select_n3A_442 : vector<16xf32>
        %add3A_444 = arith.constant 112 : i32
        %add3A_445 = vector.broadcast %add3A_444 : i32 to vector<16xi32>
        %add3A_446 = arith.addi %add3A_445, %iota3A : vector<16xi32>
        %eq3A_447 = arith.cmpi eq, %add3A_446, %broadcast_in_dim3A_367 : vector<16xi32>
        %select_n3A_448 = arith.select %eq3A_447, %broadcast_in_dim3A_392, %gather3A_349 : vector<16xi1>, vector<16xf32>
        %max3A_449 = arith.maximumf %max3A_443, %select_n3A_448 : vector<16xf32>
        %reduce_max3A_450 = arith.constant true
        %reduce_max3A_451 = vector.broadcast %reduce_max3A_450 : i1 to vector<16xi1>
        %reduce_max3A_452 = tpu.scan <max>, %max3A_449 masked %reduce_max3A_451 : vector<16xf32>, vector<16xi1> -> vector<16xf32>
        %reduce_max3A_453 = vector.extract %reduce_max3A_452[15] : f32 from vector<16xf32>
        %eq3A_454 = arith.cmpi eq, %iota3A, %all_reduce_ffs3A : vector<16xi32>
        %broadcast_in_dim3A_455 = vector.broadcast %reduce_max3A_453 : f32 to vector<16xf32>
        %select_n3A_456 = arith.select %eq3A_454, %broadcast_in_dim3A_455, %scan3A_216 : vector<16xi1>, vector<16xf32>
        %convert_element_type3A_457 = arith.sitofp %add3A_383 : vector<16xi32> to vector<16xf32>
        %add3A_458 = arith.addf %scan3A_217, %convert_element_type3A_457 : vector<16xf32>
        %reduce_min3A_459 = arith.constant true
        %reduce_min3A_460 = vector.broadcast %reduce_min3A_459 : i1 to vector<16xi1>
        %reduce_min3A_461 = tpu.scan <min>, %scan3A_218 masked %reduce_min3A_460 : vector<16xf32>, vector<16xi1> -> vector<16xf32>
        %reduce_min3A_462 = vector.extract %reduce_min3A_461[15] : f32 from vector<16xf32>
        %eq3A_463 = vector.broadcast %reduce_min3A_462 : f32 to vector<16xf32>
        %eq3A_464 = arith.cmpf oeq, %scan3A_218, %eq3A_463 : vector<16xf32>
        %all_reduce_ffs3A_465 = tpu.all_reduce %eq3A_464 {dim = 0 : i64, kind = #tpu.reduction_kind<find_first_set>} : vector<16xi1> -> vector<16xi32>
        %broadcast_in_dim3A_466 = arith.constant 128 : i32
        %broadcast_in_dim3A_467 = vector.broadcast %broadcast_in_dim3A_466 : i32 to vector<16xi32>
        %mul3A_468 = arith.constant 128 : i32
        %mul3A_469 = vector.broadcast %mul3A_468 : i32 to vector<16xi32>
        %mul3A_470 = arith.muli %all_reduce_ffs3A_465, %mul3A_469 : vector<16xi32>
        %add3A_471 = arith.constant 0 : i32
        %add3A_472 = vector.broadcast %add3A_471 : i32 to vector<16xi32>
        %add3A_473 = arith.addi %mul3A_470, %add3A_472 : vector<16xi32>
        %add3A_474 = arith.addi %add3A_473, %iota3A : vector<16xi32>
        %gather3A_475 = tpu.vector_load_idx %arg8[%add3A_474] : memref<2048xf32, #tpu.memory_space<vmem>>[vector<16xi32>], vector<16xf32>,
        %eq3A_476 = vector.broadcast %reduce_min3A_462 : f32 to vector<16xf32>
        %eq3A_477 = arith.cmpf oeq, %gather3A_475, %eq3A_476 : vector<16xf32>
        %add3A_478 = arith.constant 0 : i32
        %add3A_479 = vector.broadcast %add3A_478 : i32 to vector<16xi32>
        %add3A_480 = arith.addi %iota3A, %add3A_479 : vector<16xi32>
        %jit3A_481 = arith.constant 128 : i32
        %broadcast_in_dim3A_482 = vector.broadcast %jit3A_481 : i32 to vector<16xi32>
        %select_n3A_483 = arith.select %eq3A_477, %add3A_480, %broadcast_in_dim3A_482 : vector<16xi1>, vector<16xi32>
        %min3A_484 = arith.minsi %broadcast_in_dim3A_467, %select_n3A_483 : vector<16xi32>
        %mul3A_485 = arith.constant 128 : i32
        %mul3A_486 = vector.broadcast %mul3A_485 : i32 to vector<16xi32>
        %mul3A_487 = arith.muli %all_reduce_ffs3A_465, %mul3A_486 : vector<16xi32>
        %add3A_488 = arith.constant 16 : i32
        %add3A_489 = vector.broadcast %add3A_488 : i32 to vector<16xi32>
        %add3A_490 = arith.addi %mul3A_487, %add3A_489 : vector<16xi32>
        %add3A_491 = arith.addi %add3A_490, %iota3A : vector<16xi32>
        %gather3A_492 = tpu.vector_load_idx %arg8[%add3A_491] : memref<2048xf32, #tpu.memory_space<vmem>>[vector<16xi32>], vector<16xf32>,
        %eq3A_493 = vector.broadcast %reduce_min3A_462 : f32 to vector<16xf32>
        %eq3A_494 = arith.cmpf oeq, %gather3A_492, %eq3A_493 : vector<16xf32>
        %add3A_495 = arith.constant 16 : i32
        %add3A_496 = vector.broadcast %add3A_495 : i32 to vector<16xi32>
        %add3A_497 = arith.addi %iota3A, %add3A_496 : vector<16xi32>
        %jit3A_498 = arith.constant 128 : i32
        %broadcast_in_dim3A_499 = vector.broadcast %jit3A_498 : i32 to vector<16xi32>
        %select_n3A_500 = arith.select %eq3A_494, %add3A_497, %broadcast_in_dim3A_499 : vector<16xi1>, vector<16xi32>
        %min3A_501 = arith.minsi %min3A_484, %select_n3A_500 : vector<16xi32>
        %mul3A_502 = arith.constant 128 : i32
        %mul3A_503 = vector.broadcast %mul3A_502 : i32 to vector<16xi32>
        %mul3A_504 = arith.muli %all_reduce_ffs3A_465, %mul3A_503 : vector<16xi32>
        %add3A_505 = arith.constant 32 : i32
        %add3A_506 = vector.broadcast %add3A_505 : i32 to vector<16xi32>
        %add3A_507 = arith.addi %mul3A_504, %add3A_506 : vector<16xi32>
        %add3A_508 = arith.addi %add3A_507, %iota3A : vector<16xi32>
        %gather3A_509 = tpu.vector_load_idx %arg8[%add3A_508] : memref<2048xf32, #tpu.memory_space<vmem>>[vector<16xi32>], vector<16xf32>,
        %eq3A_510 = vector.broadcast %reduce_min3A_462 : f32 to vector<16xf32>
        %eq3A_511 = arith.cmpf oeq, %gather3A_509, %eq3A_510 : vector<16xf32>
        %add3A_512 = arith.constant 32 : i32
        %add3A_513 = vector.broadcast %add3A_512 : i32 to vector<16xi32>
        %add3A_514 = arith.addi %iota3A, %add3A_513 : vector<16xi32>
        %jit3A_515 = arith.constant 128 : i32
        %broadcast_in_dim3A_516 = vector.broadcast %jit3A_515 : i32 to vector<16xi32>
        %select_n3A_517 = arith.select %eq3A_511, %add3A_514, %broadcast_in_dim3A_516 : vector<16xi1>, vector<16xi32>
        %min3A_518 = arith.minsi %min3A_501, %select_n3A_517 : vector<16xi32>
        %mul3A_519 = arith.constant 128 : i32
        %mul3A_520 = vector.broadcast %mul3A_519 : i32 to vector<16xi32>
        %mul3A_521 = arith.muli %all_reduce_ffs3A_465, %mul3A_520 : vector<16xi32>
        %add3A_522 = arith.constant 48 : i32
        %add3A_523 = vector.broadcast %add3A_522 : i32 to vector<16xi32>
        %add3A_524 = arith.addi %mul3A_521, %add3A_523 : vector<16xi32>
        %add3A_525 = arith.addi %add3A_524, %iota3A : vector<16xi32>
        %gather3A_526 = tpu.vector_load_idx %arg8[%add3A_525] : memref<2048xf32, #tpu.memory_space<vmem>>[vector<16xi32>], vector<16xf32>,
        %eq3A_527 = vector.broadcast %reduce_min3A_462 : f32 to vector<16xf32>
        %eq3A_528 = arith.cmpf oeq, %gather3A_526, %eq3A_527 : vector<16xf32>
        %add3A_529 = arith.constant 48 : i32
        %add3A_530 = vector.broadcast %add3A_529 : i32 to vector<16xi32>
        %add3A_531 = arith.addi %iota3A, %add3A_530 : vector<16xi32>
        %jit3A_532 = arith.constant 128 : i32
        %broadcast_in_dim3A_533 = vector.broadcast %jit3A_532 : i32 to vector<16xi32>
        %select_n3A_534 = arith.select %eq3A_528, %add3A_531, %broadcast_in_dim3A_533 : vector<16xi1>, vector<16xi32>
        %min3A_535 = arith.minsi %min3A_518, %select_n3A_534 : vector<16xi32>
        %mul3A_536 = arith.constant 128 : i32
        %mul3A_537 = vector.broadcast %mul3A_536 : i32 to vector<16xi32>
        %mul3A_538 = arith.muli %all_reduce_ffs3A_465, %mul3A_537 : vector<16xi32>
        %add3A_539 = arith.constant 64 : i32
        %add3A_540 = vector.broadcast %add3A_539 : i32 to vector<16xi32>
        %add3A_541 = arith.addi %mul3A_538, %add3A_540 : vector<16xi32>
        %add3A_542 = arith.addi %add3A_541, %iota3A : vector<16xi32>
        %gather3A_543 = tpu.vector_load_idx %arg8[%add3A_542] : memref<2048xf32, #tpu.memory_space<vmem>>[vector<16xi32>], vector<16xf32>,
        %eq3A_544 = vector.broadcast %reduce_min3A_462 : f32 to vector<16xf32>
        %eq3A_545 = arith.cmpf oeq, %gather3A_543, %eq3A_544 : vector<16xf32>
        %add3A_546 = arith.constant 64 : i32
        %add3A_547 = vector.broadcast %add3A_546 : i32 to vector<16xi32>
        %add3A_548 = arith.addi %iota3A, %add3A_547 : vector<16xi32>
        %jit3A_549 = arith.constant 128 : i32
        %broadcast_in_dim3A_550 = vector.broadcast %jit3A_549 : i32 to vector<16xi32>
        %select_n3A_551 = arith.select %eq3A_545, %add3A_548, %broadcast_in_dim3A_550 : vector<16xi1>, vector<16xi32>
        %min3A_552 = arith.minsi %min3A_535, %select_n3A_551 : vector<16xi32>
        %mul3A_553 = arith.constant 128 : i32
        %mul3A_554 = vector.broadcast %mul3A_553 : i32 to vector<16xi32>
        %mul3A_555 = arith.muli %all_reduce_ffs3A_465, %mul3A_554 : vector<16xi32>
        %add3A_556 = arith.constant 80 : i32
        %add3A_557 = vector.broadcast %add3A_556 : i32 to vector<16xi32>
        %add3A_558 = arith.addi %mul3A_555, %add3A_557 : vector<16xi32>
        %add3A_559 = arith.addi %add3A_558, %iota3A : vector<16xi32>
        %gather3A_560 = tpu.vector_load_idx %arg8[%add3A_559] : memref<2048xf32, #tpu.memory_space<vmem>>[vector<16xi32>], vector<16xf32>,
        %eq3A_561 = vector.broadcast %reduce_min3A_462 : f32 to vector<16xf32>
        %eq3A_562 = arith.cmpf oeq, %gather3A_560, %eq3A_561 : vector<16xf32>
        %add3A_563 = arith.constant 80 : i32
        %add3A_564 = vector.broadcast %add3A_563 : i32 to vector<16xi32>
        %add3A_565 = arith.addi %iota3A, %add3A_564 : vector<16xi32>
        %jit3A_566 = arith.constant 128 : i32
        %broadcast_in_dim3A_567 = vector.broadcast %jit3A_566 : i32 to vector<16xi32>
        %select_n3A_568 = arith.select %eq3A_562, %add3A_565, %broadcast_in_dim3A_567 : vector<16xi1>, vector<16xi32>
        %min3A_569 = arith.minsi %min3A_552, %select_n3A_568 : vector<16xi32>
        %mul3A_570 = arith.constant 128 : i32
        %mul3A_571 = vector.broadcast %mul3A_570 : i32 to vector<16xi32>
        %mul3A_572 = arith.muli %all_reduce_ffs3A_465, %mul3A_571 : vector<16xi32>
        %add3A_573 = arith.constant 96 : i32
        %add3A_574 = vector.broadcast %add3A_573 : i32 to vector<16xi32>
        %add3A_575 = arith.addi %mul3A_572, %add3A_574 : vector<16xi32>
        %add3A_576 = arith.addi %add3A_575, %iota3A : vector<16xi32>
        %gather3A_577 = tpu.vector_load_idx %arg8[%add3A_576] : memref<2048xf32, #tpu.memory_space<vmem>>[vector<16xi32>], vector<16xf32>,
        %eq3A_578 = vector.broadcast %reduce_min3A_462 : f32 to vector<16xf32>
        %eq3A_579 = arith.cmpf oeq, %gather3A_577, %eq3A_578 : vector<16xf32>
        %add3A_580 = arith.constant 96 : i32
        %add3A_581 = vector.broadcast %add3A_580 : i32 to vector<16xi32>
        %add3A_582 = arith.addi %iota3A, %add3A_581 : vector<16xi32>
        %jit3A_583 = arith.constant 128 : i32
        %broadcast_in_dim3A_584 = vector.broadcast %jit3A_583 : i32 to vector<16xi32>
        %select_n3A_585 = arith.select %eq3A_579, %add3A_582, %broadcast_in_dim3A_584 : vector<16xi1>, vector<16xi32>
        %min3A_586 = arith.minsi %min3A_569, %select_n3A_585 : vector<16xi32>
        %mul3A_587 = arith.constant 128 : i32
        %mul3A_588 = vector.broadcast %mul3A_587 : i32 to vector<16xi32>
        %mul3A_589 = arith.muli %all_reduce_ffs3A_465, %mul3A_588 : vector<16xi32>
        %add3A_590 = arith.constant 112 : i32
        %add3A_591 = vector.broadcast %add3A_590 : i32 to vector<16xi32>
        %add3A_592 = arith.addi %mul3A_589, %add3A_591 : vector<16xi32>
        %add3A_593 = arith.addi %add3A_592, %iota3A : vector<16xi32>
        %gather3A_594 = tpu.vector_load_idx %arg8[%add3A_593] : memref<2048xf32, #tpu.memory_space<vmem>>[vector<16xi32>], vector<16xf32>,
        %eq3A_595 = vector.broadcast %reduce_min3A_462 : f32 to vector<16xf32>
        %eq3A_596 = arith.cmpf oeq, %gather3A_594, %eq3A_595 : vector<16xf32>
        %add3A_597 = arith.constant 112 : i32
        %add3A_598 = vector.broadcast %add3A_597 : i32 to vector<16xi32>
        %add3A_599 = arith.addi %iota3A, %add3A_598 : vector<16xi32>
        %jit3A_600 = arith.constant 128 : i32
        %broadcast_in_dim3A_601 = vector.broadcast %jit3A_600 : i32 to vector<16xi32>
        %select_n3A_602 = arith.select %eq3A_596, %add3A_599, %broadcast_in_dim3A_601 : vector<16xi1>, vector<16xi32>
        %min3A_603 = arith.minsi %min3A_586, %select_n3A_602 : vector<16xi32>
        %reduce_min3A_604 = arith.constant true
        %reduce_min3A_605 = vector.broadcast %reduce_min3A_604 : i1 to vector<16xi1>
        %reduce_min3A_606 = arith.constant -2147483648 : i32
        %reduce_min3A_607 = vector.broadcast %reduce_min3A_606 : i32 to vector<16xi32>
        %reduce_min3A_608 = arith.xori %min3A_603, %reduce_min3A_607 : vector<16xi32>
        %reduce_min3A_609 = tpu.scan <min>, %reduce_min3A_608 masked %reduce_min3A_605 : vector<16xi32>, vector<16xi1> -> vector<16xi32>
        %reduce_min3A_610 = arith.xori %reduce_min3A_609, %reduce_min3A_607 : vector<16xi32>
        %reduce_min3A_611 = vector.extract %reduce_min3A_610[15] : i32 from vector<16xi32>
        %broadcast_in_dim3A_612 = vector.broadcast %reduce_min3A_611 : i32 to vector<16xi32>
        %mul3A_613 = arith.constant 256 : i32
        %mul3A_614 = vector.broadcast %mul3A_613 : i32 to vector<16xi32>
        %mul3A_615 = arith.muli %broadcast_in_dim3A_612, %mul3A_614 : vector<16xi32>
        %add3A_616 = arith.addi %mul3A_615, %all_reduce_ffs3A_465 : vector<16xi32>
        %mul3A_617 = arith.constant 16 : i32
        %mul3A_618 = vector.broadcast %mul3A_617 : i32 to vector<16xi32>
        %mul3A_619 = arith.muli %iota3A, %mul3A_618 : vector<16xi32>
        %add3A_620 = arith.addi %add3A_616, %mul3A_619 : vector<16xi32>
        %gather3A_621 = tpu.vector_load_idx %arg5[%add3A_620] : memref<32768xf32, #tpu.memory_space<vmem>>[vector<16xi32>], vector<16xf32>,
        %eq3A_622 = vector.broadcast %reduce_min3A_462 : f32 to vector<16xf32>
        %eq3A_623 = arith.cmpf oeq, %gather3A_621, %eq3A_622 : vector<16xf32>
        %all_reduce_ffs3A_624 = tpu.all_reduce %eq3A_623 {dim = 0 : i64, kind = #tpu.reduction_kind<find_first_set>} : vector<16xi1> -> vector<16xi32>
        %mul3A_625 = arith.constant 16 : i32
        %mul3A_626 = vector.broadcast %mul3A_625 : i32 to vector<16xi32>
        %mul3A_627 = arith.muli %all_reduce_ffs3A_624, %mul3A_626 : vector<16xi32>
        %add3A_628 = arith.addi %add3A_616, %mul3A_627 : vector<16xi32>
        %eq3A_629 = arith.cmpi eq, %iota3A, %all_reduce_ffs3A_624 : vector<16xi32>
        %jit3A_630 = arith.constant 0.000000e+00 : f32
        %broadcast_in_dim3A_631 = vector.broadcast %jit3A_630 : f32 to vector<16xf32>
        %select_n3A_632 = arith.select %eq3A_629, %broadcast_in_dim3A_631, %gather3A_621 : vector<16xi1>, vector<16xf32>
        tpu.vector_store_idx %arg5[%add3A_620], %select_n3A_632 : memref<32768xf32, #tpu.memory_space<vmem>>[vector<16xi32>], vector<16xf32>,
        %reduce_min3A_633 = arith.constant true
        %reduce_min3A_634 = vector.broadcast %reduce_min3A_633 : i1 to vector<16xi1>
        %reduce_min3A_635 = tpu.scan <min>, %select_n3A_632 masked %reduce_min3A_634 : vector<16xf32>, vector<16xi1> -> vector<16xf32>
        %reduce_min3A_636 = vector.extract %reduce_min3A_635[15] : f32 from vector<16xf32>
        %broadcast_in_dim3A_637 = vector.broadcast %reduce_min3A_636 : f32 to vector<16xf32>
        %mul3A_638 = arith.constant 128 : i32
        %mul3A_639 = vector.broadcast %mul3A_638 : i32 to vector<16xi32>
        %mul3A_640 = arith.muli %all_reduce_ffs3A_465, %mul3A_639 : vector<16xi32>
        %add3A_641 = arith.addi %mul3A_640, %broadcast_in_dim3A_612 : vector<16xi32>
        %eq3A_642 = arith.constant 0 : i32
        %eq3A_643 = vector.broadcast %eq3A_642 : i32 to vector<16xi32>
        %eq3A_644 = arith.cmpi eq, %iota3A, %eq3A_643 : vector<16xi32>
        tpu.vector_store_idx %arg8[%add3A_641], %broadcast_in_dim3A_637 masked %eq3A_644 : memref<2048xf32, #tpu.memory_space<vmem>>[vector<16xi32>], vector<16xf32>, vector<16xi1>
        %broadcast_in_dim3A_645 = vector.broadcast %scan3A_215 : i32 to vector<16xi32>
        %eq3A_646 = arith.constant 0 : i32
        %eq3A_647 = vector.broadcast %eq3A_646 : i32 to vector<16xi32>
        %eq3A_648 = arith.cmpi eq, %iota3A, %eq3A_647 : vector<16xi32>
        tpu.vector_store_idx %arg12[%broadcast_in_dim3A_645], %add3A_628 masked %eq3A_648 : memref<32xi32, #tpu.memory_space<vmem>>[vector<16xi32>], vector<16xi32>, vector<16xi1>
        %broadcast_in_dim3A_649 = vector.broadcast %reduce_min3A_462 : f32 to vector<16xf32>
        %broadcast_in_dim3A_650 = vector.broadcast %scan3A_215 : i32 to vector<16xi32>
        %eq3A_651 = arith.constant 0 : i32
        %eq3A_652 = vector.broadcast %eq3A_651 : i32 to vector<16xi32>
        %eq3A_653 = arith.cmpi eq, %iota3A, %eq3A_652 : vector<16xi32>
        tpu.vector_store_idx %arg14[%broadcast_in_dim3A_650], %broadcast_in_dim3A_649 masked %eq3A_653 : memref<32xf32, #tpu.memory_space<vmem>>[vector<16xi32>], vector<16xf32>, vector<16xi1>
        %add3A_654 = arith.constant 0 : i32
        %add3A_655 = vector.broadcast %add3A_654 : i32 to vector<16xi32>
        %add3A_656 = arith.addi %add3A_655, %iota3A : vector<16xi32>
        %eq3A_657 = arith.cmpi eq, %add3A_656, %broadcast_in_dim3A_612 : vector<16xi32>
        %select_n3A_658 = arith.select %eq3A_657, %broadcast_in_dim3A_637, %gather3A_475 : vector<16xi1>, vector<16xf32>
        %add3A_659 = arith.constant 16 : i32
        %add3A_660 = vector.broadcast %add3A_659 : i32 to vector<16xi32>
        %add3A_661 = arith.addi %add3A_660, %iota3A : vector<16xi32>
        %eq3A_662 = arith.cmpi eq, %add3A_661, %broadcast_in_dim3A_612 : vector<16xi32>
        %select_n3A_663 = arith.select %eq3A_662, %broadcast_in_dim3A_637, %gather3A_492 : vector<16xi1>, vector<16xf32>
        %min3A_664 = arith.minimumf %select_n3A_658, %select_n3A_663 : vector<16xf32>
        %add3A_665 = arith.constant 32 : i32
        %add3A_666 = vector.broadcast %add3A_665 : i32 to vector<16xi32>
        %add3A_667 = arith.addi %add3A_666, %iota3A : vector<16xi32>
        %eq3A_668 = arith.cmpi eq, %add3A_667, %broadcast_in_dim3A_612 : vector<16xi32>
        %select_n3A_669 = arith.select %eq3A_668, %broadcast_in_dim3A_637, %gather3A_509 : vector<16xi1>, vector<16xf32>
        %min3A_670 = arith.minimumf %min3A_664, %select_n3A_669 : vector<16xf32>
        %add3A_671 = arith.constant 48 : i32
        %add3A_672 = vector.broadcast %add3A_671 : i32 to vector<16xi32>
        %add3A_673 = arith.addi %add3A_672, %iota3A : vector<16xi32>
        %eq3A_674 = arith.cmpi eq, %add3A_673, %broadcast_in_dim3A_612 : vector<16xi32>
        %select_n3A_675 = arith.select %eq3A_674, %broadcast_in_dim3A_637, %gather3A_526 : vector<16xi1>, vector<16xf32>
        %min3A_676 = arith.minimumf %min3A_670, %select_n3A_675 : vector<16xf32>
        %add3A_677 = arith.constant 64 : i32
        %add3A_678 = vector.broadcast %add3A_677 : i32 to vector<16xi32>
        %add3A_679 = arith.addi %add3A_678, %iota3A : vector<16xi32>
        %eq3A_680 = arith.cmpi eq, %add3A_679, %broadcast_in_dim3A_612 : vector<16xi32>
        %select_n3A_681 = arith.select %eq3A_680, %broadcast_in_dim3A_637, %gather3A_543 : vector<16xi1>, vector<16xf32>
        %min3A_682 = arith.minimumf %min3A_676, %select_n3A_681 : vector<16xf32>
        %add3A_683 = arith.constant 80 : i32
        %add3A_684 = vector.broadcast %add3A_683 : i32 to vector<16xi32>
        %add3A_685 = arith.addi %add3A_684, %iota3A : vector<16xi32>
        %eq3A_686 = arith.cmpi eq, %add3A_685, %broadcast_in_dim3A_612 : vector<16xi32>
        %select_n3A_687 = arith.select %eq3A_686, %broadcast_in_dim3A_637, %gather3A_560 : vector<16xi1>, vector<16xf32>
        %min3A_688 = arith.minimumf %min3A_682, %select_n3A_687 : vector<16xf32>
        %add3A_689 = arith.constant 96 : i32
        %add3A_690 = vector.broadcast %add3A_689 : i32 to vector<16xi32>
        %add3A_691 = arith.addi %add3A_690, %iota3A : vector<16xi32>
        %eq3A_692 = arith.cmpi eq, %add3A_691, %broadcast_in_dim3A_612 : vector<16xi32>
        %select_n3A_693 = arith.select %eq3A_692, %broadcast_in_dim3A_637, %gather3A_577 : vector<16xi1>, vector<16xf32>
        %min3A_694 = arith.minimumf %min3A_688, %select_n3A_693 : vector<16xf32>
        %add3A_695 = arith.constant 112 : i32
        %add3A_696 = vector.broadcast %add3A_695 : i32 to vector<16xi32>
        %add3A_697 = arith.addi %add3A_696, %iota3A : vector<16xi32>
        %eq3A_698 = arith.cmpi eq, %add3A_697, %broadcast_in_dim3A_612 : vector<16xi32>
        %select_n3A_699 = arith.select %eq3A_698, %broadcast_in_dim3A_637, %gather3A_594 : vector<16xi1>, vector<16xf32>
        %min3A_700 = arith.minimumf %min3A_694, %select_n3A_699 : vector<16xf32>
        %reduce_min3A_701 = arith.constant true
        %reduce_min3A_702 = vector.broadcast %reduce_min3A_701 : i1 to vector<16xi1>
        %reduce_min3A_703 = tpu.scan <min>, %min3A_700 masked %reduce_min3A_702 : vector<16xf32>, vector<16xi1> -> vector<16xf32>
        %reduce_min3A_704 = vector.extract %reduce_min3A_703[15] : f32 from vector<16xf32>
        %eq3A_705 = arith.cmpi eq, %iota3A, %all_reduce_ffs3A_465 : vector<16xi32>
        %broadcast_in_dim3A_706 = vector.broadcast %reduce_min3A_704 : f32 to vector<16xf32>
        %select_n3A_707 = arith.select %eq3A_705, %broadcast_in_dim3A_706, %scan3A_218 : vector<16xi1>, vector<16xf32>
        %broadcast_in_dim3A_708 = vector.broadcast %reduce_min3A_462 : f32 to vector<16xf32>
        %add3A_709 = arith.addf %scan3A_219, %broadcast_in_dim3A_708 : vector<16xf32>
        scf.yield %select_n3A_456, %add3A_458, %select_n3A_707, %add3A_709 : vector<16xf32>, vector<16xf32>, vector<16xf32>, vector<16xf32>
      }
      %scan3A_149 = arith.constant 32 : i32
      %reduce_max3A_150 = arith.constant true
      %reduce_max3A_151 = vector.broadcast %reduce_max3A_150 : i1 to vector<16xi1>
      %reduce_max3A_152 = tpu.scan <max>, %scan3A_148#1 masked %reduce_max3A_151 : vector<16xf32>, vector<16xi1> -> vector<16xf32>
      %reduce_max3A_153 = vector.extract %reduce_max3A_152[15] : f32 from vector<16xf32>
      %reduce_min3A_154 = arith.constant true
      %reduce_min3A_155 = vector.broadcast %reduce_min3A_154 : i1 to vector<16xi1>
      %reduce_min3A_156 = tpu.scan <min>, %scan3A_148#3 masked %reduce_min3A_155 : vector<16xf32>, vector<16xi1> -> vector<16xf32>
      %reduce_min3A_157 = vector.extract %reduce_min3A_156[15] : f32 from vector<16xf32>
      %sub3A_158 = arith.subf %mul3A_140, %reduce_max3A_153 : f32
      %mul3A_159 = arith.constant 6.260000e+00 : f32
      %mul3A_160 = arith.mulf %mul3A_159, %sub3A_158 : f32
      %sub3A_161 = arith.subf %reduce_min3A_157, %mul3A_143 : f32
      %mul3A_162 = arith.constant 6.260000e+00 : f32
      %mul3A_163 = arith.mulf %mul3A_162, %sub3A_161 : f32
      %dma_wait3A_164 = arith.constant 0 : i32
      %dma_wait3A_165 = tpu.memref_slice %arg3[%add3A_27, %dma_wait3A_164] : memref<128x32768xf32, #tpu.memory_space<hbm>> -> memref<1x32768xf32, #tpu.memory_space<hbm>>
      %dma_wait3A_166 = tpu.memref_squeeze %dma_wait3A_165 : memref<1x32768xf32, #tpu.memory_space<hbm>> -> memref<32768xf32, #tpu.memory_space<hbm>>
      %dma_wait3A_167 = arith.constant 0 : i32
      %dma_wait3A_168 = tpu.memref_slice %arg3[%add3A_27, %dma_wait3A_167] : memref<128x32768xf32, #tpu.memory_space<hbm>> -> memref<1x32768xf32, #tpu.memory_space<hbm>>
      %dma_wait3A_169 = tpu.memref_squeeze %dma_wait3A_168 : memref<1x32768xf32, #tpu.memory_space<hbm>> -> memref<32768xf32, #tpu.memory_space<hbm>>
      tpu.wait_dma2 semaphore(%arg17 : memref<!tpu.dma_semaphore, #tpu.memory_space<semaphore_mem>>) src(%arg6 : memref<32768xf32, #tpu.memory_space<vmem>>) dst(%dma_wait3A_169 : memref<32768xf32, #tpu.memory_space<hbm>>)
      %get3A_170 = arith.constant 0 : index
      %get3A_171 = tpu.vector_load %arg9[%get3A_170] {strides = array<i32>} : memref<32xi32, #tpu.memory_space<vmem>>, vector<16xi32>,
      %broadcast_in_dim3A_172 = arith.constant 0.000000e+00 : f32
      %broadcast_in_dim3A_173 = vector.broadcast %broadcast_in_dim3A_172 : f32 to vector<16xf32>
      tpu.vector_store_idx %arg6[%get3A_171], %broadcast_in_dim3A_173 : memref<32768xf32, #tpu.memory_space<vmem>>[vector<16xi32>], vector<16xf32>,
      %get3A_174 = arith.constant 0 : index
      %get3A_175 = tpu.vector_load %arg11[%get3A_174] {strides = array<i32>} : memref<32xi32, #tpu.memory_space<vmem>>, vector<16xi32>,
      %broadcast_in_dim3A_176 = arith.constant 0.000000e+00 : f32
      %broadcast_in_dim3A_177 = vector.broadcast %broadcast_in_dim3A_176 : f32 to vector<16xf32>
      tpu.vector_store_idx %arg6[%get3A_175], %broadcast_in_dim3A_177 : memref<32768xf32, #tpu.memory_space<vmem>>[vector<16xi32>], vector<16xf32>,
      %get3A_178 = arith.constant 16 : index
      %get3A_179 = tpu.vector_load %arg9[%get3A_178] {strides = array<i32>} : memref<32xi32, #tpu.memory_space<vmem>>, vector<16xi32>,
      %broadcast_in_dim3A_180 = arith.constant 0.000000e+00 : f32
      %broadcast_in_dim3A_181 = vector.broadcast %broadcast_in_dim3A_180 : f32 to vector<16xf32>
      tpu.vector_store_idx %arg6[%get3A_179], %broadcast_in_dim3A_181 : memref<32768xf32, #tpu.memory_space<vmem>>[vector<16xi32>], vector<16xf32>,
      %get3A_182 = arith.constant 16 : index
      %get3A_183 = tpu.vector_load %arg11[%get3A_182] {strides = array<i32>} : memref<32xi32, #tpu.memory_space<vmem>>, vector<16xi32>,
      %broadcast_in_dim3A_184 = arith.constant 0.000000e+00 : f32
      %broadcast_in_dim3A_185 = vector.broadcast %broadcast_in_dim3A_184 : f32 to vector<16xf32>
      tpu.vector_store_idx %arg6[%get3A_183], %broadcast_in_dim3A_185 : memref<32768xf32, #tpu.memory_space<vmem>>[vector<16xi32>], vector<16xf32>,
      %get3A_186 = arith.constant 0 : index
      %get3A_187 = tpu.vector_load %arg10[%get3A_186] {strides = array<i32>} : memref<32xi32, #tpu.memory_space<vmem>>, vector<16xi32>,
      %convert_element_type3A_188 = arith.sitofp %get3A_187 : vector<16xi32> to vector<16xf32>
      %add3A_189 = vector.broadcast %mul3A_160 : f32 to vector<16xf32>
      %add3A_190 = arith.addf %convert_element_type3A_188, %add3A_189 : vector<16xf32>
      tpu.vector_store_idx %arg6[%get3A_187], %add3A_190 : memref<32768xf32, #tpu.memory_space<vmem>>[vector<16xi32>], vector<16xf32>,
      %get3A_191 = arith.constant 0 : index
      %get3A_192 = tpu.vector_load %arg12[%get3A_191] {strides = array<i32>} : memref<32xi32, #tpu.memory_space<vmem>>, vector<16xi32>,
      %get3A_193 = arith.constant 0 : index
      %get3A_194 = tpu.vector_load %arg14[%get3A_193] {strides = array<i32>} : memref<32xf32, #tpu.memory_space<vmem>>, vector<16xf32>,
      %sub3A_195 = vector.broadcast %mul3A_163 : f32 to vector<16xf32>
      %sub3A_196 = arith.subf %get3A_194, %sub3A_195 : vector<16xf32>
      tpu.vector_store_idx %arg6[%get3A_192], %sub3A_196 : memref<32768xf32, #tpu.memory_space<vmem>>[vector<16xi32>], vector<16xf32>,
      %get3A_197 = arith.constant 16 : index
      %get3A_198 = tpu.vector_load %arg10[%get3A_197] {strides = array<i32>} : memref<32xi32, #tpu.memory_space<vmem>>, vector<16xi32>,
      %convert_element_type3A_199 = arith.sitofp %get3A_198 : vector<16xi32> to vector<16xf32>
      %add3A_200 = vector.broadcast %mul3A_160 : f32 to vector<16xf32>
      %add3A_201 = arith.addf %convert_element_type3A_199, %add3A_200 : vector<16xf32>
      tpu.vector_store_idx %arg6[%get3A_198], %add3A_201 : memref<32768xf32, #tpu.memory_space<vmem>>[vector<16xi32>], vector<16xf32>,
      %get3A_202 = arith.constant 16 : index
      %get3A_203 = tpu.vector_load %arg12[%get3A_202] {strides = array<i32>} : memref<32xi32, #tpu.memory_space<vmem>>, vector<16xi32>,
      %get3A_204 = arith.constant 16 : index
      %get3A_205 = tpu.vector_load %arg14[%get3A_204] {strides = array<i32>} : memref<32xf32, #tpu.memory_space<vmem>>, vector<16xf32>,
      %sub3A_206 = vector.broadcast %mul3A_163 : f32 to vector<16xf32>
      %sub3A_207 = arith.subf %get3A_205, %sub3A_206 : vector<16xf32>
      tpu.vector_store_idx %arg6[%get3A_203], %sub3A_207 : memref<32768xf32, #tpu.memory_space<vmem>>[vector<16xi32>], vector<16xf32>,
      %dma_start3A_208 = arith.constant 0 : i32
      %dma_start3A_209 = tpu.memref_slice %arg3[%add3A_27, %dma_start3A_208] : memref<128x32768xf32, #tpu.memory_space<hbm>> -> memref<1x32768xf32, #tpu.memory_space<hbm>>
      %dma_start3A_210 = tpu.memref_squeeze %dma_start3A_209 : memref<1x32768xf32, #tpu.memory_space<hbm>> -> memref<32768xf32, #tpu.memory_space<hbm>>
      %dma_start3A_211 = arith.constant 0 : i32
      %dma_start3A_212 = tpu.memref_slice %arg3[%add3A_27, %dma_start3A_211] : memref<128x32768xf32, #tpu.memory_space<hbm>> -> memref<1x32768xf32, #tpu.memory_space<hbm>>
      %dma_start3A_213 = tpu.memref_squeeze %dma_start3A_212 : memref<1x32768xf32, #tpu.memory_space<hbm>> -> memref<32768xf32, #tpu.memory_space<hbm>>
      tpu.enqueue_dma source(%arg6 : memref<32768xf32, #tpu.memory_space<vmem>>) target(%dma_start3A_213 : memref<32768xf32, #tpu.memory_space<hbm>>) target_semaphore(%arg17 : memref<!tpu.dma_semaphore, #tpu.memory_space<semaphore_mem>>)
      %scan3A_214 = arith.constant 0 : i32
      scf.yield %scan3A_214 : i32
    }
    %scan3A_15 = arith.constant 2 : i32
    %dma_wait3A = arith.constant 0 : i32
    %dma_wait3A_16 = tpu.memref_slice %arg3[%mul3A_2, %dma_wait3A] : memref<128x32768xf32, #tpu.memory_space<hbm>> -> memref<1x32768xf32, #tpu.memory_space<hbm>>
    %dma_wait3A_17 = tpu.memref_squeeze %dma_wait3A_16 : memref<1x32768xf32, #tpu.memory_space<hbm>> -> memref<32768xf32, #tpu.memory_space<hbm>>
    %dma_wait3A_18 = arith.constant 0 : i32
    %dma_wait3A_19 = tpu.memref_slice %arg3[%mul3A_2, %dma_wait3A_18] : memref<128x32768xf32, #tpu.memory_space<hbm>> -> memref<1x32768xf32, #tpu.memory_space<hbm>>
    %dma_wait3A_20 = tpu.memref_squeeze %dma_wait3A_19 : memref<1x32768xf32, #tpu.memory_space<hbm>> -> memref<32768xf32, #tpu.memory_space<hbm>>
    tpu.wait_dma2 semaphore(%arg17 : memref<!tpu.dma_semaphore, #tpu.memory_space<semaphore_mem>>) src(%arg6 : memref<32768xf32, #tpu.memory_space<vmem>>) dst(%dma_wait3A_20 : memref<32768xf32, #tpu.memory_space<hbm>>)
    return
  }
}

</mosaic_0001>

<sc_bundles>
// kernel: kernel.3.cloned.1.call-start
scs
__scs_entry_jumppad:
0x0: {  	(pc) =	sbr.rel $0x88, $3  }
0x1: {  	(tag) =	ssettag $0x0;
	lr =	simm.s32 $0x1  }
0x2: {  	[smem:$0x3FA0] =	sst lr;
	_ =	strace $0xD0000000  }
0x3: {  	_ = 	snop  }
0x4: {  	_ = 	snop  }
0x5: {  	_ = 	snop  }
0x6: {  	_ = 	snop  }
0x7: {  	_ = 	snop  }
__scs_overlays_trampoline_lowered:
0x8: {  	[smem:$0x3FAF] =	sst s0  }
0x9: {  	[smem:$0x3FB0] =	sst s1  }
0xa: {  	[smem:$0x3FB1] =	sst s2  }
0xb: {  	[smem:$0x3FB2] =	sst s3  }
0xc: {  	[smem:$0x3FB3] =	sst s4  }
0xd: {  	[smem:$0x3FB4] =	sst s5  }
0xe: {  	[smem:$0x3FB5] =	sst s6  }
0xf: {  	[smem:$0x3FB6] =	sst s7  }
0x10: {  	[smem:$0x3FB7] =	sst s8  }
0x11: {  	[smem:$0x3FB8] =	sst s9;
	s0 =	simm.s32 @!p0 $0x0  }
0x12: {  	s1 =	sld [smem:$0x3F9E];
	s0 =	simm.s32 @p0 $0x1  }
0x13: {  	[smem:$0x3FB9] =	sst s0;
	s0 =	simm.s32 @!p1 $0x0  }
0x14: {  	s2 =	sld [smem:$0x3F9D];
	s0 =	simm.s32 @p1 $0x1  }
0x15: {  	[smem:$0x3FBA] =	sst s0;
	s0 =	simm.s32 @!p2 $0x0  }
0x16: {  	s3 =	sld [smem:$0x3FDB];
	s0 =	simm.s32 @p2 $0x1  }
0x17: {  	s4 =	simm.s32 $0x1BF5;
	[smem:$0x3FBC] =	sst s0  }
0x18: {  	s0 =	sld [smem:$0x3F9F];
	_ =	swait.ge [sflag:s4], $0x0  }
0x19: {  	s7 =	sld [smem:$0x3FA0]  }
0x1a: {  	s8 =	sadd.s32 $0xFFFFE003, lr  }
0x1b: {  	s9 =	sadd.s32 $0xFFFFFEF7, lr;
	s5 =	simm.s32 $0xFFFFFFFF;
	p2 =	slt.u32 s8, $0xFFFFF086  }
0x1c: {  	p1 =	slt.u32 s9, $0xF7A;
	s5 =	simm.s32 @!p2 $0x0  }
0x1d: {  	s5 =	simm.s32 @p1 $0x1;
	p0 =	seq.s32 s7, s2  }
0x1e: {  	s7 =	smul.u32 @!p0 $0xF7A, s2;
	p2 =	seq.s32 @!p0 s5, $0x0  }
0x1f: {  	s9 =	smul.u32 $0xF7A, s1;
	s8 =	simm.s32 @!p0 $0x1BF5;
	p2 =	por !p2, p0  }
0x20: {  	[sflag:s8] =	ssyncset.s32 @!p0 $0xFFFFF086;
	s6 =	sadd.s32 @!p0 s3, s7;
	s7 =	simm.s32 @!p0 $0x108  }
0x21: {  	s3 =	sadd.s32 s3, s9;
	s6 =	sadd.s32 @!p0 $0x88, s6;
	s7 =	simm.s32 @p2 $0x1082  }
0x22: {  	[simem:s7], [sflag:s8] =	dma.local @!p0 [hbm:s6], $0xF7A  }
0x23: {  	s9 =	sor.u32 $0xD0000000, s2;
	s6 =	simm.s32 $0x108;
	_ =	swait.ge @!p0 [sflag:s8], $0x0  }
0x24: {  	s3 =	sadd.s32 $0x88, s3;
	s6 =	simm.s32 @!p1 $0x1082;
	[sflag:s4] =	ssyncset.s32 $0xFFFFF086  }
0x25: {  	[simem:s6], [sflag:s4] =	dma.local [hbm:s3], $0xF7A  }
0x26: {  	[smem:$0x3FA0] =	sst s1;
	(tag) =	ssettag s2;
	_ =	strace s9  }
0x27: {  	s1 =	sld [smem:$0x3FB0]  }
0x28: {  	s2 =	sld [smem:$0x3FB1]  }
0x29: {  	s4 =	sld [smem:$0x3FB3]  }
0x2a: {  	p0 =	seq.s32 s5, $0x0;
	s5 =	sld [smem:$0x3FB4]  }
0x2b: {  	s6 =	sld [smem:$0x3FB5]  }
0x2c: {  	s7 =	sld [smem:$0x3FB6]  }
0x2d: {  	s3 =	simm.s32 $0x108;
	s8 =	sld [smem:$0x3FB7]  }
0x2e: {  	s3 =	simm.s32 @!p0 $0x1082;
	s9 =	sld [smem:$0x3FB8]  }
0x2f: {  	lr =	sadd.s32 s0, s3;
	s0 =	sld [smem:$0x3FAF]  }
0x30: {  	s3 =	sld [smem:$0x3FB2]  }
0x31: {  	[smem:$0x3FBB] =	sst s10  }
0x32: {  	s10 =	sld [smem:$0x3FB9];
	_ =	sdelay $0x3  }
0x33: {  	p0 =	seq.s32 s10, $0x1;
	s10 =	sld [smem:$0x3FBB];
	_ =	sdelay $0x3  }
0x34: {  	[smem:$0x3FBB] =	sst s10  }
0x35: {  	s10 =	sld [smem:$0x3FBA];
	_ =	sdelay $0x3  }
0x36: {  	p1 =	seq.s32 s10, $0x1;
	s10 =	sld [smem:$0x3FBB];
	_ =	sdelay $0x3  }
0x37: {  	[smem:$0x3FBB] =	sst s10  }
0x38: {  	s10 =	sld [smem:$0x3FBC]  }
0x39: {  	_ = 	snop;
	(pc) =	sbr.ind lr, $3  }
0x3a: {  	_ = 	snop  }
0x3b: {  	_ = 	snop  }
0x3c: {  	p2 =	seq.s32 s10, $0x1;
	s10 =	sld [smem:$0x3FBB]  }
0x3d: {  	_ =	shalt  }
0x3e: {  	_ =	shalt  }
0x3f: {  	_ =	shalt  }
0x40: {  	_ =	shalt  }
0x41: {  	_ =	shalt  }
0x42: {  	_ =	shalt  }
0x43: {  	_ =	shalt  }
0x44: {  	_ =	shalt  }
0x45: {  	_ =	shalt  }
0x46: {  	_ =	shalt  }
0x47: {  	_ =	shalt  }
0x48: {  	_ =	shalt  }
0x49: {  	_ =	shalt  }
0x4a: {  	_ =	shalt  }
0x4b: {  	_ =	shalt  }
0x4c: {  	_ =	shalt  }
0x4d: {  	_ =	shalt  }
0x4e: {  	_ =	shalt  }
0x4f: {  	_ =	shalt  }
0x50: {  	_ =	shalt  }
0x51: {  	_ =	shalt  }
0x52: {  	_ =	shalt  }
0x53: {  	_ =	shalt  }
0x54: {  	_ =	shalt  }
0x55: {  	_ =	shalt  }
0x56: {  	_ =	shalt  }
0x57: {  	_ =	shalt  }
0x58: {  	_ =	shalt  }
0x59: {  	_ =	shalt  }
0x5a: {  	_ =	shalt  }
0x5b: {  	_ =	shalt  }
0x5c: {  	_ =	shalt  }
0x5d: {  	_ =	shalt  }
0x5e: {  	_ =	shalt  }
0x5f: {  	_ =	shalt  }
0x60: {  	_ =	shalt  }
0x61: {  	_ =	shalt  }
0x62: {  	_ =	shalt  }
0x63: {  	_ =	shalt  }
0x64: {  	_ =	shalt  }
0x65: {  	_ =	shalt  }
0x66: {  	_ =	shalt  }
0x67: {  	_ =	shalt  }
0x68: {  	_ =	shalt  }
0x69: {  	_ =	shalt  }
0x6a: {  	_ =	shalt  }
0x6b: {  	_ =	shalt  }
0x6c: {  	_ =	shalt  }
0x6d: {  	_ =	shalt  }
0x6e: {  	_ =	shalt  }
0x6f: {  	_ =	shalt  }
0x70: {  	_ =	shalt  }
0x71: {  	_ =	shalt  }
0x72: {  	_ =	shalt  }
0x73: {  	_ =	shalt  }
0x74: {  	_ =	shalt  }
0x75: {  	_ =	shalt  }
0x76: {  	_ =	shalt  }
0x77: {  	_ =	shalt  }
0x78: {  	_ =	shalt  }
0x79: {  	_ =	shalt  }
0x7a: {  	_ =	shalt  }
0x7b: {  	_ =	shalt  }
0x7c: {  	_ =	shalt  }
0x7d: {  	_ =	shalt  }
0x7e: {  	_ =	shalt  }
0x7f: {  	_ =	shalt  }
0x80: {  	_ =	shalt  }
0x81: {  	_ =	shalt  }
0x82: {  	_ =	shalt  }
0x83: {  	_ =	shalt  }
0x84: {  	_ =	shalt  }
0x85: {  	_ =	shalt  }
0x86: {  	_ =	shalt  }
0x87: {  	_ =	shalt  }
.Lfunc_end0:
.L_simem_size_0:
called_computation_lowered:
.L_overlay_start_0:
0x88: {  	s2 =	sld [smem:$0x3FD9]  }
0x89: {  	s3 =	sld [smem:$0x3FFE];
	_ =	sdelay $0x1  }
0x8a: {  	s1 =	srdreg.scid  }
0x8b: {  	s0 =	sand.u32 $0x1, s1  }
0x8c: {  	s18 =	sshll.u32 s0, $0xA;
	s2 =	sadd.s32 s3, s2  }
0x8d: {  	s2 =	sadd.s32 s2, s18  }
0x8e: {  	[smem:$0x3FC7] =	sst s2  }
0x8f: {  	_ = 	snop  }
0x90: {  	s2 =	sld [smem:$0x3FC9]  }
0x91: {  	s19 =	sld [smem:$0x3FD0];
	(tm) =	ssettm $0x1  }
0x92: {  	s4 =	sld [smem:$0x3FFB];
	_ =	sdelay $0x3  }
0x93: {  	_ =	strace s4  }
0x94: {  	s4 =	sld [smem:$0x3FFC];
	_ =	sdelay $0x3  }
0x95: {  	_ =	strace s4  }
0x96: {  	s4 =	sld [smem:$0x3FFD];
	_ =	sdelay $0x3  }
0x97: {  	_ =	strace s4  }
0x98: {  	_ =	strace $0x8FFFFFFF  }
0x99: {  	s20 =	sld [smem:$0x3FDB];
	_ =	sdelay $0x1  }
0x9a: {  	s5 =	simm.s32 $_scs_section_size  }
0x9b: {  	s6 =	simm.s32 $_size__tile_overlayer_lowered;
	s7 =	simm.s32 $_tile_overlayer_lowered  }
0x9c: {  	s23 =	simm.s32 $0x1BFF;
	s22 =	sshll.u32 s7, $0x1;
	s4 =	sadd.s32 s5, s20  }
0x9d: {  	s8 =	simm.s32 $0x0;
	s21 =	sshll.u32 s6, $0x1;
	s6 =	sadd.s32 s22, s4  }
0x9e: {  	[timem:s8], [sflag:s23] =	dma.local [hbm:s6], s21  }
0x9f: {  	_ =	swait.ge [sflag:s23], s21  }
0xa0: {  	s5 =	ssub.s32 $0x0, s21;
	[sflag:s23] =	ssyncset.done $0x0  }
0xa1: {  	[sflag:s23] =	ssyncadd.s32 s5;
	_ =	sdelay $0x1  }
0xa2: {  	s24 =	simm.s32 $0x1B8B  }
0xa3: {  	_ =	swait.ge [sflag:s24], $0x1  }
0xa4: {  	[sflag:s24] =	ssyncset.done $0x0  }
0xa5: {  	s25 =	simm.s32 $0x1B8E;
	[sflag:s24] =	ssyncadd.s32 $0xFFFFFFFF  }
0xa6: {  	s26 =	simm.s32 $execute0_lowered;
	[smem:$0x3FD2] =	sst s25  }
0xa7: {  	s5 =	sshll.u32 s26, $0x1;
	_ =	strace $0x80000046;
	[dreg:$0x1] =	wrdreg $0xFFFFFFFF  }
0xa8: {  	s28 =	simm.s32 $_size_execute0_lowered;
	s4 =	sadd.s32 s4, s5;
	[dreg:$0x0] =	wrdreg $0x0  }
0xa9: {  	s5 =	sshll.u32 s28, $0x1;
	[dreg:$0x2] =	wrdreg s4  }
0xaa: {  	[dreg:$0x3] =	wrdreg s5  }
0xab: {  	[dreg:$0x4] =	wrdreg $0xC0  }
0xac: {  	_ =	task [dreg:s8], $0x5FFFF  }
0xad: {  	[dreg:$0x1] =	wrdreg $0xFFFFFFFF  }
0xae: {  	[dreg:$0x0] =	wrdreg $0x60  }
0xaf: {  	[dreg:$0x2] =	wrdreg s2  }
0xb0: {  	[dreg:$0x3] =	wrdreg s19  }
0xb1: {  	[dreg:$0x4] =	wrdreg $0x9  }
0xb2: {  	_ =	task.clear_ibuf [dreg:s8], $0x5FFFF;
	_ =	strace $0x90000046  }
0xb3: {  	s29 =	simm.s32 $0x9;
	_ =	strace $0x80000048  }
0xb4: {  	_ =	swait.ge [sflag:s29], $0x1  }
0xb5: {  	[sflag:s29] =	ssyncadd.s32 $0xFFFFFFFF  }
0xb6: {  	_ =	strace $0x90000048  }
0xb7: {  	_ =	sfence  }
0xb8: {  	s30 =	sld [smem:$0x0];
	_ =	sdelay $0x2  }
0xb9: {  	s31 =	sshll.u32 s1, $0xD;
	s1 =	sshrl.u32 s1, $0x2  }
0xba: {  	s3 =	sand.u32 $0x4000, s31;
	s1 =	sadd.s32 s1, s30  }
0xbb: {  	s0 =	sor.u32 s3, s0;
	s1 =	sshll.u32 s1, $0x11  }
0xbc: {  	s0 =	sor.u32 s1, s0  }
0xbd: {  	s0 =	sadd.s32 $0x8F2B, s0  }
0xbe: {  	[sflag:s0] =	ssyncadd.remote.s32 $0x1  }
0xbf: {  	_ =	sfence.sel $0xFFFF  }
0xc0: {  	[dreg:$0x0] =	wrdreg $0xFFFFFFFF;
	(pc) =	sbr.abs _section_cstart, $3  }
0xc1: {  	[dreg:$0x1] =	wrdreg $0xFFFFFFFF  }
0xc2: {  	_ =	task.clear_ibuf [dreg:s8], $0x2FFFF;
	_ =	strace $0x9FFFFFFF  }
0xc3: {  	(tm) =	ssettm $0x7FFFFFFF  }
tec
execute0_lowered:
.L_overlay_start_1:
0x0: {  	(tag) =	ssettag $0x1  }
0x1: {  	s1 =	rddreg [dreg:$0x0];
	s4 =	simm.s32 $0x0;
	v0 =	vlaneseq.u32  }
0x2: {  	[smem:$0x7FF] =	sst s4;
	v38 =	vor.u32 $0x10, v0  }
0x3: {  	s3 =	rddreg [dreg:$0x1];
	v40 =	vor.u32 $0x20, v0;
	_ =	strace $0x80000047;
	[tilespmem:$0x1FF00] =	vst v38  }
0x4: {  	v41 =	vor.u32 $0x50, v0;
	[tilespmem:$0x1FF10] =	vst v40  }
0x5: {  	v42 =	vor.u32 $0x80000070, v0;
	[tilespmem:$0x1FF20] =	vst v41  }
0x6: {  	v43 =	vor.u32 $0x60, v0;
	[tilespmem:$0x1FF30] =	vst v42  }
0x7: {  	s0 =	srdreg.scid;
	v44 =	vor.u32 $0x80000060, v0;
	[tilespmem:$0x1FF40] =	vst v43  }
0x8: {  	s2 =	stileid.u32;
	s11 =	simm.s32 $0x80;
	s12 =	simm.s32 $0x400;
	v46 =	vor.u32 $0x80000050, v0;
	[tilespmem:$0x1FF50] =	vst v44  }
0x9: {  	s13 =	simm.s32 $0x1;
	s14 =	simm.s32 $0x18000;
	s15 =	simm.s32 $0x8000;
	v47 =	vor.u32 $0x40, v0;
	[tilespmem:$0x1FF60] =	vst v46  }
0xa: {  	s16 =	simm.s32 $0x18800;
	s17 =	simm.s32 $0x19000;
	s18 =	simm.s32 $0x19100;
	v51 =	vor.u32 $0x70, v0;
	[tilespmem:$0x1FF70] =	vst v47  }
0xb: {  	s19 =	simm.s32 $0x19200;
	s20 =	simm.s32 $0x10000;
	s21 =	simm.s32 $0x2;
	v52 =	vor.u32 $0x80000040, v0;
	[tilespmem:$0x1FF80] =	vst v51  }
0xc: {  	s22 =	simm.s32 $0x19080;
	s23 =	simm.s32 $0x19180;
	s24 =	simm.s32 $0x19280;
	v53 =	vor.u32 $0x30, v0;
	[tilespmem:$0x1FF90] =	vst v52  }
0xd: {  	s25 =	simm.s32 $0x3;
	s0 =	sand.u32 $0x1, s0;
	s5 =	sshll.u32 s2, $0xE;
	v54 =	vor.u32 $0x80000030, v0;
	[tilespmem:$0x1FFA0] =	vst v53  }
0xe: {  	s26 =	simm.s32 $0x0;
	v55 =	vor.u32 $0x80000020, v0;
	s6 =	sshll.u32 s0, $0x12;
	s5 =	sand.u32 $0x38000, s5;
	[tilespmem:$0x1FFB0] =	vst v54  }
0xf: {  	s28 =	sshll.u32 s2, $0x6;
	v56 =	vor.u32 $0x80000010, v0;
	s0 =	ssub.s32 $0x2, s0;
	[tilespmem:$0x1FFC0] =	vst v55;
	s10 =	sor.u32 s5, s6  }
0x10: {  	v10 =	vmul.u32 $0x80, v0;
	v57 =	vor.u32 $0x80000000, v0;
	[tilespmem:$0x1FFD0] =	vst v56;
	s29 =	sshrl.u32 s0, $0x1;
	s5 =	sand.u32 $0x40, s28;
	s7 =	sadd.s32 s10, s1  }
0x11: {  	v58 =	vmul.u32 $0x10, v0;
	[tilespmem:$0x1FFE0] =	vst v57;
	s0 =	ssub.s32 s0, s29;
	s30 =	sadd.s32 s1, s5;
	s8 =	sadd.s32 s5, s7  }
0x12: {  	[tilespmem:$0x1FEF0] =	vst v10;
	s31 =	sadd.s32 s10, s30;
	s7 =	sadd.s32 s3, s10;
	s9 =	smax.u32 s0, $0x1  }
0x13: {  	v3 =	vimm.f32 $0.0e+00;
	[tilespmem:$0x1FFF0] =	vst v58;
	s10 =	sor.u32 $0x10, s10;
	[dreg:$0x3] =	wrdreg s31;
	s8 =	sadd.s32 $0x20, s8  }
.LBB2_1:
0x14: {  	s0 =	rddreg [dreg:$0x3]  }
0x15: {  	[tilespmem:s4], [sflag:$0x1] =	stream.strided.gather [hbm4b:s0+s11], $0x8000, s12, s11, $0x38;
	[tilespmem:$0x19300] =	vst v63  }
0x16: {  	s0 =	simm.s32 $0x10100  }
0x17: {  	[tilespmem:s0+$0xFFFFFF00] =	vst v3  }
0x18: {  	[tilespmem:s0+$0xF0] =	vst v3  }
0x19: {  	[tilespmem:s0+$0xE0] =	vst v3  }
0x1a: {  	[tilespmem:s0+$0xD0] =	vst v3  }
0x1b: {  	[tilespmem:s0+$0xC0] =	vst v3  }
0x1c: {  	[tilespmem:s0+$0xB0] =	vst v3  }
0x1d: {  	[tilespmem:s0+$0xA0] =	vst v3  }
0x1e: {  	[tilespmem:s0+$0x90] =	vst v3  }
0x1f: {  	[tilespmem:s0+$0x80] =	vst v3  }
0x20: {  	[tilespmem:s0+$0x70] =	vst v3  }
0x21: {  	[tilespmem:s0+$0x60] =	vst v3  }
0x22: {  	[tilespmem:s0+$0x50] =	vst v3  }
0x23: {  	[tilespmem:s0+$0x40] =	vst v3  }
0x24: {  	[tilespmem:s0+$0x30] =	vst v3  }
0x25: {  	[tilespmem:s0+$0x20] =	vst v3  }
0x26: {  	[tilespmem:s0+$0x10] =	vst v3  }
0x27: {  	[tilespmem:s0+$0x0] =	vst v3  }
0x28: {  	[tilespmem:s0+$0xFFFFFFF0] =	vst v3  }
0x29: {  	[tilespmem:s0+$0xFFFFFFE0] =	vst v3  }
0x2a: {  	[tilespmem:s0+$0xFFFFFFD0] =	vst v3  }
0x2b: {  	[tilespmem:s0+$0xFFFFFFC0] =	vst v3  }
0x2c: {  	[tilespmem:s0+$0xFFFFFFB0] =	vst v3  }
0x2d: {  	[tilespmem:s0+$0xFFFFFFA0] =	vst v3  }
0x2e: {  	[tilespmem:s0+$0xFFFFFF90] =	vst v3  }
0x2f: {  	[tilespmem:s0+$0xFFFFFF80] =	vst v3  }
0x30: {  	[tilespmem:s0+$0xFFFFFF70] =	vst v3  }
0x31: {  	[tilespmem:s0+$0xFFFFFF60] =	vst v3  }
0x32: {  	[tilespmem:s0+$0xFFFFFF50] =	vst v3  }
0x33: {  	[tilespmem:s0+$0xFFFFFF40] =	vst v3  }
0x34: {  	[tilespmem:s0+$0xFFFFFF30] =	vst v3  }
0x35: {  	s28 =	simm.s32 $0x0;
	p2 =	por $0x1, $0x1;
	p1 =	por $0x0, $0x0;
	[tilespmem:s0+$0xFFFFFF20] =	vst v3  }
.LBB2_2:
0x36: {  	s28 =	sadd.s32 $0x2, s28;
	[tilespmem:s0+$0xFFFFFF10] =	vst v3;
	s0 =	sadd.s32 $0x200, s0  }
0x37: {  	[tilespmem:s0+$0xFFFFFF00] =	vst v3;
	p0 =	slt.u32 s28, $0x7E  }
0x38: {  	[tilespmem:s0+$0xF0] =	vst v3  }
0x39: {  	[tilespmem:s0+$0xE0] =	vst v3  }
0x3a: {  	[tilespmem:s0+$0xD0] =	vst v3  }
0x3b: {  	[tilespmem:s0+$0xC0] =	vst v3  }
0x3c: {  	[tilespmem:s0+$0xB0] =	vst v3  }
0x3d: {  	[tilespmem:s0+$0xA0] =	vst v3  }
0x3e: {  	[tilespmem:s0+$0x90] =	vst v3  }
0x3f: {  	[tilespmem:s0+$0x80] =	vst v3  }
0x40: {  	[tilespmem:s0+$0x70] =	vst v3  }
0x41: {  	[tilespmem:s0+$0x60] =	vst v3  }
0x42: {  	[tilespmem:s0+$0x50] =	vst v3  }
0x43: {  	[tilespmem:s0+$0x40] =	vst v3  }
0x44: {  	[tilespmem:s0+$0x30] =	vst v3  }
0x45: {  	[tilespmem:s0+$0x20] =	vst v3  }
0x46: {  	[tilespmem:s0+$0x10] =	vst v3  }
0x47: {  	[tilespmem:s0+$0x0] =	vst v3  }
0x48: {  	[tilespmem:s0+$0xFFFFFFF0] =	vst v3  }
0x49: {  	[tilespmem:s0+$0xFFFFFFE0] =	vst v3  }
0x4a: {  	[tilespmem:s0+$0xFFFFFFD0] =	vst v3  }
0x4b: {  	[tilespmem:s0+$0xFFFFFFC0] =	vst v3  }
0x4c: {  	[tilespmem:s0+$0xFFFFFFB0] =	vst v3  }
0x4d: {  	[tilespmem:s0+$0xFFFFFFA0] =	vst v3  }
0x4e: {  	[tilespmem:s0+$0xFFFFFF90] =	vst v3  }
0x4f: {  	[tilespmem:s0+$0xFFFFFF80] =	vst v3  }
0x50: {  	[tilespmem:s0+$0xFFFFFF70] =	vst v3  }
.Ltmp0:
0x51: {  	[tilespmem:s0+$0xFFFFFF60] =	vst v3;
	(pc) =	sbr.rel @p0 .LBB2_2-.Ltmp0, $4  }
0x52: {  	[tilespmem:s0+$0xFFFFFF50] =	vst v3  }
0x53: {  	[tilespmem:s0+$0xFFFFFF40] =	vst v3  }
0x54: {  	[tilespmem:s0+$0xFFFFFF30] =	vst v3  }
0x55: {  	[tilespmem:s0+$0xFFFFFF20] =	vst v3  }
0x56: {  	[tilespmem:s0+$0xFFFFFF10] =	vst v3;
	s0 =	simm.s32 $0x0  }
.LBB2_4:
0x57: {  	s29 =	sor.u32 s5, s0;
	_ =	swait.ge [sflag:s13], $0x8000  }
0x58: {  	[sflag:s13] =	ssyncset.done $0x0;
	s28 =	sor.u32 s10, s29  }
0x59: {  	s6 =	simm.s32 $0x100;
	[sflag:s13] =	ssyncadd.s32 $0xFFFF8000;
	s2 =	sadd.s32 s1, s28  }
0x5a: {  	[tilespmem:s15], [sflag:$0x2] =	stream.strided.gather [hbm4b:s2+s11], $0x8000, s12, s11, $0x38;
	[tilespmem:$0x19300] =	vst v63  }
0x5b: {  	v1 =	vld [tilespmem:s6+$0xFFFFFF00]  }
0x5c: {  	v24 =	vld [tilespmem:s6+$0xFFFFFF90]  }
0x5d: {  	v21 =	vld [tilespmem:s6+$0xE0]  }
0x5e: {  	v22 =	vld [tilespmem:s6+$0xFFFFFFE0]  }
0x5f: {  	v25 =	vld [tilespmem:s6+$0xFFFFFF80]  }
0x60: {  	v29 =	vld [tilespmem:s6+$0xA0]  }
0x61: {  	v2 =	vld [tilespmem:s6+$0x30]  }
0x62: {  	v6 =	vld [tilespmem:s6+$0x70]  }
0x63: {  	v28 =	vld [tilespmem:s6+$0xFFFFFF70]  }
0x64: {  	v46 =	vld [tilespmem:s6+$0xFFFFFF60]  }
0x65: {  	v19 =	vld [tilespmem:s6+$0xFFFFFF20]  }
0x66: {  	v8 =	vld [tilespmem:s6+$0x10]  }
0x67: {  	v32 =	vld [tilespmem:s6+$0x0]  }
0x68: {  	v33 =	vld [tilespmem:s6+$0xFFFFFF10]  }
0x69: {  	v35 =	vld [tilespmem:s6+$0x20]  }
0x6a: {  	v47 =	vimm.f32 $-Inf;
	v31 =	vimm.f32 $+Inf;
	v39 =	vld [tilespmem:s6+$0x50]  }
0x6b: {  	v53 =	vld [tilespmem:s6+$0xFFFFFF30];
	v34 =	vand.u32 $0x7FFFFFFF, v1;
	v20 =	vand.u32 $0x7FFFFFFF, v21;
	v23 =	vand.u32 $0x7FFFFFFF, v22  }
0x6c: {  	v49 =	vld [tilespmem:s6+$0xFFFFFF40];
	v26 =	vand.u32 $0x7FFFFFFF, v29;
	v40 =	vand.u32 $0x7FFFFFFF, v28;
	v44 =	vand.u32 $0x7FFFFFFF, v46  }
0x6d: {  	v51 =	vld [tilespmem:s6+$0xFFFFFF50];
	v54 =	vand.u32 $0x7FFFFFFF, v6;
	v36 =	vand.u32 $0x7FFFFFFF, v19;
	v37 =	vand.u32 $0x7FFFFFFF, v25  }
0x6e: {  	v30 =	vand.u32 $0x7FFFFFFF, v8;
	v41 =	vand.u32 $0x7FFFFFFF, v32;
	v42 =	vadd.f32 v8, v32  }
0x6f: {  	v43 =	vand.u32 $0x7FFFFFFF, v2;
	v38 =	vand.u32 $0x7FFFFFFF, v24;
	v45 =	vadd.f32 v33, v1  }
0x70: {  	v48 =	vand.u32 $0x7FFFFFFF, v35;
	v50 =	vmax.f32 v32, v8;
	v56 =	vmin.f32 v1, v33  }
0x71: {  	v52 =	vand.u32 $0x7FFFFFFF, v39;
	v57 =	vand.u32 $0x7FFFFFFF, v53;
	v1 =	vmax.f32 v1, v33  }
0x72: {  	v27 =	vld [tilespmem:s6+$0xFFFFFFA0];
	v59 =	vand.u32 $0x7FFFFFFF, v49;
	v33 =	vand.u32 $0x7FFFFFFF, v33;
	v60 =	vand.u32 $0x7FFFFFFF, v51  }
0x73: {  	v8 =	vmin.f32 v32, v8;
	v30 =	vadd.f32 v30, v41;
	v15 =	vmax.f32 v50, v35  }
0x74: {  	v33 =	vadd.f32 v33, v34;
	v8 =	vmin.f32 v8, v35;
	v1 =	vmax.f32 v1, v19  }
0x75: {  	v41 =	vld [tilespmem:s6+$0x40];
	v42 =	vadd.f32 v35, v42;
	v13 =	vmax.f32 v15, v2;
	v1 =	vmax.f32 v1, v53  }
0x76: {  	v62 =	vadd.f32 v19, v45;
	v30 =	vadd.f32 v48, v30;
	v1 =	vmax.f32 v1, v49  }
0x77: {  	v33 =	vadd.f32 v36, v33;
	v63 =	vadd.f32 v2, v42;
	v42 =	vand.u32 $0x7FFFFFFF, v27  }
0x78: {  	v2 =	vmin.f32 v8, v2;
	v1 =	vmax.f32 v1, v51;
	v15 =	vadd.f32 v53, v62  }
0x79: {  	v55 =	vld [tilespmem:s6+$0x60];
	v43 =	vadd.f32 v43, v30;
	v1 =	vmax.f32 v1, v46;
	v33 =	vadd.f32 v57, v33  }
0x7a: {  	v35 =	vld [tilespmem:s6+$0xFFFFFFB0];
	v58 =	vand.u32 $0x7FFFFFFF, v41;
	v50 =	vadd.f32 v41, v63;
	v2 =	vmin.f32 v2, v41  }
0x7b: {  	v48 =	vld [tilespmem:s6+$0xB0];
	v8 =	vmax.f32 v13, v41;
	v1 =	vmax.f32 v1, v28;
	v57 =	vadd.f32 v49, v15  }
0x7c: {  	v30 =	vld [tilespmem:s6+$0xD0];
	v43 =	vadd.f32 v58, v43;
	v2 =	vmin.f32 v2, v39;
	v8 =	vmax.f32 v8, v39  }
0x7d: {  	v58 =	vld [tilespmem:s6+$0x80];
	v1 =	vmax.f32 v1, v25;
	v33 =	vadd.f32 v59, v33;
	v12 =	vadd.f32 v39, v50  }
0x7e: {  	v2 =	vmin.f32 v2, v55;
	v50 =	vld [tilespmem:s6+$0xC0];
	v8 =	vmax.f32 v8, v55;
	v1 =	vmax.f32 v1, v24  }
0x7f: {  	v39 =	vld [tilespmem:s6+$0xFFFFFFC0];
	v57 =	vadd.f32 v51, v57;
	v61 =	vadd.f32 v52, v43;
	v2 =	vmin.f32 v2, v6  }
0x80: {  	v52 =	vld [tilespmem:s6+$0x90];
	v43 =	vand.u32 $0x7FFFFFFF, v48;
	v8 =	vmax.f32 v8, v6;
	v1 =	vmax.f32 v1, v27  }
0x81: {  	v36 =	vld [tilespmem:s6+$0xFFFFFFD0];
	v33 =	vadd.f32 v60, v33;
	v14 =	vadd.f32 v55, v12;
	v55 =	vand.u32 $0x7FFFFFFF, v55  }
0x82: {  	v32 =	vand.u32 $0x7FFFFFFF, v30;
	v1 =	vmax.f32 v1, v35;
	v55 =	vadd.f32 v55, v61  }
0x83: {  	v33 =	vadd.f32 v44, v33;
	v63 =	vand.u32 $0x7FFFFFFF, v58;
	v2 =	vmin.f32 v2, v58  }
0x84: {  	v34 =	vadd.f32 v6, v14;
	v61 =	vmax.f32 v8, v58;
	v41 =	vand.u32 $0x7FFFFFFF, v50  }
0x85: {  	v1 =	vmax.f32 v1, v39;
	v62 =	vadd.f32 v54, v55;
	v45 =	vand.u32 $0x7FFFFFFF, v52  }
0x86: {  	v2 =	vmin.f32 v2, v52;
	v1 =	vmax.f32 v1, v36;
	v55 =	vadd.f32 v58, v34  }
0x87: {  	v34 =	vimm.f32 $0.0e+00;
	v2 =	vmin.f32 v2, v29;
	v6 =	vmax.f32 v1, v22  }
0x88: {  	v1 =	vadd.f32 v40, v33;
	v54 =	vadd.f32 v63, v62;
	v2 =	vmin.f32 v2, v48  }
0x89: {  	p0 =	por p2, p2;
	v44 =	vld [tilespmem:s6+$0xF0];
	v63 =	vmax.f32 v61, v52;
	v33 =	vimm.f32 $0.0e+00;
	v8 =	vmin.f32 v2, v50  }
0x8a: {  	s31 =	simm.s32 $0x2;
	s0 =	simm.s32 $0x300;
	s30 =	simm.s32 $0x0;
	v40 =	vld [tilespmem:s6+$0xFFFFFFF0];
	v2 =	vmin.f32 v56, v19;
	v56 =	vadd.f32 v46, v57;
	v19 =	vmax.f32 v63, v29  }
.LBB2_5:
0x8b: {  	v52 =	vadd.f32 v52, v55  }
0x8c: {  	v8 =	vmin.f32 v8, v30;
	v57 =	vmov s30;
	v1 =	vadd.f32 v37, v1  }
0x8d: {  	v62 =	vand.u32 $0x7FFFFFFF, v35;
	v19 =	vmax.f32 v19, v48;
	v2 =	vmin.f32 v2, v53  }
0x8e: {  	v61 =	vld [tilespmem:s0+$0xFFFFFF00];
	v56 =	vadd.f32 v28, v56;
	v8 =	vmin.f32 v8, v21;
	v37 =	vand.u32 $0x7E, v57  }
0x8f: {  	v9 =	vld [tilespmem:s0+$0xFFFFFF90];
	v19 =	vmax.f32 v19, v50;
	v2 =	vmin.f32 v2, v49;
	v29 =	vadd.f32 v29, v52  }
0x90: {  	v59 =	vld [tilespmem:s0+$0xD0];
	v37 =	vbroadcast v37, $0x0;
	v1 =	vadd.f32 v38, v1;
	v19 =	vmax.f32 v19, v30  }
0x91: {  	v60 =	vld [tilespmem:s0+$0xE0];
	v2 =	vmin.f32 v2, v51;
	v56 =	vadd.f32 v25, v56;
	v19 =	vmax.f32 v19, v21  }
0x92: {  	s6 =	sadd.s32 $0x1, s30;
	v58 =	vld [tilespmem:s0+$0xFFFFFFE0];
	v2 =	vmin.f32 v2, v46;
	v55 =	vand.u32 $0x7FFFFFFF, v44;
	v12 =	vand.u32 $0x7FFFFFFF, v40  }
0x93: {  	v14 =	vld [tilespmem:s0+$0xFFFFFF80];
	v29 =	vadd.f32 v48, v29;
	v38 =	vor.u32 s6, v10;
	v57 =	vor.u32 v10, v37  }
0x94: {  	v15 =	vld [tilespmem:s0+$0xFFFFFFB0];
	v1 =	vadd.f32 v42, v1;
	v37 =	vand.u32 $0x7FFFFFFF, v39;
	v6 =	vmax.f32 v6, v40  }
0x95: {  	v16 =	vld [tilespmem:s0+$0xFFFFFFA0];
	v19 =	vmax.f32 v19, v44;
	v2 =	vmin.f32 v2, v28;
	v52 =	vand.u32 $0x7FFFFFFF, v61  }
0x96: {  	v48 =	vld [tilespmem:s0+$0x30];
	v56 =	vadd.f32 v24, v56;
	v2 =	vmin.f32 v2, v25;
	v13 =	vadd.f32 v50, v29  }
0x97: {  	v18 =	vand.u32 $0x7FFFFFFF, v60;
	v29 =	vld [tilespmem:s0+$0xA0];
	v62 =	vadd.f32 v62, v1;
	v2 =	vmin.f32 v2, v24  }
0x98: {  	v1 =	vld [tilespmem:s0+$0x70];
	v56 =	vadd.f32 v27, v56;
	v2 =	vmin.f32 v2, v27;
	v42 =	vadd.f32 v30, v13  }
0x99: {  	v30 =	vmov v59;
	v37 =	vadd.f32 v37, v62;
	v59 =	vld [tilespmem:s0+$0x60];
	v2 =	vmin.f32 v2, v35;
	[tilespmem:v57+s14+$0x0] =	vst.idx.msk $0xffff, v6  }
0x9a: {  	v63 =	vadd.f32 v35, v56;
	v56 =	vand.u32 $0x7FFFFFFF, v36;
	v6 =	vmax.f32 v47, v6;
	v17 =	vld [tilespmem:s0+$0xFFFFFF70]  }
0x9b: {  	v2 =	vmin.f32 v2, v39;
	v37 =	vadd.f32 v56, v37;
	v0 =	vld [tilespmem:s0+$0xFFFFFF60];
	v42 =	vadd.f32 v21, v42  }
0x9c: {  	v13 =	vand.u32 $0x7FFFFFFF, v58;
	v47 =	vmax.f32 v6, v19;
	v6 =	vld [tilespmem:s0+$0x10];
	[tilespmem:v38+s14+$0x0] =	vst.idx.msk $0xffff, v19;
	v19 =	vadd.f32 v45, v54  }
0x9d: {  	v56 =	vld [tilespmem:s0+$0xFFFFFF20];
	v2 =	vmin.f32 v2, v36;
	v50 =	vadd.f32 v39, v63;
	v53 =	vand.u32 $0x7FFFFFFF, v29  }
0x9e: {  	v21 =	vmovc v60;
	v49 =	vld [tilespmem:s0+$0xFFFFFF40];
	v63 =	vmin.f32 v8, v44;
	v60 =	vand.u32 $0x7FFFFFFF, v1;
	v2 =	vmin.f32 v2, v22  }
0x9f: {  	v25 =	vmovc v14;
	v8 =	vld [tilespmem:s0+$0xFFFFFF10];
	v3 =	vadd.f32 v23, v37;
	v19 =	vadd.f32 v26, v19;
	v37 =	vand.u32 $0x7FFFFFFF, v14  }
0xa0: {  	v51 =	vld [tilespmem:s0+$0xFFFFFF50];
	v26 =	vmovc v53;
	v44 =	vadd.f32 v44, v42;
	v2 =	vmin.f32 v2, v40;
	v50 =	vadd.f32 v36, v50  }
0xa1: {  	v14 =	vand.u32 $0x7FFFFFFF, v48;
	v53 =	vld [tilespmem:s0+$0xFFFFFF30];
	[tilespmem:v57+s16+$0x0] =	vst.idx.msk $0xffff, v2;
	v2 =	vmin.f32 v31, v2;
	v43 =	vadd.f32 v43, v19  }
0xa2: {  	v23 =	vmovc v13;
	v3 =	vadd.f32 v12, v3;
	v31 =	vmin.f32 v2, v63;
	v13 =	vadd.f32 v22, v50;
	v50 =	vld [tilespmem:s0+$0x0]  }
0xa3: {  	v54 =	vand.u32 $0x7FFFFFFF, v17;
	[tilespmem:v38+s16+$0x0] =	vst.idx.msk $0xffff, v63;
	v62 =	vand.u32 $0x7FFFFFFF, v0;
	v46 =	vmovc v0;
	v0 =	vand.u32 $0x7FFFFFFF, v56  }
0xa4: {  	v28 =	vmovc v17;
	v38 =	vand.u32 $0x7FFFFFFF, v9;
	v17 =	vld [tilespmem:s0+$0x20];
	v12 =	vadd.f32 v8, v61;
	v45 =	vadd.f32 v40, v13  }
0xa5: {  	v19 =	vand.u32 $0x7FFFFFFF, v6;
	v11 =	vand.u32 $0x7FFFFFFF, v51;
	v7 =	vld [tilespmem:s0+$0x40];
	v3 =	vadd.f32 v3, v34  }
0xa6: {  	v27 =	vmovc v16;
	v16 =	vand.u32 $0x7FFFFFFF, v53;
	v12 =	vadd.f32 v56, v12;
	v33 =	vadd.f32 v45, v33  }
0xa7: {  	v24 =	vmovc v9;
	v13 =	vld [tilespmem:s0+$0x80];
	v9 =	vand.u32 $0x7FFFFFFF, v50;
	v42 =	vadd.f32 v6, v50;
	v5 =	vmax.f32 v50, v6  }
0xa8: {  	v4 =	vld [tilespmem:s0+$0x50];
	v6 =	vmin.f32 v50, v6;
	v2 =	vadd.f32 v53, v12;
	v9 =	vadd.f32 v19, v9  }
0xa9: {  	v19 =	vmin.f32 v61, v8;
	v10 =	vand.u32 $0x7FFFFFFF, v17;
	v5 =	vmax.f32 v5, v17  }
0xaa: {  	v35 =	vmovc v15;
	v15 =	vand.u32 $0x7FFFFFFF, v7;
	v33 =	vadd.f32 v44, v33;
	v6 =	vmin.f32 v6, v17  }
0xab: {  	v42 =	vadd.f32 v17, v42;
	v5 =	vmax.f32 v5, v48;
	v6 =	vmin.f32 v6, v48  }
0xac: {  	v17 =	vand.u32 $0x7FFFFFFF, v13;
	v2 =	vadd.f32 v49, v2;
	v9 =	vadd.f32 v10, v9  }
0xad: {  	v10 =	vadd.f32 v41, v43;
	v43 =	vand.u32 $0x7FFFFFFF, v4;
	v6 =	vmin.f32 v6, v7  }
0xae: {  	v5 =	vmax.f32 v5, v7;
	v41 =	vadd.f32 v48, v42;
	v42 =	vand.u32 $0x7FFFFFFF, v27  }
0xaf: {  	v6 =	vmin.f32 v6, v4;
	v9 =	vadd.f32 v14, v9;
	v14 =	vmax.f32 v61, v8  }
0xb0: {  	v50 =	vld [tilespmem:s0+$0xC0];
	v61 =	vand.u32 $0x7FFFFFFF, v49;
	v8 =	vand.u32 $0x7FFFFFFF, v8;
	v10 =	vadd.f32 v32, v10  }
0xb1: {  	v32 =	vand.u32 $0x7FFFFFFF, v30;
	v6 =	vmin.f32 v6, v59;
	v41 =	vadd.f32 v7, v41  }
0xb2: {  	v48 =	vld [tilespmem:s0+$0xB0];
	v8 =	vadd.f32 v8, v52;
	v14 =	vmax.f32 v14, v56;
	v6 =	vmin.f32 v6, v1  }
0xb3: {  	v9 =	vadd.f32 v15, v9;
	v10 =	vadd.f32 v20, v10;
	v14 =	vmax.f32 v14, v53  }
0xb4: {  	v52 =	vld [tilespmem:s0+$0x90];
	v6 =	vmin.f32 v6, v13;
	v15 =	vadd.f32 v4, v41;
	v4 =	vmax.f32 v5, v4  }
0xb5: {  	v7 =	vmax.f32 v14, v49;
	v0 =	vadd.f32 v0, v8;
	v41 =	vand.u32 $0x7FFFFFFF, v50  }
0xb6: {  	v9 =	vadd.f32 v43, v9;
	v5 =	vadd.f32 v55, v10;
	v7 =	vmax.f32 v7, v51  }
0xb7: {  	v4 =	vmax.f32 v4, v59;
	v43 =	vand.u32 $0x7FFFFFFF, v48;
	v15 =	vadd.f32 v59, v15  }
0xb8: {  	v7 =	vmax.f32 v7, v46;
	v4 =	vmax.f32 v4, v1;
	v0 =	vadd.f32 v16, v0  }
0xb9: {  	v39 =	vld [tilespmem:s0+$0xFFFFFFC0];
	v45 =	vand.u32 $0x7FFFFFFF, v52;
	v7 =	vmax.f32 v7, v28;
	v34 =	vadd.f32 v5, v3  }
0xba: {  	v36 =	vld [tilespmem:s0+$0xFFFFFFD0];
	v3 =	vmin.f32 v6, v52;
	v6 =	vand.u32 $0x7FFFFFFF, v59;
	v5 =	vmax.f32 v7, v25  }
0xbb: {  	v4 =	vmax.f32 v4, v13;
	v0 =	vadd.f32 v61, v0;
	v5 =	vmax.f32 v5, v24  }
0xbc: {  	v3 =	vmin.f32 v3, v29;
	v1 =	vadd.f32 v1, v15;
	v5 =	vmax.f32 v5, v27  }
0xbd: {  	p2 =	slt.u32 s31, $0x7E;
	v7 =	vadd.f32 v6, v9;
	v0 =	vadd.f32 v11, v0;
	v5 =	vmax.f32 v5, v35  }
.Ltmp1:
0xbe: {  	v3 =	vmin.f32 v3, v48;
	v55 =	vadd.f32 v13, v1;
	v5 =	vmax.f32 v5, v39;
	(pc) =	sbr.rel @p2 .LBB2_5-.Ltmp1, $4  }
0xbf: {  	v22 =	vmovc v58;
	v8 =	vmin.f32 v3, v50;
	v0 =	vadd.f32 v62, v0;
	v5 =	vmax.f32 v5, v36  }
0xc0: {  	v40 =	vld [tilespmem:s0+$0xFFFFFFF0];
	v6 =	vmax.f32 v5, v22;
	v5 =	vadd.f32 v60, v7;
	v7 =	vadd.f32 v51, v2  }
0xc1: {  	s2 =	smov.u32 s31;
	v44 =	vld [tilespmem:s0+$0xF0];
	v1 =	vadd.f32 v54, v0;
	v0 =	vmax.f32 v4, v52;
	v2 =	vmin.f32 v19, v56  }
0xc2: {  	s31 =	sadd.s32 $0x2, s31;
	s30 =	smov.u32 s2;
	s0 =	sadd.s32 $0x200, s0;
	v20 =	vmovc v18;
	v10 =	vld [tilespmem:$0x1FEF0];
	v19 =	vmax.f32 v0, v29;
	v54 =	vadd.f32 v17, v5;
	v56 =	vadd.f32 v46, v7  }
0xc3: {  	v0 =	vmax.f32 v19, v48  }
0xc4: {  	v0 =	vmax.f32 v0, v50  }
0xc5: {  	v0 =	vmax.f32 v0, v30  }
0xc6: {  	v3 =	vmax.f32 v6, v40;
	v0 =	vmax.f32 v0, v21  }
0xc7: {  	v4 =	vmax.f32 v47, v3;
	v0 =	vmax.f32 v0, v44  }
0xc8: {  	v7 =	vmax.f32 v4, v0  }
0xc9: {  	(xrf0) =	vmax.scan.msk.f32 $0xffff, v7;
	_ =	sdelay $0x3  }
0xca: {  	v4 =	vmov s30  }
0xcb: {  	v4 =	vand.u32 $0x7E, v4  }
0xcc: {  	v4 =	vbroadcast v4, $0x0;
	v5, _, _ =	vpop (xrf0)  }
0xcd: {  	v5 =	vbroadcast v5, $0xF  }
0xce: {  	s0 =	sadd.s32 $0x1, s30;
	v4 =	vor.u32 v10, v4  }
0xcf: {  	v6 =	vor.u32 s0, v10;
	vm0 =	veq.f32 v7, v5  }
0xd0: {  	v2 =	vmin.f32 v2, v53;
	v15 =	vmctz.xlane vm0  }
0xd1: {  	v2 =	vmin.f32 v2, v49;
	[tilespmem:$0x1FE80] =	vst v7  }
0xd2: {  	v2 =	vmin.f32 v2, v51;
	[tilespmem:$0x1FE70] =	vst v15  }
0xd3: {  	v2 =	vmin.f32 v2, v46;
	[tilespmem:v4+s14+$0x0] =	vst.idx.msk $0xffff, v3  }
0xd4: {  	v2 =	vmin.f32 v2, v28;
	v17 =	vld [tilespmem:$0x1FF80];
	[tilespmem:v6+s14+$0x0] =	vst.idx.msk $0xffff, v0  }
0xd5: {  	v2 =	vmin.f32 v2, v25;
	v18 =	vld [tilespmem:$0x1FF40]  }
0xd6: {  	v2 =	vmin.f32 v2, v24  }
0xd7: {  	v2 =	vmin.f32 v2, v27  }
0xd8: {  	v2 =	vmin.f32 v2, v35  }
0xd9: {  	v2 =	vmin.f32 v2, v39;
	v7 =	vmin.f32 v8, v30;
	v8 =	vshll.u32 v15, $0x7  }
0xda: {  	v0 =	vmin.f32 v2, v36;
	v2 =	vor.u32 v18, v8  }
0xdb: {  	v7 =	vmin.f32 v7, v21  }
0xdc: {  	v7 =	vmin.f32 v7, v44;
	v0 =	vmin.f32 v0, v22  }
0xdd: {  	v63 =	vld [tilespmem:$0x1FF20];
	[tilespmem:v6+s16+$0x0] =	vst.idx.msk $0xffff, v7;
	v0 =	vmin.f32 v0, v40  }
0xde: {  	v6 =	vld [tilespmem:$0x1FF70];
	[tilespmem:v4+s16+$0x0] =	vst.idx.msk $0xffff, v0;
	v3 =	vor.u32 v17, v8  }
0xdf: {  	v60 =	vlaneseq.u32;
	v2 =	vld.idx.msk [tilespmem:v2+s14+$0x0], $0xffff  }
0xe0: {  	v12 =	vor.u32 v60, v8;
	v4 =	vld [tilespmem:$0x1FFA0]  }
0xe1: {  	v62 =	vld [tilespmem:$0x1FF10]  }
0xe2: {  	v61 =	vld [tilespmem:$0x1FF00]  }
0xe3: {  	v9 =	vor.u32 v63, v8;
	v3 =	vld.idx.msk [tilespmem:v3+s14+$0x0], $0xffff  }
0xe4: {  	[tilespmem:$0x1FE40] =	vst v2;
	vm1 =	veq.f32 v2, v5;
	v2 =	vld [tilespmem:$0x1FF30]  }
0xe5: {  	v12 =	vld.idx.msk [tilespmem:v12+s14+$0x0], $0xffff;
	v6 =	vor.u32 v6, v8  }
0xe6: {  	v57 =	vld [tilespmem:$0x1FF50];
	v4 =	vor.u32 v4, v8  }
0xe7: {  	v49 =	vld [tilespmem:$0x1FFC0];
	v51 =	vor.u32 v62, v8  }
0xe8: {  	v14 =	vld.idx.msk [tilespmem:v9+s14+$0x0], $0xffff;
	vm0 =	veq.f32 v3, v5  }
0xe9: {  	v13 =	vnsel vm0, $0x80000080, v2;
	v2 =	vld [tilespmem:$0x1FF60]  }
0xea: {  	v11 =	vor.u32 v61, v8;
	v58 =	vld.idx.msk [tilespmem:v6+s14+$0x0], $0xffff  }
0xeb: {  	v9 =	vld.idx.msk [tilespmem:v4+s14+$0x0], $0xffff  }
0xec: {  	v10 =	vld.idx.msk [tilespmem:v51+s14+$0x0], $0xffff  }
0xed: {  	v51 =	vld [tilespmem:$0x1FF90];
	vm0 =	veq.f32 v14, v5;
	v13 =	vsel vm1, v57, v13  }
0xee: {  	v13 =	vsel vm0, v2, v13;
	v2 =	vld [tilespmem:$0x1FFB0]  }
0xef: {  	v11 =	vld.idx.msk [tilespmem:v11+s14+$0x0], $0xffff  }
0xf0: {  	v19 =	vld [tilespmem:$0x1FFD0]  }
0xf1: {  	v59 =	vld [tilespmem:$0x1FFE0];
	vm1 =	veq.f32 v58, v5  }
0xf2: {  	vm0 =	veq.f32 v9, v5;
	v13 =	vsel vm1, v51, v13  }
0xf3: {  	vm1 =	veq.f32 v10, v5;
	v13 =	vsel vm0, v2, v13  }
0xf4: {  	vm0 =	veq.f32 v11, v5;
	v13 =	vsel vm1, v49, v13  }
0xf5: {  	vm1 =	veq.f32 v12, v5;
	v13 =	vsel vm0, v19, v13  }
0xf6: {  	v13 =	vsel vm1, v59, v13  }
0xf7: {  	(xrf0) =	vmin.scan.msk.u32 $0xffff, v13;
	_ =	sdelay $0x5  }
0xf8: {  	v13, _, _ =	vpop (xrf0)  }
0xf9: {  	(v2sf) =	vpush v13, $0xF;
	_ =	sdelay $0xe  }
0xfa: {  	s2 =	spop (v2sf)  }
0xfb: {  	s0 =	sxor.u32 $0x80000000, s2  }
0xfc: {  	v13 =	vmov s0  }
0xfd: {  	v53 =	vshll.u32 v13, $0x8  }
0xfe: {  	[tilespmem:$0x1FE50] =	vst v14;
	v14 =	vadd.s32 v15, v53;
	v53 =	vld [tilespmem:$0x1FFF0];
	_ =	sdelay $0x4  }
0xff: {  	v4 =	vadd.s32 v53, v14;
	_ =	sdelay $0x4  }
0x100: {  	v16 =	vld.idx.msk [tilespmem:v4+s4+$0x0], $0xffff  }
0x101: {  	v0 =	vmin.f32 v31, v0  }
0x102: {  	v31 =	vmin.f32 v0, v7  }
0x103: {  	(xrf0) =	vmin.scan.msk.f32 $0xffff, v31;
	_ =	sdelay $0x1  }
0x104: {  	vm0 =	veq.f32 v16, v5  }
0x105: {  	[tilespmem:$0x1FE60] =	vst v3;
	v3 =	vmctz.xlane vm0;
	_ =	sdelay $0x1  }
0x106: {  	vm0 =	veq.s32 v3, v60  }
0x107: {  	v5, _, _ =	vpop (xrf0);
	v7 =	vsel vm0, $0x0, v16  }
0x108: {  	v46 =	vbroadcast v5, $0xF;
	(xrf0) =	vmax.scan.msk.f32 $0xffff, v7;
	_ =	sdelay $0x1  }
0x109: {  	vm0 =	veq.f32 v31, v46  }
0x10a: {  	v47 =	vmctz.xlane vm0  }
0x10b: {  	s2 =	simm.s32 $0x0;
	v5 =	vadd.s32 s0, v8  }
0x10c: {  	v2 =	vmov s2;
	v8 =	vshll.u32 v47, $0x7  }
0x10d: {  	v0 =	vmov v17;
	v16 =	vor.u32 v17, v8;
	v6 =	vor.u32 v18, v8;
	v17, _, _ =	vpop (xrf0)  }
0x10e: {  	v17 =	vbroadcast v17, $0xF  }
0x10f: {  	v3 =	vshll.u32 v3, $0x4;
	[tilespmem:v4+s4+$0x0] =	vst.idx.msk $0xffff, v7  }
0x110: {  	v15 =	vld [tilespmem:$0x1FFA0];
	v14 =	vadd.s32 v3, v14;
	[tilespmem:v5+s14+$0x0] =	vst.idx.msk $0x1, v17  }
0x111: {  	v7 =	vld [tilespmem:$0x1FF70];
	v4 =	vor.u32 v63, v8;
	[tilespmem:v2+s17+$0x0] =	vst.idx.msk $0x1, v14  }
0x112: {  	vm0 =	veq.s32 v13, v0;
	v0 =	vld.idx.msk [tilespmem:v6+s16+$0x0], $0xffff;
	_ =	sdelay $0x1  }
0x113: {  	vm2 =	veq.s32 v13, v61  }
0x114: {  	v5 =	vor.u32 v15, v8;
	v11 =	vsel vm2, v17, v11;
	vm2 =	veq.s32 v13, v62;
	v16 =	vld.idx.msk [tilespmem:v16+s16+$0x0], $0xffff  }
0x115: {  	[tilespmem:$0x1FE90] =	vst v2;
	v10 =	vsel vm2, v17, v10;
	vm2 =	veq.s32 v13, v7;
	v2 =	vld.idx.msk [tilespmem:v4+s16+$0x0], $0xffff  }
0x116: {  	v6 =	vsel vm2, v17, v58;
	[tilespmem:$0x1FEB0] =	vst v0;
	vm2 =	veq.f32 v0, v46;
	v0 =	vld [tilespmem:$0x1FF30];
	_ =	sdelay $0x1  }
0x117: {  	vm3 =	veq.s32 v13, v60;
	vm1 =	veq.s32 v13, v15;
	v3 =	vor.u32 v7, v8;
	v58 =	vld [tilespmem:$0x1FE50]  }
0x118: {  	vm4 =	veq.s32 v13, v18;
	v15 =	vor.u32 v61, v8;
	v4 =	vsel vm1, v17, v9;
	v9 =	vld.idx.msk [tilespmem:v5+s16+$0x0], $0xffff  }
0x119: {  	[tilespmem:$0x1FED0] =	vst v14;
	v12 =	vsel vm3, v17, v12;
	v14 =	vor.u32 v62, v8;
	v5 =	vld [tilespmem:$0x1FE40];
	vm1 =	veq.f32 v16, v46  }
0x11a: {  	vm3 =	veq.s32 v13, v63;
	[tilespmem:$0x1FEA0] =	vst v2;
	v13 =	vnsel vm1, $0x80000080, v0;
	vm1 =	veq.f32 v2, v46;
	v2 =	vld [tilespmem:$0x1FE60]  }
0x11b: {  	v11 =	vmax.f32 v12, v11  }
0x11c: {  	v3 =	vld.idx.msk [tilespmem:v3+s16+$0x0], $0xffff;
	v10 =	vmax.f32 v11, v10  }
0x11d: {  	v4 =	vmax.f32 v10, v4;
	v10 =	vld.idx.msk [tilespmem:v15+s16+$0x0], $0xffff  }
0x11e: {  	v12 =	vor.u32 v60, v8;
	v11 =	vld.idx.msk [tilespmem:v14+s16+$0x0], $0xffff  }
0x11f: {  	v15 =	vsel vm3, v17, v58;
	v5 =	vsel vm4, v17, v5;
	v14 =	vsel vm0, v17, v2;
	v17 =	vld [tilespmem:$0x1FF60];
	_ =	sdelay $0x1  }
0x120: {  	[tilespmem:$0x1FEC0] =	vst v16;
	v16 =	vld [tilespmem:$0x1FFB0];
	_ =	sdelay $0x1  }
0x121: {  	v12 =	vld.idx.msk [tilespmem:v12+s16+$0x0], $0xffff;
	v13 =	vsel vm2, v57, v13  }
0x122: {  	vm0 =	veq.f32 v3, v46;
	v13 =	vsel vm1, v17, v13  }
0x123: {  	v4 =	vmax.f32 v4, v6;
	v6 =	vsel vm0, v51, v13;
	vm0 =	veq.f32 v9, v46  }
0x124: {  	v4 =	vmax.f32 v4, v15;
	v6 =	vsel vm0, v16, v6;
	vm0 =	veq.f32 v11, v46  }
0x125: {  	v2 =	vmax.f32 v4, v5;
	v4 =	vsel vm0, v49, v6;
	vm0 =	veq.f32 v10, v46  }
0x126: {  	v58 =	vmovc v3;
	v2 =	vmax.f32 v2, v14;
	v3 =	vsel vm0, v19, v4;
	vm0 =	veq.f32 v12, v46  }
0x127: {  	(xrf0) =	vmax.scan.msk.f32 $0xffff, v2;
	v2 =	vsel vm0, v59, v3  }
0x128: {  	(xrf0) =	vmin.scan.msk.u32 $0xffff, v2;
	_ =	sdelay $0x4  }
0x129: {  	v2, _, _ =	vpop (xrf0)  }
0x12a: {  	v3, _, _ =	vpop (xrf0)  }
0x12b: {  	(v2sf) =	vpush v3, $0xF;
	_ =	sdelay $0xe  }
0x12c: {  	s6 =	spop (v2sf)  }
0x12d: {  	s0 =	sxor.u32 $0x80000000, s6  }
0x12e: {  	v1 =	vadd.f32 v37, v1;
	v3 =	vmov s0  }
0x12f: {  	v5 =	vld [tilespmem:$0x1FE70];
	v4 =	vshll.u32 v3, $0x8  }
0x130: {  	v1 =	vadd.f32 v38, v1;
	v38 =	vld [tilespmem:$0x1FE80];
	v4 =	vadd.s32 v47, v4  }
0x131: {  	v57 =	vmov v9;
	v6 =	vadd.f32 v28, v56;
	v9 =	vadd.s32 v53, v4;
	_ =	sdelay $0x1  }
0x132: {  	v6 =	vadd.f32 v25, v6;
	v2 =	vbroadcast v2, $0xF  }
0x133: {  	vm0 =	veq.s32 v5, v60  }
0x134: {  	v37 =	vadd.f32 v52, v55;
	v6 =	vadd.f32 v24, v6;
	v24 =	vsel vm0, v2, v38  }
0x135: {  	v1 =	vadd.f32 v42, v1;
	(xrf0) =	vmax.scan.msk.f32 $0xffff, v24;
	v14 =	vld.idx.msk [tilespmem:v9+s4+$0x0], $0xffff  }
0x136: {  	v42 =	vand.u32 $0x7FFFFFFF, v35;
	v13 =	vadd.f32 v29, v37  }
0x137: {  	v1 =	vadd.f32 v42, v1  }
0x138: {  	[tilespmem:$0x1FEE0] =	vst v47;
	v2 =	vadd.f32 v48, v13;
	v48 =	vmovc v16;
	v16 =	vand.u32 $0x7FFFFFFF, v36;
	v47 =	vand.u32 $0x7FFFFFFF, v39  }
0x139: {  	v1 =	vadd.f32 v47, v1  }
0x13a: {  	vm0 =	veq.f32 v14, v46  }
0x13b: {  	v52 =	vadd.f32 v45, v54;
	v1 =	vadd.f32 v16, v1;
	v16, _, _ =	vpop (xrf0);
	v54 =	vmctz.xlane vm0  }
0x13c: {  	v28 =	vbroadcast v16, $0xF  }
0x13d: {  	v13 =	vadd.f32 v26, v52;
	vm0 =	veq.s32 v54, v60  }
0x13e: {  	v1 =	vadd.f32 v23, v1;
	v14 =	vsel vm0, $0x0, v14;
	vm0 =	veq.f32 v24, v28  }
0x13f: {  	v2 =	vadd.f32 v50, v2;
	v16 =	vand.u32 $0x7FFFFFFF, v40;
	(xrf0) =	vmin.scan.msk.f32 $0xffff, v14;
	v23 =	vmctz.xlane vm0  }
0x140: {  	v45 =	vld [tilespmem:$0x1FF80];
	v13 =	vadd.f32 v43, v13;
	v16 =	vadd.f32 v16, v1;
	v1 =	vshll.u32 v54, $0x4  }
0x141: {  	v38 =	vmovc v18;
	vm1 =	veq.s32 v3, v7;
	v47 =	vld [tilespmem:$0x1FFA0];
	v4 =	vadd.s32 v1, v4;
	v1 =	vshll.u32 v23, $0x7  }
0x142: {  	v43 =	vmovc v7;
	vm3 =	veq.s32 v3, v18;
	v50 =	vor.u32 v18, v1;
	v18 =	vor.u32 v7, v1;
	v7 =	vld [tilespmem:$0x1FE90]  }
0x143: {  	v6 =	vadd.f32 v27, v6  }
0x144: {  	v42 =	vmov v17;
	v8 =	vadd.s32 s0, v8  }
0x145: {  	v6 =	vadd.f32 v35, v6;
	vm2 =	veq.s32 v3, v63;
	vm15 =	veq.s32 v3, v62;
	v17, _, _ =	vpop (xrf0)  }
0x146: {  	vm6 =	veq.s32 v3, v60;
	vm7 =	veq.s32 v3, v61;
	v17 =	vbroadcast v17, $0xF  }
0x147: {  	vm5 =	veq.s32 v3, v47;
	vm0 =	veq.s32 v3, v45;
	v3 =	vor.u32 v63, v1  }
0x148: {  	[tilespmem:v9+s4+$0x0] =	vst.idx.msk $0xffff, v14;
	v12 =	vsel vm6, v17, v12;
	v10 =	vsel vm7, v17, v10  }
0x149: {  	[tilespmem:v8+s16+$0x0] =	vst.idx.msk $0x1, v17;
	v54 =	vsel vm15, v17, v11;
	v8 =	vmin.f32 v12, v10  }
0x14a: {  	[tilespmem:v7+s18+$0x0] =	vst.idx.msk $0x1, v4;
	v4 =	vmin.f32 v8, v54;
	v8 =	vld [tilespmem:$0x1FEB0]  }
0x14b: {  	v6 =	vadd.f32 v39, v6;
	[tilespmem:v7+s19+$0x0] =	vst.idx.msk $0x1, v46;
	v7 =	vld [tilespmem:$0x1FEA0]  }
0x14c: {  	v2 =	vadd.f32 v30, v2;
	v26 =	vld.idx.msk [tilespmem:v3+s14+$0x0], $0xffff  }
0x14d: {  	v6 =	vadd.f32 v36, v6;
	v3 =	vld [tilespmem:$0x1FEC0]  }
0x14e: {  	v13 =	vadd.f32 v41, v13;
	v2 =	vadd.f32 v21, v2;
	v5 =	vsel vm5, v17, v57  }
0x14f: {  	v37 =	vmovc v0;
	v6 =	vadd.f32 v22, v6;
	v0 =	vsel vm1, v17, v58;
	v4 =	vmin.f32 v4, v5  }
0x150: {  	v13 =	vadd.f32 v32, v13;
	v0 =	vmin.f32 v4, v0;
	v7 =	vsel vm2, v17, v7  }
0x151: {  	v52 =	vor.u32 v45, v1;
	v8 =	vsel vm3, v17, v8;
	v0 =	vmin.f32 v0, v7  }
0x152: {  	v3 =	vsel vm0, v17, v3;
	v7 =	vadd.f32 v20, v13;
	v0 =	vmin.f32 v0, v8  }
0x153: {  	v5 =	vor.u32 v62, v1;
	v0 =	vmin.f32 v0, v3;
	v3 =	vand.u32 $0x7FFFFFFF, v44  }
0x154: {  	v6 =	vadd.f32 v40, v6;
	(xrf0) =	vmin.scan.msk.f32 $0xffff, v0;
	v0 =	vadd.f32 v3, v7;
	v3 =	vld [tilespmem:$0x1FED0]  }
0x155: {  	v39 =	vld [tilespmem:$0x1FF50];
	v35 =	vor.u32 v47, v1  }
0x156: {  	v2 =	vadd.f32 v44, v2;
	v6 =	vadd.f32 v6, v33;
	v25 =	vld.idx.msk [tilespmem:v52+s14+$0x0], $0xffff  }
0x157: {  	v4 =	vor.u32 v61, v1;
	v27 =	vld.idx.msk [tilespmem:v50+s14+$0x0], $0xffff  }
0x158: {  	v30 =	vld.idx.msk [tilespmem:v5+s14+$0x0], $0xffff;
	v5 =	vor.u32 v60, v1;
	v20 =	vadd.f32 v2, v6;
	v2 =	vadd.f32 v16, v34  }
0x159: {  	v29 =	vld.idx.msk [tilespmem:v18+s14+$0x0], $0xffff;
	v3 =	vcvt.s32.f32 v3  }
0x15a: {  	v32 =	vld.idx.msk [tilespmem:v35+s14+$0x0], $0xffff;
	v22 =	vadd.f32 v0, v2;
	v2 =	vimm.f32 $0.0e+00  }
0x15b: {  	v56 =	vmovc v19;
	vm0 =	veq.f32 v25, v28;
	v19 =	vadd.f32 v46, v2;
	v21 =	vadd.f32 v3, v2;
	v2 =	vld [tilespmem:$0x1FEE0]  }
0x15c: {  	v33 =	vld.idx.msk [tilespmem:v4+s14+$0x0], $0xffff;
	vm1 =	veq.f32 v27, v28;
	v4 =	vnsel vm0, $0x80000080, v37  }
0x15d: {  	vm0 =	veq.f32 v26, v28;
	v36 =	vld.idx.msk [tilespmem:v5+s14+$0x0], $0xffff;
	v0 =	vsel vm1, v39, v4  }
0x15e: {  	vm1 =	veq.f32 v29, v28;
	v0 =	vsel vm0, v42, v0  }
0x15f: {  	vm2 =	veq.f32 v32, v28;
	v0 =	vsel vm1, v51, v0  }
0x160: {  	vm3 =	veq.f32 v30, v28;
	v0 =	vsel vm2, v48, v0;
	vm0 =	veq.s32 v2, v60;
	v2, _, _ =	vpop (xrf0)  }
0x161: {  	s31 =	simm.s32 $0x2;
	s30 =	simm.s32 $0x1;
	v55 =	vmovc v49;
	vm1 =	veq.f32 v33, v28;
	v6 =	vsel vm3, v49, v0;
	v2 =	vbroadcast v2, $0xF  }
.LBB2_7:
0x162: {  	p2 =	sne.s32 s31, $0x1F;
	vm2 =	veq.f32 v36, v28;
	v0 =	vsel vm1, v56, v6;
	s0 =	smov.u32 s31;
	s31 =	sadd.s32 $0x1, s31  }
0x163: {  	v0 =	vsel vm2, v59, v0;
	v31 =	vsel vm0, v2, v31  }
0x164: {  	(xrf0) =	vmin.scan.msk.u32 $0xffff, v0  }
0x165: {  	(xrf0) =	vmin.scan.msk.f32 $0xffff, v31;
	_ =	sdelay $0x4  }
0x166: {  	v0, _, _ =	vpop (xrf0)  }
0x167: {  	(v2sf) =	vpush v0, $0xF;
	v0, _, _ =	vpop (xrf0);
	_ =	sdelay $0xe  }
0x168: {  	s2 =	spop (v2sf)  }
0x169: {  	s2 =	sxor.u32 $0x80000000, s2  }
0x16a: {  	v2 =	vmov s2;
	v1 =	vadd.s32 s2, v1  }
0x16b: {  	v3 =	vshll.u32 v2, $0x8;
	vm1 =	veq.s32 v2, v47;
	vm0 =	veq.s32 v2, v45  }
0x16c: {  	v3 =	vadd.s32 v23, v3  }
0x16d: {  	v4 =	vadd.s32 v53, v3;
	_ =	sdelay $0x4  }
0x16e: {  	v5 =	vld.idx.msk [tilespmem:v4+s4+$0x0], $0xffff;
	_ =	sdelay $0x5  }
0x16f: {  	vm2 =	veq.f32 v5, v28  }
0x170: {  	v6 =	vmctz.xlane vm2;
	_ =	sdelay $0x1  }
0x171: {  	v7 =	vshll.u32 v6, $0x4;
	vm2 =	veq.s32 v6, v60  }
0x172: {  	v3 =	vadd.s32 v7, v3;
	v5 =	vsel vm2, $0x0, v5  }
0x173: {  	v34 =	vbroadcast v0, $0xF;
	v6 =	vcvt.s32.f32 v3;
	(xrf0) =	vmax.scan.msk.f32 $0xffff, v5;
	_ =	sdelay $0x1  }
0x174: {  	v19 =	vadd.f32 v34, v19;
	vm2 =	veq.f32 v31, v34;
	v21 =	vadd.f32 v6, v21  }
0x175: {  	v0 =	vmctz.xlane vm2  }
0x176: {  	v35 =	vmov s30;
	s30 =	smov.u32 s0;
	vm2 =	veq.s32 v2, v63  }
0x177: {  	vm3 =	veq.s32 v2, v43;
	vm4 =	veq.s32 v2, v38;
	v6 =	vshll.u32 v0, $0x7  }
0x178: {  	vm5 =	veq.s32 v2, v61;
	vm6 =	veq.s32 v2, v62;
	v7 =	vor.u32 v45, v6;
	v8, _, _ =	vpop (xrf0)  }
0x179: {  	vm7 =	veq.s32 v2, v60;
	v2 =	vor.u32 v38, v6;
	v8 =	vbroadcast v8, $0xF  }
0x17a: {  	[tilespmem:v4+s4+$0x0] =	vst.idx.msk $0xffff, v5;
	v4 =	vor.u32 v43, v6;
	v5 =	vor.u32 v63, v6  }
0x17b: {  	[tilespmem:v1+s14+$0x0] =	vst.idx.msk $0x1, v8;
	v1 =	vsel vm7, v8, v36;
	v9 =	vsel vm1, v8, v32  }
0x17c: {  	v10 =	vor.u32 v47, v6;
	[tilespmem:v35+s17+$0x0] =	vst.idx.msk $0x1, v3;
	v3 =	vsel vm5, v8, v33  }
0x17d: {  	v13 =	vor.u32 v62, v6;
	v11 =	vsel vm6, v8, v30;
	v12 =	vsel vm4, v8, v27;
	v30 =	vld.idx.msk [tilespmem:v7+s16+$0x0], $0xffff  }
0x17e: {  	v1 =	vmax.f32 v1, v3;
	v3 =	vsel vm3, v8, v29;
	v7 =	vor.u32 v61, v6;
	v29 =	vld.idx.msk [tilespmem:v2+s16+$0x0], $0xffff  }
0x17f: {  	v1 =	vmax.f32 v1, v11;
	v2 =	vsel vm2, v8, v26;
	v11 =	vor.u32 v60, v6;
	v26 =	vld.idx.msk [tilespmem:v5+s16+$0x0], $0xffff  }
0x180: {  	v1 =	vmax.f32 v1, v9;
	v5 =	vsel vm0, v8, v25;
	vm0 =	veq.s32 v0, v60;
	v27 =	vld.idx.msk [tilespmem:v4+s16+$0x0], $0xffff  }
0x181: {  	v1 =	vmax.f32 v1, v3;
	v25 =	vld.idx.msk [tilespmem:v10+s16+$0x0], $0xffff  }
0x182: {  	v1 =	vmax.f32 v1, v2;
	v32 =	vld.idx.msk [tilespmem:v13+s16+$0x0], $0xffff  }
0x183: {  	v1 =	vmax.f32 v1, v12;
	vm1 =	veq.f32 v30, v34;
	v2 =	vld.idx.msk [tilespmem:v7+s16+$0x0], $0xffff  }
0x184: {  	v1 =	vmax.f32 v1, v5;
	vm2 =	veq.f32 v29, v34;
	v4 =	vnsel vm1, $0x80000080, v37;
	v3 =	vld.idx.msk [tilespmem:v11+s16+$0x0], $0xffff  }
0x185: {  	vm1 =	veq.f32 v26, v34;
	v4 =	vsel vm2, v39, v4;
	(xrf0) =	vmax.scan.msk.f32 $0xffff, v1  }
0x186: {  	vm2 =	veq.f32 v27, v34;
	v1 =	vsel vm1, v42, v4  }
0x187: {  	vm1 =	veq.f32 v25, v34;
	v1 =	vsel vm2, v51, v1  }
0x188: {  	vm2 =	veq.f32 v32, v34;
	v1 =	vsel vm1, v48, v1  }
0x189: {  	vm1 =	veq.f32 v2, v34;
	v1 =	vsel vm2, v55, v1  }
0x18a: {  	vm2 =	veq.f32 v3, v34;
	v1 =	vsel vm1, v56, v1  }
0x18b: {  	v1 =	vsel vm2, v59, v1;
	v4, _, _ =	vpop (xrf0)  }
0x18c: {  	v4 =	vbroadcast v4, $0xF;
	(xrf0) =	vmin.scan.msk.u32 $0xffff, v1  }
0x18d: {  	vm1 =	veq.s32 v23, v60  }
0x18e: {  	v24 =	vsel vm1, v4, v24;
	_ =	sdelay $0x3  }
0x18f: {  	v1, _, _ =	vpop (xrf0)  }
0x190: {  	(v2sf) =	vpush v1, $0xF;
	_ =	sdelay $0xe  }
0x191: {  	s0 =	spop (v2sf)  }
0x192: {  	s0 =	sxor.u32 $0x80000000, s0  }
0x193: {  	v4 =	vmov s0;
	v5 =	vadd.s32 s0, v6  }
0x194: {  	v1 =	vshll.u32 v4, $0x8  }
0x195: {  	v0 =	vadd.s32 v0, v1  }
0x196: {  	v1 =	vadd.s32 v53, v0;
	_ =	sdelay $0x4  }
0x197: {  	v6 =	vld.idx.msk [tilespmem:v1+s4+$0x0], $0xffff;
	_ =	sdelay $0x3  }
0x198: {  	(xrf0) =	vmax.scan.msk.f32 $0xffff, v24;
	_ =	sdelay $0x1  }
0x199: {  	vm1 =	veq.f32 v6, v34  }
0x19a: {  	v9 =	vmctz.xlane vm1;
	_ =	sdelay $0x1  }
0x19b: {  	v8 =	vshll.u32 v9, $0x4;
	vm1 =	veq.s32 v9, v60  }
0x19c: {  	v0 =	vadd.s32 v8, v0;
	v6 =	vsel vm1, $0x0, v6;
	v7, _, _ =	vpop (xrf0)  }
0x19d: {  	v28 =	vbroadcast v7, $0xF;
	[tilespmem:v1+s4+$0x0] =	vst.idx.msk $0xffff, v6;
	(xrf0) =	vmin.scan.msk.f32 $0xffff, v6;
	_ =	sdelay $0x1  }
0x19e: {  	vm1 =	veq.f32 v24, v28  }
0x19f: {  	v23 =	vmctz.xlane vm1;
	vm1 =	veq.s32 v4, v45  }
0x1a0: {  	vm3 =	veq.s32 v4, v43;
	vm4 =	veq.s32 v4, v63;
	vm2 =	veq.s32 v4, v38  }
0x1a1: {  	vm5 =	veq.s32 v4, v62;
	vm6 =	veq.s32 v4, v47;
	v1 =	vshll.u32 v23, $0x7  }
0x1a2: {  	v6 =	vor.u32 v47, v1;
	v7 =	vor.u32 v38, v1;
	v8 =	vor.u32 v45, v1;
	v9, _, _ =	vpop (xrf0)  }
0x1a3: {  	v10 =	vor.u32 v43, v1;
	v11 =	vor.u32 v63, v1;
	v9 =	vbroadcast v9, $0xF  }
0x1a4: {  	vm7 =	veq.s32 v4, v60;
	vm8 =	veq.s32 v4, v61;
	v12 =	vor.u32 v62, v1  }
0x1a5: {  	[tilespmem:v5+s16+$0x0] =	vst.idx.msk $0x1, v9;
	v3 =	vsel vm7, v9, v3;
	v2 =	vsel vm8, v9, v2  }
0x1a6: {  	[tilespmem:v35+s18+$0x0] =	vst.idx.msk $0x1, v0;
	v0 =	vmin.f32 v3, v2;
	v2 =	vsel vm5, v9, v32  }
0x1a7: {  	[tilespmem:v35+s19+$0x0] =	vst.idx.msk $0x1, v34;
	v0 =	vmin.f32 v0, v2;
	v2 =	vsel vm6, v9, v25  }
0x1a8: {  	v3 =	vsel vm4, v9, v26;
	v25 =	vld.idx.msk [tilespmem:v8+s14+$0x0], $0xffff;
	v0 =	vmin.f32 v0, v2;
	v2 =	vsel vm3, v9, v27  }
0x1a9: {  	v4 =	vor.u32 v61, v1;
	v27 =	vld.idx.msk [tilespmem:v7+s14+$0x0], $0xffff;
	v0 =	vmin.f32 v0, v2;
	v2 =	vsel vm2, v9, v29  }
0x1aa: {  	v5 =	vor.u32 v60, v1;
	v26 =	vld.idx.msk [tilespmem:v11+s14+$0x0], $0xffff;
	v0 =	vmin.f32 v0, v3;
	v3 =	vsel vm1, v9, v30  }
0x1ab: {  	v29 =	vld.idx.msk [tilespmem:v10+s14+$0x0], $0xffff;
	v0 =	vmin.f32 v0, v2  }
0x1ac: {  	v32 =	vld.idx.msk [tilespmem:v6+s14+$0x0], $0xffff;
	v0 =	vmin.f32 v0, v3  }
0x1ad: {  	v30 =	vld.idx.msk [tilespmem:v12+s14+$0x0], $0xffff;
	(xrf0) =	vmin.scan.msk.f32 $0xffff, v0  }
0x1ae: {  	vm1 =	veq.f32 v25, v28;
	v33 =	vld.idx.msk [tilespmem:v4+s14+$0x0], $0xffff  }
0x1af: {  	vm2 =	veq.f32 v27, v28;
	v0 =	vnsel vm1, $0x80000080, v37;
	v36 =	vld.idx.msk [tilespmem:v5+s14+$0x0], $0xffff  }
.Ltmp2:
0x1b0: {  	vm1 =	veq.f32 v26, v28;
	v0 =	vsel vm2, v39, v0;
	(pc) =	sbr.rel @p2 .LBB2_7-.Ltmp2, $4  }
0x1b1: {  	vm2 =	veq.f32 v29, v28;
	v0 =	vsel vm1, v42, v0  }
0x1b2: {  	vm1 =	veq.f32 v32, v28;
	v0 =	vsel vm2, v51, v0  }
0x1b3: {  	vm2 =	veq.f32 v30, v28;
	v0 =	vsel vm1, v48, v0;
	v2, _, _ =	vpop (xrf0)  }
0x1b4: {  	vm1 =	veq.f32 v33, v28;
	v6 =	vsel vm2, v55, v0;
	v2 =	vbroadcast v2, $0xF  }
0x1b5: {  	vm2 =	veq.f32 v36, v28;
	v0 =	vsel vm1, v56, v6  }
0x1b6: {  	v0 =	vsel vm2, v59, v0  }
0x1b7: {  	(xrf0) =	vmin.scan.msk.u32 $0xffff, v0;
	_ =	sdelay $0x5  }
0x1b8: {  	v0, _, _ =	vpop (xrf0)  }
0x1b9: {  	(v2sf) =	vpush v0, $0xF;
	_ =	sdelay $0xe  }
0x1ba: {  	s0 =	spop (v2sf)  }
0x1bb: {  	s0 =	sxor.u32 $0x80000000, s0  }
0x1bc: {  	v0 =	vmov s0  }
0x1bd: {  	v3 =	vshll.u32 v0, $0x8  }
0x1be: {  	v3 =	vadd.s32 v23, v3  }
0x1bf: {  	v4 =	vadd.s32 v53, v3;
	_ =	sdelay $0x4  }
0x1c0: {  	v5 =	vld.idx.msk [tilespmem:v4+s4+$0x0], $0xffff;
	_ =	sdelay $0x1  }
0x1c1: {  	v2 =	vsel vm0, v2, v31  }
0x1c2: {  	(xrf0) =	vmin.scan.msk.f32 $0xffff, v2;
	_ =	sdelay $0x1  }
0x1c3: {  	vm13 =	veq.f32 v5, v28  }
0x1c4: {  	v6 =	vmctz.xlane vm13;
	_ =	sdelay $0x1  }
0x1c5: {  	vm0 =	veq.s32 v6, v60  }
0x1c6: {  	v7, _, _ =	vpop (xrf0);
	v5 =	vsel vm0, $0x0, v5  }
0x1c7: {  	v23 =	vbroadcast v7, $0xF;
	(xrf0) =	vmax.scan.msk.f32 $0xffff, v5;
	_ =	sdelay $0x1  }
0x1c8: {  	vm14 =	veq.f32 v2, v23  }
0x1c9: {  	v2 =	vmctz.xlane vm14  }
0x1ca: {  	v7 =	vadd.s32 s0, v1  }
0x1cb: {  	v1 =	vmov s30;
	v8 =	vshll.u32 v2, $0x7  }
0x1cc: {  	v9 =	vor.u32 v45, v8;
	v10, _, _ =	vpop (xrf0)  }
0x1cd: {  	v11 =	vor.u32 v38, v8;
	v10 =	vbroadcast v10, $0xF  }
0x1ce: {  	vm15 =	veq.s32 v0, v47;
	v6 =	vshll.u32 v6, $0x4;
	[tilespmem:v4+s4+$0x0] =	vst.idx.msk $0xffff, v5;
	v4 =	vor.u32 v63, v8  }
0x1cf: {  	v3 =	vadd.s32 v6, v3;
	v5 =	vor.u32 v43, v8;
	[tilespmem:v7+s14+$0x0] =	vst.idx.msk $0x1, v10  }
0x1d0: {  	vm9 =	veq.s32 v0, v45;
	v6 =	vor.u32 v47, v8;
	[tilespmem:v1+s17+$0x0] =	vst.idx.msk $0x1, v3  }
0x1d1: {  	vm10 =	veq.s32 v0, v63;
	vm3 =	veq.s32 v0, v43;
	v7 =	vor.u32 v62, v8;
	v9 =	vld.idx.msk [tilespmem:v9+s16+$0x0], $0xffff  }
0x1d2: {  	vm4 =	veq.s32 v0, v38;
	vm5 =	veq.s32 v0, v61;
	v12 =	vor.u32 v61, v8;
	v11 =	vld.idx.msk [tilespmem:v11+s16+$0x0], $0xffff  }
0x1d3: {  	vm6 =	veq.s32 v0, v62;
	vm7 =	veq.s32 v0, v60;
	v0 =	vor.u32 v60, v8;
	v4 =	vld.idx.msk [tilespmem:v4+s16+$0x0], $0xffff  }
0x1d4: {  	v13 =	vsel vm7, v10, v36;
	v14 =	vsel vm15, v10, v32;
	v15 =	vsel vm5, v10, v33;
	v5 =	vld.idx.msk [tilespmem:v5+s16+$0x0], $0xffff  }
0x1d5: {  	v16 =	vsel vm6, v10, v30;
	v17 =	vsel vm4, v10, v27;
	v13 =	vmax.f32 v13, v15;
	v6 =	vld.idx.msk [tilespmem:v6+s16+$0x0], $0xffff  }
0x1d6: {  	v49 =	vsel vm3, v10, v29;
	v13 =	vmax.f32 v13, v16;
	v7 =	vld.idx.msk [tilespmem:v7+s16+$0x0], $0xffff;
	vm11 =	veq.f32 v9, v23  }
0x1d7: {  	v16 =	vsel vm10, v10, v26;
	v12 =	vld.idx.msk [tilespmem:v12+s16+$0x0], $0xffff;
	vm12 =	veq.f32 v11, v23;
	v18 =	vnsel vm11, $0x80000080, v37  }
0x1d8: {  	v0 =	vld.idx.msk [tilespmem:v0+s16+$0x0], $0xffff;
	v10 =	vsel vm9, v10, v25;
	vm13 =	veq.f32 v4, v23;
	v50 =	vsel vm12, v39, v18  }
0x1d9: {  	v13 =	vmax.f32 v13, v14;
	vm14 =	veq.f32 v5, v23;
	v14 =	vsel vm13, v42, v50  }
0x1da: {  	v13 =	vmax.f32 v13, v49;
	vm15 =	veq.f32 v6, v23;
	v14 =	vsel vm14, v51, v14  }
0x1db: {  	v13 =	vmax.f32 v13, v16;
	vm4 =	veq.f32 v7, v23;
	v14 =	vsel vm15, v48, v14  }
0x1dc: {  	v13 =	vmax.f32 v13, v17;
	vm5 =	veq.f32 v12, v23;
	v14 =	vsel vm4, v55, v14  }
0x1dd: {  	v10 =	vmax.f32 v13, v10;
	vm6 =	veq.f32 v0, v23;
	v52 =	vsel vm5, v56, v14  }
0x1de: {  	(xrf0) =	vmax.scan.msk.f32 $0xffff, v10;
	v10 =	vsel vm6, v59, v52  }
0x1df: {  	(xrf0) =	vmin.scan.msk.u32 $0xffff, v10;
	_ =	sdelay $0x4  }
0x1e0: {  	v10, _, _ =	vpop (xrf0)  }
0x1e1: {  	v10, _, _ =	vpop (xrf0)  }
0x1e2: {  	(v2sf) =	vpush v10, $0xF;
	_ =	sdelay $0xe  }
0x1e3: {  	s6 =	spop (v2sf)  }
0x1e4: {  	s0 =	sxor.u32 $0x80000000, s6  }
0x1e5: {  	v10 =	vmov s0  }
0x1e6: {  	v54 =	vshll.u32 v10, $0x8  }
0x1e7: {  	v2 =	vadd.s32 v2, v54  }
0x1e8: {  	v13 =	vadd.s32 v53, v2;
	_ =	sdelay $0x4  }
0x1e9: {  	v55 =	vld.idx.msk [tilespmem:v13+s4+$0x0], $0xffff;
	_ =	sdelay $0x4  }
0x1ea: {  	vm7 =	veq.f32 v55, v23  }
0x1eb: {  	v56 =	vmctz.xlane vm7;
	_ =	sdelay $0x1  }
0x1ec: {  	vm0 =	veq.s32 v56, v60  }
0x1ed: {  	v14 =	vsel vm0, $0x0, v55  }
0x1ee: {  	(xrf0) =	vmin.scan.msk.f32 $0xffff, v14;
	_ =	sdelay $0x5  }
0x1ef: {  	v16, _, _ =	vpop (xrf0)  }
0x1f0: {  	v16 =	vbroadcast v16, $0xF  }
0x1f1: {  	vm8 =	veq.s32 v10, v60;
	vm9 =	veq.s32 v10, v61  }
0x1f2: {  	vm10 =	veq.s32 v10, v62;
	v0 =	vsel vm8, v16, v0;
	v12 =	vsel vm9, v16, v12  }
0x1f3: {  	vm11 =	veq.s32 v10, v47;
	v7 =	vsel vm10, v16, v7;
	v0 =	vmin.f32 v0, v12  }
0x1f4: {  	vm12 =	veq.s32 v10, v43;
	v6 =	vsel vm11, v16, v6;
	v0 =	vmin.f32 v0, v7  }
0x1f5: {  	vm13 =	veq.s32 v10, v63;
	v5 =	vsel vm12, v16, v5;
	v0 =	vmin.f32 v0, v6  }
0x1f6: {  	vm14 =	veq.s32 v10, v38;
	v4 =	vsel vm13, v16, v4;
	v0 =	vmin.f32 v0, v5  }
0x1f7: {  	(xrf2) =	vadd.scan.msk.f32 $0xffff, v20;
	vm15 =	veq.s32 v10, v45;
	v5 =	vsel vm14, v16, v11;
	v0 =	vmin.f32 v0, v4  }
0x1f8: {  	(xrf2) =	vadd.scan.msk.f32 $0xffff, v22;
	v4 =	vsel vm15, v16, v9;
	v0 =	vmin.f32 v0, v5  }
0x1f9: {  	v3 =	vcvt.s32.f32 v3;
	v0 =	vmin.f32 v0, v4  }
0x1fa: {  	(xrf0) =	vmin.scan.msk.f32 $0xffff, v0  }
0x1fb: {  	v0 =	vadd.f32 v3, v21  }
0x1fc: {  	v3 =	vadd.f32 v23, v19  }
0x1fd: {  	(xrf0) =	vmax.scan.msk.f32 $0xffff, v0  }
0x1fe: {  	(xrf0) =	vmin.scan.msk.f32 $0xffff, v3;
	_ =	sdelay $0x1  }
0x1ff: {  	v0, _, _ =	vpop (xrf0)  }
0x200: {  	v0, _, _ =	vpop (xrf2)  }
0x201: {  	(v2sf) =	vpush v0, $0xF;
	v0, _, _ =	vpop (xrf2)  }
0x202: {  	(v2sf) =	vpush v0, $0xF;
	v0, _, _ =	vpop (xrf0)  }
0x203: {  	(v2sf) =	vpush v0, $0xF;
	v0, _, _ =	vpop (xrf0)  }
0x204: {  	(v2sf) =	vpush v0, $0xF;
	_ =	sdelay $0x7  }
0x205: {  	v0 =	vadd.s32 s0, v8;
	_ =	sdelay $0x3  }
0x206: {  	[tilespmem:v13+s4+$0x0] =	vst.idx.msk $0xffff, v14;
	v3 =	vshll.u32 v56, $0x4;
	s0 =	spop (v2sf)  }
0x207: {  	v2 =	vadd.s32 v3, v2;
	[tilespmem:v0+s16+$0x0] =	vst.idx.msk $0x1, v16;
	s2 =	spop (v2sf)  }
0x208: {  	[tilespmem:v1+s18+$0x0] =	vst.idx.msk $0x1, v2;
	s6 =	spop (v2sf)  }
0x209: {  	s31 =	simm.s32 @p1 $0x3;
	[tilespmem:v1+s19+$0x0] =	vst.idx.msk $0x1, v23;
	s30 =	spop (v2sf)  }
0x20a: {  	_ =	swait.ge @p1 [sflag:s31], $0x8000  }
0x20b: {  	[sflag:s31] =	ssyncset.done @p1 $0x0  }
0x20c: {  	[sflag:s31] =	ssyncadd.s32 @p1 $0xFFFF8000  }
0x20d: {  	v0 =	vld @p1 [tilespmem:$0x19080];
	_ =	sdelay $0x6  }
0x20e: {  	v1 =	vimm.f32 @p1 $0.0e+00;
	s31 =	simm.s32 @p1 $0x10000  }
0x20f: {  	[tilespmem:v0+s31+$0x0] =	vst.idx.msk @p1 $0xffff, v1  }
0x210: {  	v0 =	vld @p1 [tilespmem:$0x19180];
	_ =	sdelay $0x7  }
0x211: {  	[tilespmem:v0+s31+$0x0] =	vst.idx.msk @p1 $0xffff, v1  }
0x212: {  	v0 =	vld @p1 [tilespmem:$0x19090];
	_ =	sdelay $0x7  }
0x213: {  	[tilespmem:v0+s31+$0x0] =	vst.idx.msk @p1 $0xffff, v1  }
0x214: {  	v0 =	vld @p1 [tilespmem:$0x19190];
	_ =	sdelay $0x7  }
0x215: {  	[tilespmem:v0+s31+$0x0] =	vst.idx.msk @p1 $0xffff, v1;
	s31 =	sadd.f32 s2, s0  }
0x216: {  	v0 =	vld [tilespmem:$0x19000]  }
0x217: {  	s31 =	smul.f32 $5.000000000e-01, s31;
	_ =	sdelay $0x1  }
0x218: {  	s6 =	ssub.f32 s31, s6;
	_ =	sdelay $0x1  }
0x219: {  	s6 =	smul.f32 $6.260000230e+00, s6;
	v1 =	vcvt.s32.f32 v0;
	_ =	sdelay $0x1  }
0x21a: {  	s0 =	ssub.f32 s0, s2;
	v1 =	vadd.f32 s6, v1;
	_ =	sdelay $0x1  }
0x21b: {  	s0 =	smul.f32 $5.000000000e-01, s0;
	[tilespmem:v0+s20+$0x0] =	vst.idx.msk $0xffff, v1  }
0x21c: {  	v0 =	vld [tilespmem:$0x19100]  }
0x21d: {  	s0 =	ssub.f32 s30, s0;
	v1 =	vld [tilespmem:$0x19200];
	_ =	sdelay $0x1  }
0x21e: {  	s0 =	smul.f32 $6.260000230e+00, s0;
	_ =	sdelay $0x1  }
0x21f: {  	v2 =	vmov s0  }
0x220: {  	v1 =	vsub.f32 v1, v2;
	_ =	sdelay $0x1  }
0x221: {  	[tilespmem:v0+s20+$0x0] =	vst.idx.msk $0xffff, v1  }
0x222: {  	v0 =	vld [tilespmem:$0x19010];
	_ =	sdelay $0x4  }
0x223: {  	v1 =	vcvt.s32.f32 v0;
	_ =	sdelay $0x1  }
0x224: {  	v1 =	vadd.f32 s6, v1;
	_ =	sdelay $0x1  }
0x225: {  	[tilespmem:v0+s20+$0x0] =	vst.idx.msk $0xffff, v1  }
0x226: {  	v0 =	vld [tilespmem:$0x19110]  }
0x227: {  	v1 =	vld [tilespmem:$0x19210];
	_ =	sdelay $0x4  }
0x228: {  	v1 =	vsub.f32 v1, v2;
	_ =	sdelay $0x1  }
0x229: {  	s2 =	sadd.s32 s29, s7;
	[tilespmem:v0+s20+$0x0] =	vst.idx.msk $0xffff, v1  }
0x22a: {  	[hbm4b:s2+s11] =	stream.strided.scatter [tilespmem:s20], [sflag:$0x3], $0x8000, s12, s11, $0x38;
	[tilespmem:$0x19300] =	vst v63  }
0x22b: {  	_ =	swait.ge [sflag:s21], $0x8000  }
0x22c: {  	s0 =	simm.s32 @p0 $0x80;
	[sflag:s21] =	ssyncset.done $0x0  }
0x22d: {  	s6 =	simm.s32 @p0 $0x0;
	s2 =	simm.s32 @p0 $0x400;
	[sflag:s21] =	ssyncadd.s32 $0xFFFF8000  }
0x22e: {  	[tilespmem:s6], [sflag:$0x1] =	stream.strided.gather @p0 [hbm4b:s8+s0], $0x8000, s2, s0, $0x38;
	[tilespmem:$0x19300] =	vst v63  }
0x22f: {  	s6 =	simm.s32 $0x8100  }
0x230: {  	v35 =	vld [tilespmem:s6+$0xFFFFFF00]  }
0x231: {  	v32 =	vld [tilespmem:s6+$0xFFFFFF70]  }
0x232: {  	v36 =	vld [tilespmem:s6+$0x50]  }
0x233: {  	v37 =	vld [tilespmem:s6+$0xFFFFFF90]  }
0x234: {  	v29 =	vld [tilespmem:s6+$0xC0]  }
0x235: {  	v34 =	vld [tilespmem:s6+$0xFFFFFF60]  }
0x236: {  	v20 =	vld [tilespmem:s6+$0xE0]  }
0x237: {  	v33 =	vld [tilespmem:s6+$0xFFFFFF80]  }
0x238: {  	v30 =	vld [tilespmem:s6+$0xB0]  }
0x239: {  	v47 =	vld [tilespmem:s6+$0x40]  }
0x23a: {  	v31 =	vld [tilespmem:s6+$0xFFFFFFC0]  }
0x23b: {  	v52 =	vld [tilespmem:s6+$0x20]  }
0x23c: {  	v56 =	vld [tilespmem:s6+$0x10]  }
0x23d: {  	v40 =	vimm.f32 $-Inf;
	s29 =	simm.s32 $0x0;
	v58 =	vld [tilespmem:s6+$0xFFFFFF10]  }
0x23e: {  	v27 =	vimm.f32 $0.0e+00;
	v26 =	vimm.f32 $0.0e+00;
	v5 =	vmov s29;
	v59 =	vld [tilespmem:s6+$0x0]  }
0x23f: {  	v23 =	vimm.f32 $+Inf;
	v54 =	vand.u32 $0x7E, v5;
	v55 =	vld [tilespmem:s6+$0xFFFFFF20];
	v0 =	vand.u32 $0x7FFFFFFF, v35  }
0x240: {  	v51 =	vld [tilespmem:s6+$0xFFFFFF30];
	v22 =	vand.u32 $0x7FFFFFFF, v20;
	v24 =	vand.u32 $0x7FFFFFFF, v29;
	v1 =	vand.u32 $0x7FFFFFFF, v34  }
0x241: {  	v60 =	vld [tilespmem:s6+$0xFFFFFF40];
	v2 =	vand.u32 $0x7FFFFFFF, v33;
	v3 =	vand.u32 $0x7FFFFFFF, v30;
	v4 =	vand.u32 $0x7FFFFFFF, v37  }
0x242: {  	v21 =	vld [tilespmem:s6+$0xF0];
	v5 =	vand.u32 $0x7FFFFFFF, v36;
	v6 =	vand.u32 $0x7FFFFFFF, v32;
	v28 =	vand.u32 $0x7FFFFFFF, v31  }
0x243: {  	v53 =	vld [tilespmem:s6+$0x30];
	v7 =	vand.u32 $0x7FFFFFFF, v52;
	v8 =	vand.u32 $0x7FFFFFFF, v58;
	v9 =	vand.u32 $0x7FFFFFFF, v59  }
0x244: {  	v41 =	vld [tilespmem:s6+$0xFFFFFFD0];
	v10 =	vand.u32 $0x7FFFFFFF, v47;
	v0 =	vadd.f32 v8, v0;
	v8 =	vand.u32 $0x7FFFFFFF, v56  }
0x245: {  	v46 =	vld [tilespmem:s6+$0xFFFFFF50];
	v11 =	vand.u32 $0x7FFFFFFF, v55;
	v57 =	vadd.f32 v58, v35;
	v8 =	vadd.f32 v8, v9  }
0x246: {  	v44 =	vld [tilespmem:s6+$0x70];
	v61 =	vadd.f32 v56, v59;
	v62 =	vand.u32 $0x7FFFFFFF, v60;
	v0 =	vadd.f32 v11, v0  }
0x247: {  	v38 =	vld [tilespmem:s6+$0xFFFFFFB0];
	v25 =	vand.u32 $0x7FFFFFFF, v21;
	v9 =	vand.u32 $0x7FFFFFFF, v51;
	v7 =	vadd.f32 v7, v8  }
0x248: {  	v63 =	vld [tilespmem:s6+$0x60];
	v12 =	vadd.f32 v55, v57;
	v8 =	vand.u32 $0x7FFFFFFF, v53;
	v0 =	vadd.f32 v9, v0  }
0x249: {  	v42 =	vld [tilespmem:s6+$0x80];
	v39 =	vand.u32 $0x7FFFFFFF, v41;
	v9 =	vadd.f32 v52, v61;
	v7 =	vadd.f32 v8, v7  }
0x24a: {  	v43 =	vld [tilespmem:s6+$0xFFFFFFA0];
	v11 =	vand.u32 $0x7FFFFFFF, v46;
	v12 =	vadd.f32 v51, v12;
	v0 =	vadd.f32 v62, v0  }
0x24b: {  	v8 =	vand.u32 $0x7FFFFFFF, v44;
	v9 =	vadd.f32 v53, v9;
	v7 =	vadd.f32 v10, v7  }
0x24c: {  	v12 =	vadd.f32 v60, v12;
	v10 =	vand.u32 $0x7FFFFFFF, v38;
	v0 =	vadd.f32 v11, v0  }
0x24d: {  	v9 =	vadd.f32 v47, v9;
	v11 =	vand.u32 $0x7FFFFFFF, v63;
	v5 =	vadd.f32 v5, v7  }
0x24e: {  	v7 =	vadd.f32 v46, v12;
	v0 =	vadd.f32 v1, v0;
	v1 =	vand.u32 $0x7FFFFFFF, v42  }
0x24f: {  	v57 =	vld [tilespmem:s6+$0x90];
	v9 =	vadd.f32 v36, v9;
	v5 =	vadd.f32 v11, v5;
	v11 =	vand.u32 $0x7FFFFFFF, v43  }
0x250: {  	v7 =	vadd.f32 v34, v7;
	v0 =	vadd.f32 v6, v0;
	v6 =	vmax.f32 v59, v56  }
0x251: {  	v9 =	vadd.f32 v63, v9;
	v5 =	vadd.f32 v8, v5;
	v6 =	vmax.f32 v6, v52  }
0x252: {  	v61 =	vld [tilespmem:s6+$0xA0];
	v7 =	vadd.f32 v32, v7;
	v0 =	vadd.f32 v2, v0;
	v6 =	vmax.f32 v6, v53  }
0x253: {  	v2 =	vmax.f32 v35, v58;
	v8 =	vadd.f32 v44, v9;
	v6 =	vmax.f32 v6, v47  }
0x254: {  	v7 =	vadd.f32 v33, v7;
	v1 =	vadd.f32 v1, v5;
	v5 =	vand.u32 $0x7FFFFFFF, v57  }
0x255: {  	v2 =	vmax.f32 v2, v55;
	v6 =	vmax.f32 v6, v36;
	v8 =	vadd.f32 v42, v8  }
0x256: {  	v0 =	vadd.f32 v4, v0;
	v2 =	vmax.f32 v2, v51;
	v7 =	vadd.f32 v37, v7  }
0x257: {  	v4 =	vand.u32 $0x7FFFFFFF, v61;
	v6 =	vmax.f32 v6, v63;
	v2 =	vmax.f32 v2, v60  }
0x258: {  	v6 =	vmax.f32 v6, v44;
	v8 =	vadd.f32 v57, v8;
	v7 =	vadd.f32 v43, v7  }
0x259: {  	v1 =	vadd.f32 v5, v1;
	v2 =	vmax.f32 v2, v46;
	v6 =	vmax.f32 v6, v42  }
0x25a: {  	v45 =	vld [tilespmem:s6+$0xD0];
	v2 =	vmax.f32 v2, v34;
	v8 =	vadd.f32 v61, v8;
	v7 =	vadd.f32 v38, v7  }
0x25b: {  	v48 =	vld [tilespmem:s6+$0xFFFFFFE0];
	v0 =	vadd.f32 v11, v0;
	v6 =	vmax.f32 v6, v57;
	v2 =	vmax.f32 v2, v32  }
0x25c: {  	v5 =	vmax.f32 v6, v61;
	v6 =	vadd.f32 v30, v8;
	v7 =	vadd.f32 v31, v7  }
0x25d: {  	v4 =	vadd.f32 v4, v1;
	v1 =	vadd.f32 v10, v0;
	v2 =	vmax.f32 v2, v33  }
0x25e: {  	v0 =	vmax.f32 v2, v37;
	v6 =	vadd.f32 v29, v6;
	v7 =	vadd.f32 v41, v7  }
0x25f: {  	v62 =	vadd.f32 v3, v4;
	v5 =	vmax.f32 v5, v30;
	v8 =	vmax.f32 v0, v43  }
0x260: {  	s31 =	simm.s32 $0x2;
	s30 =	simm.s32 $0x0;
	s0 =	simm.s32 $0x8300;
	v50 =	vld [tilespmem:s6+$0xFFFFFFF0];
	v49 =	vadd.f32 v45, v6;
	v6 =	vmax.f32 v5, v29;
	v19 =	vadd.f32 v48, v7  }
.LBB2_9:
0x261: {  	v0 =	vmin.f32 v35, v58;
	v35 =	vld [tilespmem:s0+$0xFFFFFF00]  }
0x262: {  	v1 =	vadd.f32 v28, v1;
	v2 =	vmin.f32 v59, v56;
	v3 =	vld [tilespmem:s0+$0xFFFFFFA0]  }
0x263: {  	v7 =	vand.u32 $0x7FFFFFFF, v45;
	v9 =	vand.u32 $0x7FFFFFFF, v48;
	v10 =	vld [tilespmem:s0+$0x80];
	v11 =	vbroadcast v54, $0x0  }
0x264: {  	v13 =	vld [tilespmem:s0+$0xFFFFFFB0];
	v8 =	vmax.f32 v8, v38;
	v6 =	vmax.f32 v6, v45;
	v5 =	vmin.f32 v2, v52  }
0x265: {  	v14 =	vld [tilespmem:s0+$0x70];
	v12 =	vadd.f32 v24, v62;
	v0 =	vmin.f32 v0, v55;
	v8 =	vmax.f32 v8, v31  }
0x266: {  	v59 =	vld [tilespmem:s0+$0xFFFFFF70];
	v17 =	vadd.f32 v20, v49;
	v6 =	vmax.f32 v6, v20;
	v1 =	vadd.f32 v39, v1  }
0x267: {  	v18 =	vld [tilespmem:$0x1FEF0];
	v5 =	vmin.f32 v5, v53;
	v0 =	vmin.f32 v0, v51;
	v6 =	vmax.f32 v6, v21  }
0x268: {  	v62 =	vld [tilespmem:s0+$0xE0];
	v5 =	vmin.f32 v5, v47;
	v7 =	vadd.f32 v7, v12;
	v0 =	vmin.f32 v0, v60  }
0x269: {  	v2 =	vld [tilespmem:s0+$0xF0];
	v4 =	vadd.f32 v50, v19;
	v9 =	vadd.f32 v9, v1;
	v5 =	vmin.f32 v5, v36  }
0x26a: {  	v53 =	vld [tilespmem:s0+$0x30];
	v15 =	vand.u32 $0x7FFFFFFF, v50;
	v0 =	vmin.f32 v0, v46;
	v1 =	vand.u32 $0x7FFFFFFF, v35  }
0x26b: {  	s6 =	sadd.s32 $0x1, s30;
	v60 =	vld [tilespmem:s0+$0xFFFFFF90];
	v5 =	vmin.f32 v5, v63;
	v7 =	vadd.f32 v22, v7;
	v0 =	vmin.f32 v0, v34  }
0x26c: {  	v47 =	vld [tilespmem:s0+$0x40];
	v16 =	vor.u32 s6, v18;
	v9 =	vadd.f32 v15, v9;
	v5 =	vmin.f32 v5, v44  }
0x26d: {  	v34 =	vld [tilespmem:s0+$0xFFFFFF60];
	v0 =	vmin.f32 v0, v32;
	v4 =	vadd.f32 v4, v26;
	v22 =	vand.u32 $0x7FFFFFFF, v62  }
0x26e: {  	v36 =	vld [tilespmem:s0+$0x50];
	v5 =	vmin.f32 v5, v42;
	v7 =	vadd.f32 v25, v7;
	v0 =	vmin.f32 v0, v33  }
0x26f: {  	v46 =	vld [tilespmem:s0+$0xFFFFFF50];
	v42 =	vmovc v10;
	v9 =	vadd.f32 v9, v27;
	v5 =	vmin.f32 v5, v57;
	v0 =	vmin.f32 v0, v37  }
0x270: {  	v10 =	vld [tilespmem:s0+$0xC0];
	v15 =	vand.u32 $0x7FFFFFFF, v42;
	v5 =	vmin.f32 v5, v61;
	v0 =	vmin.f32 v0, v43  }
0x271: {  	s2 =	smov.u32 s31;
	v33 =	vld [tilespmem:s0+$0xFFFFFF80];
	v43 =	vmovc v3;
	v3 =	vmax.f32 v8, v41;
	v8 =	vor.u32 v18, v11;
	v5 =	vmin.f32 v5, v30  }
0x272: {  	s30 =	smov.u32 s2;
	v63 =	vld [tilespmem:s0+$0xFFFFFFD0];
	v0 =	vmin.f32 v0, v38;
	v3 =	vmax.f32 v3, v48;
	v11 =	vand.u32 $0x7FFFFFFF, v34  }
0x273: {  	v30 =	vld [tilespmem:s0+$0xB0];
	v27 =	vadd.f32 v7, v9;
	v7 =	vmov s30;
	v5 =	vmin.f32 v5, v29  }
0x274: {  	[tilespmem:v16+s14+$0x0] =	vst.idx.msk $0xffff, v6;
	v0 =	vmin.f32 v0, v31;
	v3 =	vmax.f32 v3, v50;
	v31 =	vld [tilespmem:s0+$0xFFFFFFC0];
	v54 =	vand.u32 $0x7E, v7  }
0x275: {  	v32 =	vmovc v59;
	v52 =	vld [tilespmem:s0+$0x20];
	v7 =	vand.u32 $0x7FFFFFFF, v36;
	v0 =	vmin.f32 v0, v41;
	v29 =	vmovc v10;
	v10 =	vadd.f32 v21, v17  }
0x276: {  	v37 =	vmovc v60;
	v38 =	vmovc v13;
	v56 =	vld [tilespmem:s0+$0x10];
	v13 =	vand.u32 $0x7FFFFFFF, v33;
	v5 =	vmin.f32 v5, v45;
	v0 =	vmin.f32 v0, v48  }
0x277: {  	v59 =	vld [tilespmem:s0+$0x0];
	v41 =	vmovc v63;
	v17 =	vand.u32 $0x7FFFFFFF, v43;
	v24 =	vand.u32 $0x7FFFFFFF, v29;
	v0 =	vmin.f32 v0, v50;
	[tilespmem:v8+s14+$0x0] =	vst.idx.msk $0xffff, v3  }
0x278: {  	v5 =	vmin.f32 v5, v20;
	v39 =	vand.u32 $0x7FFFFFFF, v41;
	v3 =	vmax.f32 v40, v3;
	v51 =	vld [tilespmem:s0+$0xFFFFFF30];
	[tilespmem:v8+s16+$0x0] =	vst.idx.msk $0xffff, v0  }
0x279: {  	v44 =	vmovc v14;
	v26 =	vadd.f32 v10, v4;
	v4 =	vand.u32 $0x7FFFFFFF, v37;
	v10 =	vand.u32 $0x7FFFFFFF, v46;
	v58 =	vld [tilespmem:s0+$0xFFFFFF10]  }
0x27a: {  	v57 =	vld [tilespmem:s0+$0x90];
	v5 =	vmin.f32 v5, v21;
	v21 =	vmovc v2;
	v2 =	vand.u32 $0x7FFFFFFF, v44;
	v19 =	vand.u32 $0x7FFFFFFF, v30  }
0x27b: {  	v8 =	vand.u32 $0x7FFFFFFF, v32;
	v40 =	vmax.f32 v3, v6;
	v6 =	vand.u32 $0x7FFFFFFF, v47;
	v55 =	vld [tilespmem:s0+$0xFFFFFF20]  }
0x27c: {  	v0 =	vmin.f32 v23, v0;
	v25 =	vand.u32 $0x7FFFFFFF, v21;
	v28 =	vand.u32 $0x7FFFFFFF, v31  }
0x27d: {  	v3 =	vand.u32 $0x7FFFFFFF, v52;
	v23 =	vmin.f32 v0, v5;
	v18 =	vadd.f32 v56, v59  }
0x27e: {  	[tilespmem:v16+s16+$0x0] =	vst.idx.msk $0xffff, v5;
	v0 =	vand.u32 $0x7FFFFFFF, v38;
	v5 =	vand.u32 $0x7FFFFFFF, v53;
	v50 =	vadd.f32 v58, v35  }
0x27f: {  	v60 =	vld [tilespmem:s0+$0xFFFFFF40];
	v49 =	vand.u32 $0x7FFFFFFF, v57;
	v63 =	vmax.f32 v59, v56;
	v18 =	vadd.f32 v52, v18  }
0x280: {  	v20 =	vmovc v62;
	v62 =	vand.u32 $0x7FFFFFFF, v59;
	v48 =	vmax.f32 v63, v52;
	v12 =	vadd.f32 v55, v50  }
0x281: {  	v9 =	vand.u32 $0x7FFFFFFF, v51;
	v18 =	vadd.f32 v53, v18;
	v16 =	vand.u32 $0x7FFFFFFF, v58  }
0x282: {  	v63 =	vld [tilespmem:s0+$0x60];
	v1 =	vadd.f32 v16, v1;
	v16 =	vand.u32 $0x7FFFFFFF, v56;
	v12 =	vadd.f32 v51, v12  }
0x283: {  	v61 =	vld [tilespmem:s0+$0xA0];
	v14 =	vand.u32 $0x7FFFFFFF, v55;
	v45 =	vmax.f32 v35, v58;
	v16 =	vadd.f32 v16, v62  }
0x284: {  	v62 =	vmax.f32 v48, v53;
	v1 =	vadd.f32 v14, v1;
	v12 =	vadd.f32 v60, v12  }
0x285: {  	v50 =	vand.u32 $0x7FFFFFFF, v60;
	v3 =	vadd.f32 v3, v16;
	v16 =	vadd.f32 v47, v18  }
0x286: {  	v48 =	vmax.f32 v62, v47;
	v1 =	vadd.f32 v9, v1;
	v9 =	vadd.f32 v46, v12  }
0x287: {  	v62 =	vand.u32 $0x7FFFFFFF, v63;
	v3 =	vadd.f32 v5, v3;
	v5 =	vadd.f32 v36, v16  }
0x288: {  	v18 =	vand.u32 $0x7FFFFFFF, v61;
	v1 =	vadd.f32 v50, v1;
	v9 =	vadd.f32 v34, v9  }
0x289: {  	v3 =	vadd.f32 v6, v3;
	v6 =	vmax.f32 v48, v36;
	v5 =	vadd.f32 v63, v5  }
0x28a: {  	v1 =	vadd.f32 v10, v1;
	v6 =	vmax.f32 v6, v63;
	v9 =	vadd.f32 v32, v9  }
0x28b: {  	v3 =	vadd.f32 v7, v3;
	v6 =	vmax.f32 v6, v44;
	v5 =	vadd.f32 v44, v5  }
0x28c: {  	v1 =	vadd.f32 v11, v1;
	v6 =	vmax.f32 v6, v42;
	v7 =	vadd.f32 v33, v9  }
0x28d: {  	v3 =	vadd.f32 v62, v3;
	v5 =	vadd.f32 v42, v5;
	v6 =	vmax.f32 v6, v57  }
0x28e: {  	v1 =	vadd.f32 v8, v1;
	v6 =	vmax.f32 v6, v61;
	v7 =	vadd.f32 v37, v7  }
0x28f: {  	v2 =	vadd.f32 v2, v3;
	v3 =	vadd.f32 v57, v5;
	v5 =	vmax.f32 v6, v30  }
0x290: {  	v6 =	vmax.f32 v45, v55;
	v1 =	vadd.f32 v13, v1;
	v7 =	vadd.f32 v43, v7  }
0x291: {  	v6 =	vmax.f32 v6, v51;
	v2 =	vadd.f32 v15, v2;
	v3 =	vadd.f32 v61, v3  }
0x292: {  	v45 =	vld [tilespmem:s0+$0xD0];
	v6 =	vmax.f32 v6, v60;
	v1 =	vadd.f32 v4, v1;
	v4 =	vadd.f32 v38, v7  }
0x293: {  	p1 =	slt.u32 s31, $0x7E;
	v48 =	vld [tilespmem:s0+$0xFFFFFFE0];
	v6 =	vmax.f32 v6, v46;
	v2 =	vadd.f32 v49, v2;
	v3 =	vadd.f32 v30, v3  }
.Ltmp3:
0x294: {  	v6 =	vmax.f32 v6, v34;
	v1 =	vadd.f32 v17, v1;
	v4 =	vadd.f32 v31, v4;
	(pc) =	sbr.rel @p1 .LBB2_9-.Ltmp3, $4  }
0x295: {  	v6 =	vmax.f32 v6, v32;
	v2 =	vadd.f32 v18, v2;
	v3 =	vadd.f32 v29, v3  }
0x296: {  	v6 =	vmax.f32 v6, v33;
	v1 =	vadd.f32 v0, v1;
	v0 =	vadd.f32 v41, v4  }
0x297: {  	v62 =	vadd.f32 v19, v2;
	v49 =	vadd.f32 v45, v3;
	v4 =	vmax.f32 v6, v37  }
0x298: {  	s31 =	sadd.s32 $0x2, s31;
	v50 =	vld [tilespmem:s0+$0xFFFFFFF0];
	s0 =	sadd.s32 $0x200, s0;
	v6 =	vmax.f32 v5, v29;
	v8 =	vmax.f32 v4, v43;
	v19 =	vadd.f32 v48, v0  }
0x299: {  	v0 =	vmax.f32 v8, v38  }
0x29a: {  	v0 =	vmax.f32 v0, v31  }
0x29b: {  	v0 =	vmax.f32 v0, v41  }
0x29c: {  	v2 =	vmax.f32 v6, v45;
	v0 =	vmax.f32 v0, v48  }
0x29d: {  	v2 =	vmax.f32 v2, v20;
	v0 =	vmax.f32 v0, v50  }
0x29e: {  	v4 =	vmin.f32 v35, v58;
	v2 =	vmax.f32 v2, v21;
	v3 =	vmax.f32 v40, v0  }
0x29f: {  	v4 =	vmin.f32 v4, v55;
	v35 =	vmax.f32 v3, v2;
	v3 =	vmin.f32 v59, v56  }
0x2a0: {  	v4 =	vmin.f32 v4, v51;
	v3 =	vmin.f32 v3, v52  }
0x2a1: {  	v8 =	vld [tilespmem:$0x1FEF0];
	v4 =	vmin.f32 v4, v60;
	v3 =	vmin.f32 v3, v53  }
0x2a2: {  	v4 =	vmin.f32 v4, v46;
	v3 =	vmin.f32 v3, v47  }
0x2a3: {  	v4 =	vmin.f32 v4, v34;
	v3 =	vmin.f32 v3, v36  }
0x2a4: {  	v4 =	vmin.f32 v4, v32;
	v3 =	vmin.f32 v3, v63  }
0x2a5: {  	v6 =	vbroadcast v54, $0x0;
	s0 =	sadd.s32 $0x1, s30;
	v4 =	vmin.f32 v4, v33;
	v3 =	vmin.f32 v3, v44  }
0x2a6: {  	v7 =	vor.u32 s0, v8;
	v4 =	vmin.f32 v4, v37;
	v3 =	vmin.f32 v3, v42  }
0x2a7: {  	v6 =	vor.u32 v8, v6;
	(xrf0) =	vmax.scan.msk.f32 $0xffff, v35;
	v4 =	vmin.f32 v4, v43;
	v3 =	vmin.f32 v3, v57  }
0x2a8: {  	v4 =	vmin.f32 v4, v38;
	v3 =	vmin.f32 v3, v61  }
0x2a9: {  	v4 =	vmin.f32 v4, v31;
	v3 =	vmin.f32 v3, v30  }
0x2aa: {  	v4 =	vmin.f32 v4, v41;
	v3 =	vmin.f32 v3, v29  }
0x2ab: {  	v51 =	vld [tilespmem:$0x1FF80];
	[tilespmem:v7+s14+$0x0] =	vst.idx.msk $0xffff, v2;
	v4 =	vmin.f32 v4, v48;
	v2 =	vmin.f32 v3, v45  }
0x2ac: {  	v43 =	vld [tilespmem:$0x1FF40];
	[tilespmem:v6+s14+$0x0] =	vst.idx.msk $0xffff, v0;
	v4 =	vmin.f32 v4, v50;
	v0 =	vmin.f32 v2, v20  }
0x2ad: {  	v41 =	vld [tilespmem:$0x1FF20];
	v5, _, _ =	vpop (xrf0);
	[tilespmem:v6+s16+$0x0] =	vst.idx.msk $0xffff, v4;
	v0 =	vmin.f32 v0, v21  }
0x2ae: {  	v5 =	vbroadcast v5, $0xF;
	v47 =	vld [tilespmem:$0x1FF70];
	[tilespmem:v7+s16+$0x0] =	vst.idx.msk $0xffff, v0  }
0x2af: {  	v53 =	vld [tilespmem:$0x1FFA0]  }
0x2b0: {  	vm0 =	veq.f32 v35, v5;
	v40 =	vld [tilespmem:$0x1FF10]  }
0x2b1: {  	v31 =	vmctz.xlane vm0;
	v38 =	vld [tilespmem:$0x1FF00]  }
0x2b2: {  	v42 =	vld [tilespmem:$0x1FF30]  }
0x2b3: {  	v8 =	vshll.u32 v31, $0x7;
	v44 =	vld [tilespmem:$0x1FF50]  }
0x2b4: {  	v9 =	vor.u32 v51, v8;
	v46 =	vld [tilespmem:$0x1FF60]  }
0x2b5: {  	v3 =	vor.u32 v43, v8;
	v52 =	vld [tilespmem:$0x1FF90]  }
0x2b6: {  	v2 =	vor.u32 v41, v8;
	v54 =	vld [tilespmem:$0x1FFB0]  }
0x2b7: {  	v6 =	vor.u32 v47, v8;
	v55 =	vld [tilespmem:$0x1FFC0]  }
0x2b8: {  	v56 =	vld [tilespmem:$0x1FFD0];
	v7 =	vor.u32 v53, v8  }
0x2b9: {  	v9 =	vld.idx.msk [tilespmem:v9+s14+$0x0], $0xffff;
	v10 =	vor.u32 v40, v8  }
0x2ba: {  	v37 =	vlaneseq.u32;
	v3 =	vld.idx.msk [tilespmem:v3+s14+$0x0], $0xffff;
	v11 =	vor.u32 v38, v8  }
0x2bb: {  	v12 =	vor.u32 v37, v8;
	v2 =	vld.idx.msk [tilespmem:v2+s14+$0x0], $0xffff  }
0x2bc: {  	v6 =	vld.idx.msk [tilespmem:v6+s14+$0x0], $0xffff  }
0x2bd: {  	v7 =	vld.idx.msk [tilespmem:v7+s14+$0x0], $0xffff  }
0x2be: {  	vm0 =	veq.f32 v9, v5;
	v10 =	vld.idx.msk [tilespmem:v10+s14+$0x0], $0xffff  }
0x2bf: {  	vm1 =	veq.f32 v3, v5;
	v13 =	vnsel vm0, $0x80000080, v42;
	v11 =	vld.idx.msk [tilespmem:v11+s14+$0x0], $0xffff  }
0x2c0: {  	v12 =	vld.idx.msk [tilespmem:v12+s14+$0x0], $0xffff;
	vm0 =	veq.f32 v2, v5;
	v13 =	vsel vm1, v44, v13  }
0x2c1: {  	v57 =	vld [tilespmem:$0x1FFE0];
	vm1 =	veq.f32 v6, v5;
	v13 =	vsel vm0, v46, v13  }
0x2c2: {  	v13 =	vsel vm1, v52, v13;
	vm0 =	veq.f32 v7, v5  }
0x2c3: {  	vm1 =	veq.f32 v10, v5;
	v13 =	vsel vm0, v54, v13  }
0x2c4: {  	vm0 =	veq.f32 v11, v5;
	v13 =	vsel vm1, v55, v13  }
0x2c5: {  	vm1 =	veq.f32 v12, v5;
	v13 =	vsel vm0, v56, v13  }
0x2c6: {  	v13 =	vsel vm1, v57, v13  }
0x2c7: {  	(xrf0) =	vmin.scan.msk.u32 $0xffff, v13;
	_ =	sdelay $0x5  }
0x2c8: {  	v13, _, _ =	vpop (xrf0)  }
0x2c9: {  	(v2sf) =	vpush v13, $0xF;
	_ =	sdelay $0xe  }
0x2ca: {  	v58 =	vld [tilespmem:$0x1FFF0];
	s6 =	spop (v2sf)  }
0x2cb: {  	s0 =	sxor.u32 $0x80000000, s6  }
0x2cc: {  	v63 =	vmov s0  }
0x2cd: {  	v14 =	vshll.u32 v63, $0x8  }
0x2ce: {  	v14 =	vadd.s32 v31, v14  }
0x2cf: {  	v15 =	vadd.s32 v58, v14;
	_ =	sdelay $0x4  }
0x2d0: {  	v16 =	vld.idx.msk [tilespmem:v15+s15+$0x0], $0xffff  }
0x2d1: {  	v4 =	vmin.f32 v23, v4  }
0x2d2: {  	v23 =	vmin.f32 v4, v0  }
0x2d3: {  	(xrf0) =	vmin.scan.msk.f32 $0xffff, v23;
	_ =	sdelay $0x1  }
0x2d4: {  	vm0 =	veq.f32 v16, v5  }
0x2d5: {  	v0 =	vmctz.xlane vm0;
	_ =	sdelay $0x1  }
0x2d6: {  	vm0 =	veq.s32 v0, v37  }
0x2d7: {  	v4, _, _ =	vpop (xrf0);
	v5 =	vsel vm0, $0x0, v16  }
0x2d8: {  	v34 =	vbroadcast v4, $0xF;
	(xrf0) =	vmax.scan.msk.f32 $0xffff, v5;
	_ =	sdelay $0x1  }
0x2d9: {  	vm0 =	veq.f32 v23, v34  }
0x2da: {  	v36 =	vmctz.xlane vm0  }
0x2db: {  	v4 =	vadd.s32 s0, v8  }
0x2dc: {  	v8 =	vmov s29;
	v16 =	vshll.u32 v36, $0x7  }
0x2dd: {  	v17 =	vor.u32 v51, v16;
	v18, _, _ =	vpop (xrf0)  }
0x2de: {  	v29 =	vor.u32 v43, v16;
	v18 =	vbroadcast v18, $0xF  }
0x2df: {  	vm1 =	veq.s32 v63, v53;
	v0 =	vshll.u32 v0, $0x4;
	[tilespmem:v15+s15+$0x0] =	vst.idx.msk $0xffff, v5;
	v5 =	vor.u32 v41, v16  }
0x2e0: {  	v33 =	vadd.s32 v0, v14;
	v0 =	vor.u32 v47, v16;
	[tilespmem:v4+s14+$0x0] =	vst.idx.msk $0x1, v18  }
0x2e1: {  	vm2 =	veq.s32 v63, v38;
	v4 =	vor.u32 v53, v16;
	[tilespmem:v8+s22+$0x0] =	vst.idx.msk $0x1, v33  }
0x2e2: {  	vm3 =	veq.s32 v63, v37;
	vm4 =	veq.s32 v63, v47;
	v59 =	vor.u32 v40, v16;
	v15 =	vld.idx.msk [tilespmem:v17+s16+$0x0], $0xffff  }
0x2e3: {  	vm0 =	veq.s32 v63, v51;
	v60 =	vor.u32 v37, v16;
	v17 =	vor.u32 v38, v16;
	v30 =	vld.idx.msk [tilespmem:v29+s16+$0x0], $0xffff  }
0x2e4: {  	v12 =	vsel vm3, v18, v12;
	v11 =	vsel vm2, v18, v11;
	vm2 =	veq.s32 v63, v40;
	v5 =	vld.idx.msk [tilespmem:v5+s16+$0x0], $0xffff  }
0x2e5: {  	vm3 =	veq.s32 v63, v41;
	v7 =	vsel vm1, v18, v7;
	v6 =	vsel vm4, v18, v6;
	v0 =	vld.idx.msk [tilespmem:v0+s16+$0x0], $0xffff  }
0x2e6: {  	v9 =	vsel vm0, v18, v9;
	v11 =	vmax.f32 v12, v11;
	v10 =	vsel vm2, v18, v10;
	v4 =	vld.idx.msk [tilespmem:v4+s16+$0x0], $0xffff  }
0x2e7: {  	vm2 =	veq.s32 v63, v43;
	v10 =	vmax.f32 v11, v10;
	v11 =	vld.idx.msk [tilespmem:v59+s16+$0x0], $0xffff;
	vm1 =	veq.f32 v15, v34  }
0x2e8: {  	v3 =	vsel vm2, v18, v3;
	v61 =	vld.idx.msk [tilespmem:v17+s16+$0x0], $0xffff;
	vm2 =	veq.f32 v30, v34;
	v63 =	vnsel vm1, $0x80000080, v42  }
0x2e9: {  	v2 =	vsel vm3, v18, v2;
	v12 =	vld.idx.msk [tilespmem:v60+s16+$0x0], $0xffff;
	vm1 =	veq.f32 v5, v34;
	v13 =	vsel vm2, v44, v63  }
0x2ea: {  	v7 =	vmax.f32 v10, v7;
	vm0 =	veq.f32 v0, v34;
	v13 =	vsel vm1, v46, v13  }
0x2eb: {  	v6 =	vmax.f32 v7, v6;
	vm1 =	veq.f32 v4, v34;
	v7 =	vsel vm0, v52, v13  }
0x2ec: {  	v2 =	vmax.f32 v6, v2;
	vm0 =	veq.f32 v11, v34;
	v6 =	vsel vm1, v54, v7  }
0x2ed: {  	v2 =	vmax.f32 v2, v3;
	vm1 =	veq.f32 v61, v34;
	v3 =	vsel vm0, v55, v6  }
0x2ee: {  	v2 =	vmax.f32 v2, v9;
	vm0 =	veq.f32 v12, v34;
	v3 =	vsel vm1, v56, v3  }
0x2ef: {  	(xrf0) =	vmax.scan.msk.f32 $0xffff, v2;
	v2 =	vsel vm0, v57, v3  }
0x2f0: {  	(xrf0) =	vmin.scan.msk.u32 $0xffff, v2;
	_ =	sdelay $0x4  }
0x2f1: {  	v2, _, _ =	vpop (xrf0)  }
0x2f2: {  	v3, _, _ =	vpop (xrf0)  }
0x2f3: {  	(v2sf) =	vpush v3, $0xF;
	_ =	sdelay $0xe  }
0x2f4: {  	s31 =	spop (v2sf)  }
0x2f5: {  	s0 =	sxor.u32 $0x80000000, s31  }
0x2f6: {  	v3 =	vmov s0  }
0x2f7: {  	v6 =	vshll.u32 v3, $0x8  }
0x2f8: {  	v6 =	vadd.s32 v36, v6  }
0x2f9: {  	v7 =	vadd.s32 v58, v6;
	_ =	sdelay $0x4  }
0x2fa: {  	v32 =	vld.idx.msk [tilespmem:v7+s15+$0x0], $0xffff;
	_ =	sdelay $0x2  }
0x2fb: {  	v2 =	vbroadcast v2, $0xF  }
0x2fc: {  	vm0 =	veq.s32 v31, v37  }
0x2fd: {  	v29 =	vsel vm0, v2, v35;
	vm0 =	veq.f32 v32, v34  }
0x2fe: {  	(xrf0) =	vmax.scan.msk.f32 $0xffff, v29;
	v2 =	vmctz.xlane vm0  }
0x2ff: {  	v1 =	vadd.f32 v28, v1  }
0x300: {  	vm0 =	veq.s32 v2, v37  }
0x301: {  	v1 =	vadd.f32 v39, v1;
	v9 =	vsel vm0, $0x0, v32  }
0x302: {  	v39 =	vadd.f32 v24, v62;
	v48 =	vand.u32 $0x7FFFFFFF, v48;
	(xrf0) =	vmin.scan.msk.f32 $0xffff, v9  }
0x303: {  	v1 =	vadd.f32 v48, v1;
	v17 =	vand.u32 $0x7FFFFFFF, v45  }
0x304: {  	v13 =	vadd.f32 v17, v39;
	v17 =	vand.u32 $0x7FFFFFFF, v50;
	v59, _, _ =	vpop (xrf0)  }
0x305: {  	v17 =	vadd.f32 v17, v1;
	v1 =	vshll.u32 v2, $0x4;
	v32 =	vbroadcast v59, $0xF  }
0x306: {  	v16 =	vadd.s32 s0, v16  }
0x307: {  	vm1 =	veq.s32 v3, v47;
	vm2 =	veq.s32 v3, v41;
	vm0 =	veq.f32 v29, v32  }
0x308: {  	vm3 =	veq.s32 v3, v43;
	v2 =	vadd.s32 v1, v6;
	v24 =	vmctz.xlane vm0;
	v1, _, _ =	vpop (xrf0)  }
0x309: {  	vm15 =	veq.s32 v3, v40;
	vm5 =	veq.s32 v3, v53;
	v6 =	vbroadcast v1, $0xF  }
0x30a: {  	vm6 =	veq.s32 v3, v37;
	vm7 =	veq.s32 v3, v38;
	[tilespmem:v7+s15+$0x0] =	vst.idx.msk $0xffff, v9;
	v1 =	vshll.u32 v24, $0x7  }
0x30b: {  	vm0 =	veq.s32 v3, v51;
	v3 =	vor.u32 v51, v1;
	[tilespmem:v16+s16+$0x0] =	vst.idx.msk $0x1, v6  }
0x30c: {  	v7 =	vsel vm6, v6, v12;
	v61 =	vsel vm7, v6, v61;
	v62 =	vsel vm15, v6, v11  }
0x30d: {  	v4 =	vsel vm5, v6, v4;
	[tilespmem:v8+s23+$0x0] =	vst.idx.msk $0x1, v2;
	v2 =	vmin.f32 v7, v61  }
0x30e: {  	v0 =	vsel vm1, v6, v0;
	v7 =	vor.u32 v43, v1;
	v2 =	vmin.f32 v2, v62  }
0x30f: {  	[tilespmem:v8+s24+$0x0] =	vst.idx.msk $0x1, v34;
	v8 =	vor.u32 v41, v1;
	v2 =	vmin.f32 v2, v4  }
0x310: {  	v0 =	vmin.f32 v2, v0;
	v2 =	vor.u32 v40, v1  }
0x311: {  	v63 =	vor.u32 v47, v1  }
0x312: {  	v60 =	vadd.f32 v50, v19;
	v4 =	vor.u32 v53, v1;
	v28 =	vld.idx.msk [tilespmem:v3+s14+$0x0], $0xffff;
	v3 =	vsel vm2, v6, v5  }
0x313: {  	v13 =	vadd.f32 v22, v13;
	v0 =	vmin.f32 v0, v3;
	v3 =	vor.u32 v38, v1;
	v31 =	vld.idx.msk [tilespmem:v7+s14+$0x0], $0xffff  }
0x314: {  	v5 =	vsel vm3, v6, v30;
	v6 =	vsel vm0, v6, v15;
	v7 =	vadd.f32 v20, v49;
	v30 =	vld.idx.msk [tilespmem:v8+s14+$0x0], $0xffff  }
0x315: {  	v0 =	vmin.f32 v0, v5;
	v5 =	vadd.f32 v17, v27;
	v27 =	vld.idx.msk [tilespmem:v2+s14+$0x0], $0xffff;
	v2 =	vor.u32 v37, v1  }
0x316: {  	v8 =	vadd.f32 v25, v13;
	v0 =	vmin.f32 v0, v6;
	v25 =	vld.idx.msk [tilespmem:v63+s14+$0x0], $0xffff;
	v6 =	vadd.f32 v60, v26  }
0x317: {  	v7 =	vadd.f32 v21, v7;
	v26 =	vld.idx.msk [tilespmem:v4+s14+$0x0], $0xffff;
	(xrf0) =	vmin.scan.msk.f32 $0xffff, v0;
	vm0 =	veq.f32 v28, v32  }
0x318: {  	v0 =	vcvt.s32.f32 v33;
	v33 =	vld.idx.msk [tilespmem:v3+s14+$0x0], $0xffff;
	v3 =	vnsel vm0, $0x80000080, v42;
	vm1 =	veq.f32 v31, v32  }
0x319: {  	v4 =	vimm.f32 $0.0e+00;
	vm0 =	veq.f32 v30, v32;
	v3 =	vsel vm1, v44, v3  }
0x31a: {  	v21 =	vadd.f32 v0, v4;
	v0 =	vsel vm0, v46, v3;
	vm0 =	veq.s32 v36, v37;
	v36 =	vld.idx.msk [tilespmem:v2+s14+$0x0], $0xffff  }
0x31b: {  	v20 =	vadd.f32 v8, v5;
	vm1 =	veq.f32 v25, v32  }
0x31c: {  	v19 =	vadd.f32 v34, v4;
	vm2 =	veq.f32 v26, v32;
	v0 =	vsel vm1, v52, v0  }
0x31d: {  	v22 =	vadd.f32 v7, v6;
	vm3 =	veq.f32 v27, v32;
	v0 =	vsel vm2, v54, v0;
	v3, _, _ =	vpop (xrf0)  }
0x31e: {  	s30 =	simm.s32 $0x2;
	s29 =	simm.s32 $0x1;
	vm1 =	veq.f32 v33, v32;
	v6 =	vsel vm3, v55, v0;
	v2 =	vbroadcast v3, $0xF  }
.LBB2_11:
0x31f: {  	p1 =	sne.s32 s30, $0x1F;
	vm2 =	veq.f32 v36, v32;
	v0 =	vsel vm1, v56, v6;
	s0 =	smov.u32 s30;
	s30 =	sadd.s32 $0x1, s30  }
0x320: {  	v0 =	vsel vm2, v57, v0;
	v23 =	vsel vm0, v2, v23  }
0x321: {  	(xrf0) =	vmin.scan.msk.u32 $0xffff, v0  }
0x322: {  	(xrf0) =	vmin.scan.msk.f32 $0xffff, v23;
	_ =	sdelay $0x4  }
0x323: {  	v0, _, _ =	vpop (xrf0)  }
0x324: {  	(v2sf) =	vpush v0, $0xF;
	v0, _, _ =	vpop (xrf0);
	_ =	sdelay $0xe  }
0x325: {  	s2 =	spop (v2sf)  }
0x326: {  	s2 =	sxor.u32 $0x80000000, s2  }
0x327: {  	v2 =	vmov s2;
	v1 =	vadd.s32 s2, v1  }
0x328: {  	v3 =	vshll.u32 v2, $0x8;
	vm1 =	veq.s32 v2, v53;
	vm0 =	veq.s32 v2, v51  }
0x329: {  	v3 =	vadd.s32 v24, v3  }
0x32a: {  	v4 =	vadd.s32 v58, v3;
	_ =	sdelay $0x4  }
0x32b: {  	v5 =	vld.idx.msk [tilespmem:v4+s15+$0x0], $0xffff;
	_ =	sdelay $0x5  }
0x32c: {  	vm2 =	veq.f32 v5, v32  }
0x32d: {  	v6 =	vmctz.xlane vm2;
	_ =	sdelay $0x1  }
0x32e: {  	v7 =	vshll.u32 v6, $0x4;
	vm2 =	veq.s32 v6, v37  }
0x32f: {  	v3 =	vadd.s32 v7, v3;
	v5 =	vsel vm2, $0x0, v5  }
0x330: {  	v34 =	vbroadcast v0, $0xF;
	v6 =	vcvt.s32.f32 v3;
	(xrf0) =	vmax.scan.msk.f32 $0xffff, v5;
	_ =	sdelay $0x1  }
0x331: {  	v19 =	vadd.f32 v34, v19;
	vm2 =	veq.f32 v23, v34;
	v21 =	vadd.f32 v6, v21  }
0x332: {  	v0 =	vmctz.xlane vm2  }
0x333: {  	v35 =	vmov s29;
	s29 =	smov.u32 s0;
	vm2 =	veq.s32 v2, v41  }
0x334: {  	vm3 =	veq.s32 v2, v47;
	vm4 =	veq.s32 v2, v43;
	v6 =	vshll.u32 v0, $0x7  }
0x335: {  	vm5 =	veq.s32 v2, v38;
	vm6 =	veq.s32 v2, v40;
	v7 =	vor.u32 v51, v6;
	v8, _, _ =	vpop (xrf0)  }
0x336: {  	vm7 =	veq.s32 v2, v37;
	v2 =	vor.u32 v43, v6;
	v8 =	vbroadcast v8, $0xF  }
0x337: {  	[tilespmem:v4+s15+$0x0] =	vst.idx.msk $0xffff, v5;
	v4 =	vor.u32 v47, v6;
	v5 =	vor.u32 v41, v6  }
0x338: {  	[tilespmem:v1+s14+$0x0] =	vst.idx.msk $0x1, v8;
	v1 =	vsel vm7, v8, v36;
	v9 =	vsel vm1, v8, v26  }
0x339: {  	v10 =	vor.u32 v53, v6;
	[tilespmem:v35+s22+$0x0] =	vst.idx.msk $0x1, v3;
	v3 =	vsel vm5, v8, v33  }
0x33a: {  	v13 =	vor.u32 v40, v6;
	v11 =	vsel vm6, v8, v27;
	v12 =	vsel vm4, v8, v31;
	v26 =	vld.idx.msk [tilespmem:v7+s16+$0x0], $0xffff  }
0x33b: {  	v1 =	vmax.f32 v1, v3;
	v3 =	vsel vm3, v8, v25;
	v7 =	vor.u32 v38, v6;
	v25 =	vld.idx.msk [tilespmem:v2+s16+$0x0], $0xffff  }
0x33c: {  	v1 =	vmax.f32 v1, v11;
	v2 =	vsel vm2, v8, v30;
	v11 =	vor.u32 v37, v6;
	v27 =	vld.idx.msk [tilespmem:v5+s16+$0x0], $0xffff  }
0x33d: {  	v1 =	vmax.f32 v1, v9;
	v5 =	vsel vm0, v8, v28;
	vm0 =	veq.s32 v0, v37;
	v30 =	vld.idx.msk [tilespmem:v4+s16+$0x0], $0xffff  }
0x33e: {  	v1 =	vmax.f32 v1, v3;
	v28 =	vld.idx.msk [tilespmem:v10+s16+$0x0], $0xffff  }
0x33f: {  	v1 =	vmax.f32 v1, v2;
	v31 =	vld.idx.msk [tilespmem:v13+s16+$0x0], $0xffff  }
0x340: {  	v1 =	vmax.f32 v1, v12;
	vm1 =	veq.f32 v26, v34;
	v2 =	vld.idx.msk [tilespmem:v7+s16+$0x0], $0xffff  }
0x341: {  	v1 =	vmax.f32 v1, v5;
	vm2 =	veq.f32 v25, v34;
	v4 =	vnsel vm1, $0x80000080, v42;
	v3 =	vld.idx.msk [tilespmem:v11+s16+$0x0], $0xffff  }
0x342: {  	vm1 =	veq.f32 v27, v34;
	v4 =	vsel vm2, v44, v4;
	(xrf0) =	vmax.scan.msk.f32 $0xffff, v1  }
0x343: {  	vm2 =	veq.f32 v30, v34;
	v1 =	vsel vm1, v46, v4  }
0x344: {  	vm1 =	veq.f32 v28, v34;
	v1 =	vsel vm2, v52, v1  }
0x345: {  	vm2 =	veq.f32 v31, v34;
	v1 =	vsel vm1, v54, v1  }
0x346: {  	vm1 =	veq.f32 v2, v34;
	v1 =	vsel vm2, v55, v1  }
0x347: {  	vm2 =	veq.f32 v3, v34;
	v1 =	vsel vm1, v56, v1  }
0x348: {  	v1 =	vsel vm2, v57, v1;
	v4, _, _ =	vpop (xrf0)  }
0x349: {  	v4 =	vbroadcast v4, $0xF;
	(xrf0) =	vmin.scan.msk.u32 $0xffff, v1  }
0x34a: {  	vm1 =	veq.s32 v24, v37  }
0x34b: {  	v29 =	vsel vm1, v4, v29;
	_ =	sdelay $0x3  }
0x34c: {  	v1, _, _ =	vpop (xrf0)  }
0x34d: {  	(v2sf) =	vpush v1, $0xF;
	_ =	sdelay $0xe  }
0x34e: {  	s0 =	spop (v2sf)  }
0x34f: {  	s0 =	sxor.u32 $0x80000000, s0  }
0x350: {  	v4 =	vmov s0;
	v5 =	vadd.s32 s0, v6  }
0x351: {  	v1 =	vshll.u32 v4, $0x8  }
0x352: {  	v0 =	vadd.s32 v0, v1  }
0x353: {  	v1 =	vadd.s32 v58, v0;
	_ =	sdelay $0x4  }
0x354: {  	v6 =	vld.idx.msk [tilespmem:v1+s15+$0x0], $0xffff;
	_ =	sdelay $0x3  }
0x355: {  	(xrf0) =	vmax.scan.msk.f32 $0xffff, v29;
	_ =	sdelay $0x1  }
0x356: {  	vm1 =	veq.f32 v6, v34  }
0x357: {  	v9 =	vmctz.xlane vm1;
	_ =	sdelay $0x1  }
0x358: {  	v8 =	vshll.u32 v9, $0x4;
	vm1 =	veq.s32 v9, v37  }
0x359: {  	v0 =	vadd.s32 v8, v0;
	v6 =	vsel vm1, $0x0, v6;
	v7, _, _ =	vpop (xrf0)  }
0x35a: {  	v32 =	vbroadcast v7, $0xF;
	[tilespmem:v1+s15+$0x0] =	vst.idx.msk $0xffff, v6;
	(xrf0) =	vmin.scan.msk.f32 $0xffff, v6;
	_ =	sdelay $0x1  }
0x35b: {  	vm1 =	veq.f32 v29, v32  }
0x35c: {  	v24 =	vmctz.xlane vm1;
	vm1 =	veq.s32 v4, v51  }
0x35d: {  	vm3 =	veq.s32 v4, v47;
	vm4 =	veq.s32 v4, v41;
	vm2 =	veq.s32 v4, v43  }
0x35e: {  	vm5 =	veq.s32 v4, v40;
	vm6 =	veq.s32 v4, v53;
	v1 =	vshll.u32 v24, $0x7  }
0x35f: {  	v6 =	vor.u32 v53, v1;
	v7 =	vor.u32 v43, v1;
	v8 =	vor.u32 v51, v1;
	v9, _, _ =	vpop (xrf0)  }
0x360: {  	v10 =	vor.u32 v47, v1;
	v11 =	vor.u32 v41, v1;
	v9 =	vbroadcast v9, $0xF  }
0x361: {  	vm7 =	veq.s32 v4, v37;
	vm8 =	veq.s32 v4, v38;
	v12 =	vor.u32 v40, v1  }
0x362: {  	[tilespmem:v5+s16+$0x0] =	vst.idx.msk $0x1, v9;
	v3 =	vsel vm7, v9, v3;
	v2 =	vsel vm8, v9, v2  }
0x363: {  	[tilespmem:v35+s23+$0x0] =	vst.idx.msk $0x1, v0;
	v0 =	vmin.f32 v3, v2;
	v2 =	vsel vm5, v9, v31  }
0x364: {  	[tilespmem:v35+s24+$0x0] =	vst.idx.msk $0x1, v34;
	v0 =	vmin.f32 v0, v2;
	v2 =	vsel vm6, v9, v28  }
0x365: {  	v3 =	vsel vm4, v9, v27;
	v28 =	vld.idx.msk [tilespmem:v8+s14+$0x0], $0xffff;
	v0 =	vmin.f32 v0, v2;
	v2 =	vsel vm3, v9, v30  }
0x366: {  	v4 =	vor.u32 v38, v1;
	v31 =	vld.idx.msk [tilespmem:v7+s14+$0x0], $0xffff;
	v0 =	vmin.f32 v0, v2;
	v2 =	vsel vm2, v9, v25  }
0x367: {  	v5 =	vor.u32 v37, v1;
	v30 =	vld.idx.msk [tilespmem:v11+s14+$0x0], $0xffff;
	v0 =	vmin.f32 v0, v3;
	v3 =	vsel vm1, v9, v26  }
0x368: {  	v25 =	vld.idx.msk [tilespmem:v10+s14+$0x0], $0xffff;
	v0 =	vmin.f32 v0, v2  }
0x369: {  	v26 =	vld.idx.msk [tilespmem:v6+s14+$0x0], $0xffff;
	v0 =	vmin.f32 v0, v3  }
0x36a: {  	v27 =	vld.idx.msk [tilespmem:v12+s14+$0x0], $0xffff;
	(xrf0) =	vmin.scan.msk.f32 $0xffff, v0  }
0x36b: {  	vm1 =	veq.f32 v28, v32;
	v33 =	vld.idx.msk [tilespmem:v4+s14+$0x0], $0xffff  }
0x36c: {  	vm2 =	veq.f32 v31, v32;
	v0 =	vnsel vm1, $0x80000080, v42;
	v36 =	vld.idx.msk [tilespmem:v5+s14+$0x0], $0xffff  }
.Ltmp4:
0x36d: {  	vm1 =	veq.f32 v30, v32;
	v0 =	vsel vm2, v44, v0;
	(pc) =	sbr.rel @p1 .LBB2_11-.Ltmp4, $4  }
0x36e: {  	vm2 =	veq.f32 v25, v32;
	v0 =	vsel vm1, v46, v0  }
0x36f: {  	vm1 =	veq.f32 v26, v32;
	v0 =	vsel vm2, v52, v0  }
0x370: {  	vm2 =	veq.f32 v27, v32;
	v0 =	vsel vm1, v54, v0;
	v2, _, _ =	vpop (xrf0)  }
0x371: {  	vm1 =	veq.f32 v33, v32;
	v6 =	vsel vm2, v55, v0;
	v2 =	vbroadcast v2, $0xF  }
0x372: {  	vm2 =	veq.f32 v36, v32;
	v0 =	vsel vm1, v56, v6  }
0x373: {  	v0 =	vsel vm2, v57, v0  }
0x374: {  	(xrf0) =	vmin.scan.msk.u32 $0xffff, v0;
	_ =	sdelay $0x5  }
0x375: {  	v0, _, _ =	vpop (xrf0)  }
0x376: {  	(v2sf) =	vpush v0, $0xF;
	_ =	sdelay $0xe  }
0x377: {  	s0 =	spop (v2sf)  }
0x378: {  	s0 =	sxor.u32 $0x80000000, s0  }
0x379: {  	v0 =	vmov s0  }
0x37a: {  	v3 =	vshll.u32 v0, $0x8  }
0x37b: {  	v3 =	vadd.s32 v24, v3  }
0x37c: {  	v4 =	vadd.s32 v58, v3;
	_ =	sdelay $0x4  }
0x37d: {  	v5 =	vld.idx.msk [tilespmem:v4+s15+$0x0], $0xffff;
	_ =	sdelay $0x1  }
0x37e: {  	v2 =	vsel vm0, v2, v23  }
0x37f: {  	(xrf0) =	vmin.scan.msk.f32 $0xffff, v2;
	_ =	sdelay $0x1  }
0x380: {  	vm12 =	veq.f32 v5, v32  }
0x381: {  	v32 =	vmctz.xlane vm12;
	_ =	sdelay $0x1  }
0x382: {  	vm0 =	veq.s32 v32, v37  }
0x383: {  	v7, _, _ =	vpop (xrf0);
	v5 =	vsel vm0, $0x0, v5  }
0x384: {  	v34 =	vbroadcast v7, $0xF;
	(xrf0) =	vmax.scan.msk.f32 $0xffff, v5;
	_ =	sdelay $0x1  }
0x385: {  	vm13 =	veq.f32 v2, v34  }
0x386: {  	v2 =	vmctz.xlane vm13  }
0x387: {  	v35 =	vadd.s32 s0, v1  }
0x388: {  	v8 =	vshll.u32 v2, $0x7;
	v1 =	vmov s29  }
0x389: {  	v9 =	vor.u32 v51, v8;
	v10, _, _ =	vpop (xrf0)  }
0x38a: {  	v11 =	vor.u32 v43, v8;
	v10 =	vbroadcast v10, $0xF  }
0x38b: {  	v39 =	vor.u32 v53, v8;
	v6 =	vshll.u32 v32, $0x4;
	[tilespmem:v4+s15+$0x0] =	vst.idx.msk $0xffff, v5;
	v4 =	vor.u32 v41, v8  }
0x38c: {  	v3 =	vadd.s32 v6, v3;
	v5 =	vor.u32 v47, v8;
	[tilespmem:v35+s14+$0x0] =	vst.idx.msk $0x1, v10  }
0x38d: {  	v45 =	vor.u32 v40, v8;
	v14 =	vor.u32 v38, v8;
	[tilespmem:v1+s22+$0x0] =	vst.idx.msk $0x1, v3  }
0x38e: {  	v48 =	vor.u32 v37, v8;
	vm14 =	veq.s32 v0, v53;
	vm15 =	veq.s32 v0, v51;
	v9 =	vld.idx.msk [tilespmem:v9+s16+$0x0], $0xffff  }
0x38f: {  	vm7 =	veq.s32 v0, v38;
	vm3 =	veq.s32 v0, v37;
	vm8 =	veq.s32 v0, v40;
	v11 =	vld.idx.msk [tilespmem:v11+s16+$0x0], $0xffff  }
0x390: {  	vm9 =	veq.s32 v0, v41;
	vm4 =	veq.s32 v0, v47;
	vm10 =	veq.s32 v0, v43;
	v4 =	vld.idx.msk [tilespmem:v4+s16+$0x0], $0xffff  }
0x391: {  	v12 =	vsel vm3, v10, v36;
	v13 =	vsel vm7, v10, v33;
	v15 =	vsel vm8, v10, v27;
	v5 =	vld.idx.msk [tilespmem:v5+s16+$0x0], $0xffff  }
0x392: {  	v49 =	vsel vm14, v10, v26;
	v50 =	vsel vm10, v10, v31;
	v16 =	vsel vm4, v10, v25;
	v6 =	vld.idx.msk [tilespmem:v39+s16+$0x0], $0xffff  }
0x393: {  	v17 =	vsel vm9, v10, v30;
	v10 =	vsel vm15, v10, v28;
	v7 =	vld.idx.msk [tilespmem:v45+s16+$0x0], $0xffff;
	vm11 =	veq.f32 v9, v34  }
0x394: {  	v12 =	vmax.f32 v12, v13;
	v59 =	vld.idx.msk [tilespmem:v14+s16+$0x0], $0xffff;
	vm12 =	veq.f32 v11, v34;
	v60 =	vnsel vm11, $0x80000080, v42  }
0x395: {  	v0 =	vmax.f32 v12, v15;
	v13 =	vld.idx.msk [tilespmem:v48+s16+$0x0], $0xffff;
	vm13 =	veq.f32 v4, v34;
	v14 =	vsel vm12, v44, v60  }
0x396: {  	v0 =	vmax.f32 v0, v49;
	vm14 =	veq.f32 v5, v34;
	v14 =	vsel vm13, v46, v14  }
0x397: {  	v0 =	vmax.f32 v0, v16;
	vm15 =	veq.f32 v6, v34;
	v14 =	vsel vm14, v52, v14  }
0x398: {  	v0 =	vmax.f32 v0, v17;
	vm4 =	veq.f32 v7, v34;
	v14 =	vsel vm15, v54, v14  }
0x399: {  	v0 =	vmax.f32 v0, v50;
	vm5 =	veq.f32 v59, v34;
	v14 =	vsel vm4, v55, v14  }
0x39a: {  	v0 =	vmax.f32 v0, v10;
	vm6 =	veq.f32 v13, v34;
	v10 =	vsel vm5, v56, v14  }
0x39b: {  	(xrf0) =	vmax.scan.msk.f32 $0xffff, v0;
	v0 =	vsel vm6, v57, v10  }
0x39c: {  	(xrf0) =	vmin.scan.msk.u32 $0xffff, v0;
	_ =	sdelay $0x4  }
0x39d: {  	v0, _, _ =	vpop (xrf0)  }
0x39e: {  	v0, _, _ =	vpop (xrf0)  }
0x39f: {  	(v2sf) =	vpush v0, $0xF;
	_ =	sdelay $0xe  }
0x3a0: {  	s30 =	spop (v2sf)  }
0x3a1: {  	s0 =	sxor.u32 $0x80000000, s30  }
0x3a2: {  	v0 =	vmov s0  }
0x3a3: {  	v10 =	vshll.u32 v0, $0x8  }
0x3a4: {  	v2 =	vadd.s32 v2, v10  }
0x3a5: {  	v10 =	vadd.s32 v58, v2;
	_ =	sdelay $0x4  }
0x3a6: {  	v61 =	vld.idx.msk [tilespmem:v10+s15+$0x0], $0xffff;
	_ =	sdelay $0x4  }
0x3a7: {  	vm7 =	veq.f32 v61, v34  }
0x3a8: {  	v62 =	vmctz.xlane vm7;
	_ =	sdelay $0x1  }
0x3a9: {  	vm0 =	veq.s32 v62, v37  }
0x3aa: {  	v14 =	vsel vm0, $0x0, v61  }
0x3ab: {  	(xrf0) =	vmin.scan.msk.f32 $0xffff, v14;
	_ =	sdelay $0x5  }
0x3ac: {  	v63, _, _ =	vpop (xrf0)  }
0x3ad: {  	v16 =	vbroadcast v63, $0xF  }
0x3ae: {  	vm8 =	veq.s32 v0, v37;
	vm9 =	veq.s32 v0, v38  }
0x3af: {  	vm10 =	veq.s32 v0, v40;
	v13 =	vsel vm8, v16, v13;
	v12 =	vsel vm9, v16, v59  }
0x3b0: {  	vm11 =	veq.s32 v0, v53;
	v7 =	vsel vm10, v16, v7;
	v12 =	vmin.f32 v13, v12  }
0x3b1: {  	vm12 =	veq.s32 v0, v47;
	v6 =	vsel vm11, v16, v6;
	v7 =	vmin.f32 v12, v7  }
0x3b2: {  	vm13 =	veq.s32 v0, v41;
	v5 =	vsel vm12, v16, v5;
	v6 =	vmin.f32 v7, v6  }
0x3b3: {  	vm14 =	veq.s32 v0, v43;
	v4 =	vsel vm13, v16, v4;
	v5 =	vmin.f32 v6, v5  }
0x3b4: {  	(xrf2) =	vadd.scan.msk.f32 $0xffff, v22;
	vm15 =	veq.s32 v0, v51;
	v0 =	vsel vm14, v16, v11;
	v4 =	vmin.f32 v5, v4  }
0x3b5: {  	(xrf2) =	vadd.scan.msk.f32 $0xffff, v20;
	v5 =	vsel vm15, v16, v9;
	v0 =	vmin.f32 v4, v0  }
0x3b6: {  	v0 =	vmin.f32 v0, v5  }
0x3b7: {  	v3 =	vcvt.s32.f32 v3;
	(xrf0) =	vmin.scan.msk.f32 $0xffff, v0  }
0x3b8: {  	v0 =	vadd.f32 v34, v19  }
0x3b9: {  	v3 =	vadd.f32 v3, v21  }
0x3ba: {  	(xrf0) =	vmin.scan.msk.f32 $0xffff, v0  }
0x3bb: {  	(xrf0) =	vmax.scan.msk.f32 $0xffff, v3;
	_ =	sdelay $0x1  }
0x3bc: {  	v0, _, _ =	vpop (xrf0)  }
0x3bd: {  	v0, _, _ =	vpop (xrf2)  }
0x3be: {  	(v2sf) =	vpush v0, $0xF;
	v0, _, _ =	vpop (xrf2)  }
0x3bf: {  	(v2sf) =	vpush v0, $0xF;
	v0, _, _ =	vpop (xrf0)  }
0x3c0: {  	(v2sf) =	vpush v0, $0xF;
	v0, _, _ =	vpop (xrf0)  }
0x3c1: {  	(v2sf) =	vpush v0, $0xF;
	_ =	sdelay $0x7  }
0x3c2: {  	v0 =	vadd.s32 s0, v8;
	_ =	sdelay $0x3  }
0x3c3: {  	[tilespmem:v10+s15+$0x0] =	vst.idx.msk $0xffff, v14;
	v3 =	vshll.u32 v62, $0x4;
	s0 =	spop (v2sf)  }
0x3c4: {  	v2 =	vadd.s32 v3, v2;
	[tilespmem:v0+s16+$0x0] =	vst.idx.msk $0x1, v16;
	s2 =	spop (v2sf)  }
0x3c5: {  	[tilespmem:v1+s23+$0x0] =	vst.idx.msk $0x1, v2;
	s6 =	spop (v2sf)  }
0x3c6: {  	[tilespmem:v1+s24+$0x0] =	vst.idx.msk $0x1, v34;
	s31 =	spop (v2sf)  }
0x3c7: {  	_ =	swait.ge [sflag:s25], $0x8000  }
0x3c8: {  	[sflag:s25] =	ssyncset.done $0x0  }
0x3c9: {  	[sflag:s25] =	ssyncadd.s32 $0xFFFF8000  }
0x3ca: {  	v0 =	vld [tilespmem:$0x19000];
	_ =	sdelay $0x6  }
0x3cb: {  	v3 =	vimm.f32 $0.0e+00  }
0x3cc: {  	[tilespmem:v0+s20+$0x0] =	vst.idx.msk $0xffff, v3  }
0x3cd: {  	v0 =	vld [tilespmem:$0x19100];
	_ =	sdelay $0x7  }
0x3ce: {  	[tilespmem:v0+s20+$0x0] =	vst.idx.msk $0xffff, v3  }
0x3cf: {  	v0 =	vld [tilespmem:$0x19010];
	_ =	sdelay $0x7  }
0x3d0: {  	[tilespmem:v0+s20+$0x0] =	vst.idx.msk $0xffff, v3  }
0x3d1: {  	v0 =	vld [tilespmem:$0x19110];
	_ =	sdelay $0x7  }
0x3d2: {  	s30 =	sadd.f32 s2, s0;
	[tilespmem:v0+s20+$0x0] =	vst.idx.msk $0xffff, v3  }
0x3d3: {  	v0 =	vld [tilespmem:$0x19080]  }
0x3d4: {  	s30 =	smul.f32 $5.000000000e-01, s30;
	_ =	sdelay $0x1  }
0x3d5: {  	s29 =	ssub.f32 s30, s31;
	_ =	sdelay $0x1  }
0x3d6: {  	s29 =	smul.f32 $6.260000230e+00, s29;
	v1 =	vcvt.s32.f32 v0;
	_ =	sdelay $0x1  }
0x3d7: {  	s0 =	ssub.f32 s0, s2;
	v1 =	vadd.f32 s29, v1;
	_ =	sdelay $0x1  }
0x3d8: {  	s0 =	smul.f32 $5.000000000e-01, s0;
	[tilespmem:v0+s20+$0x0] =	vst.idx.msk $0xffff, v1  }
0x3d9: {  	v0 =	vld [tilespmem:$0x19180]  }
0x3da: {  	s0 =	ssub.f32 s6, s0;
	v1 =	vld [tilespmem:$0x19280];
	_ =	sdelay $0x1  }
0x3db: {  	s0 =	smul.f32 $6.260000230e+00, s0;
	_ =	sdelay $0x1  }
0x3dc: {  	v2 =	vmov s0  }
0x3dd: {  	v1 =	vsub.f32 v1, v2;
	_ =	sdelay $0x1  }
0x3de: {  	[tilespmem:v0+s20+$0x0] =	vst.idx.msk $0xffff, v1  }
0x3df: {  	v0 =	vld [tilespmem:$0x19090];
	_ =	sdelay $0x4  }
0x3e0: {  	v1 =	vcvt.s32.f32 v0;
	_ =	sdelay $0x1  }
0x3e1: {  	v1 =	vadd.f32 s29, v1;
	_ =	sdelay $0x1  }
0x3e2: {  	[tilespmem:v0+s20+$0x0] =	vst.idx.msk $0xffff, v1  }
0x3e3: {  	v0 =	vld [tilespmem:$0x19190]  }
0x3e4: {  	v1 =	vld [tilespmem:$0x19290];
	_ =	sdelay $0x3  }
.Ltmp5:
0x3e5: {  	_ = 	snop;
	(pc) =	sbr.rel @p0 .LBB2_4-.Ltmp5, $4  }
0x3e6: {  	v1 =	vsub.f32 v1, v2  }
0x3e7: {  	p2 =	por $0x0, $0x0  }
0x3e8: {  	p1 =	por $0x1, $0x1;
	s31 =	sadd.s32 s3, s28;
	s0 =	simm.s32 $0x20;
	[tilespmem:v0+s20+$0x0] =	vst.idx.msk $0xffff, v1  }
0x3e9: {  	v10 =	vld [tilespmem:$0x1FEF0];
	[hbm4b:s31+s11] =	stream.strided.scatter [tilespmem:s20], [sflag:$0x3], $0x8000, s12, s11, $0x38  }
0x3ea: {  	s26 =	sadd.s32 $0x1, s26  }
0x3eb: {  	p0 =	sne.s32 s26, s9  }
.Ltmp6:
0x3ec: {  	_ = 	snop;
	(pc) =	sbr.rel @p0 .LBB2_1-.Ltmp6, $4  }
0x3ed: {  	_ = 	snop  }
0x3ee: {  	_ =	swait.ge [sflag:s25], $0x8000  }
0x3ef: {  	[sflag:s25] =	ssyncset.done $0x0  }
0x3f0: {  	[sflag:s25] =	ssyncadd.s32 $0xFFFF8000  }
0x3f1: {  	_ =	sfence.sel $0x180000  }
0x3f2: {  	[bflag:$0x0] =	sbarrier.arrive $0xFFFF  }
0x3f3: {  	_ =	strace $0x90000047  }
0x3f4: {  	s0 =	stileid.u32;
	[bflag:$0x2] =	sbarrier.arrive $0xFFFF  }
0x3f5: {  	p0 =	sne.s32 s0, $0x0;
	s0 =	rddreg [dreg:$0x2]  }
0x3f6: {  	s0 =	sadd.s32 @!p0 $0x100000, s0  }
0x3f7: {  	[sflag:s0] =	ssyncadd.tile.s32 @!p0 $0x1;
	_ =	shalt  }
.Lfunc_end2:
_tile_overlayer_lowered:
.L_overlay_start_2:
0x3f8: {  	(tag) =	ssettag $0x2  }
0x3f9: {  	s0 =	rddreg [dreg:$0x0];
	s2 =	stileid.u32  }
0x3fa: {  	s1 =	rddreg [dreg:$0x1];
	p0 =	sne.s32 s2, $0x0  }
0x3fb: {  	s3 =	rddreg [dreg:$0x2];
	[bflag:$0x3] =	sbarrier.arrive $0xFFFF;
	s2 =	simm.s32 @!p0 $0x1C04  }
0x3fc: {  	[timem:s3], [sflag:s2] =	dma.local @!p0 [hbm:s0], s1  }
0x3fd: {  	s0 =	simm.s32 @!p0 $0x4  }
0x3fe: {  	_ =	swait.ge @!p0 [sflag:s0], s1  }
0x3ff: {  	s1 =	ssub.s32 @!p0 $0x0, s1;
	[sflag:s0] =	ssyncset.done @!p0 $0x0  }
0x400: {  	[sflag:s0] =	ssyncadd.s32 @!p0 s1  }
0x401: {  	[bflag:$0x3] =	sbarrier.arrive $0xFFFF  }
0x402: {  	_ =	shalt  }

</sc_bundles>
